<compile_context>
chip_gen: v7x
topology: tpu7x:2x2x1
jax: 0.10.2.dev20260603
libtpu: 0.0.44.dev20260713+nightly
codegen_flags: <defaults>
</compile_context>

<pallas_src>
import functools

import jax
import jax.numpy as jnp
from jax import lax
from jax.experimental import pallas as pl
from jax.experimental.pallas import tpu as pltpu
from jax.experimental.pallas import tpu_sc as plsc

N = 10000
C = 128
E = 320000
DE = 16

NPAD = 10240
EPAD = 327680
NC = 2
NS = 16
NHALF = NPAD // NC
SOUT_ROWS = NHALF + 8
NBN = 10
BN = NPAD // NBN
NBE = 160
BE = EPAD // NBE
EROWS = EPAD // 128
G1 = EROWS // NS
NSLICE = NPAD // NS
OSLICE = NHALF // NS



def _nt1_body(x_ref, w_ref, asr_ref, adr_ref, h_ref, as_ref, ad_ref):
    h = jnp.dot(x_ref[...], w_ref[...], preferred_element_type=jnp.float32)
    h_ref[...] = h
    as_ref[...] = jnp.sum(h * asr_ref[...], axis=1).reshape(1, 1, BN)
    ad_ref[...] = jnp.sum(h * adr_ref[...], axis=1).reshape(1, 1, BN)


def _node_transform1(x, W, att_src, att_dst):
    h, a_s, a_d = pl.pallas_call(
        _nt1_body,
        grid=(NBN,),
        in_specs=[
            pl.BlockSpec((BN, C), lambda i: (i, 0)),
            pl.BlockSpec((C, C), lambda i: (0, 0)),
            pl.BlockSpec((1, C), lambda i: (0, 0)),
            pl.BlockSpec((1, C), lambda i: (0, 0)),
        ],
        out_specs=[
            pl.BlockSpec((BN, C), lambda i: (i, 0)),
            pl.BlockSpec((1, 1, BN), lambda i: (i, 0, 0)),
            pl.BlockSpec((1, 1, BN), lambda i: (i, 0, 0)),
        ],
        out_shape=[
            jax.ShapeDtypeStruct((NPAD, C), jnp.float32),
            jax.ShapeDtypeStruct((NBN, 1, BN), jnp.float32),
            jax.ShapeDtypeStruct((NBN, 1, BN), jnp.float32),
        ],
    )(x, W, att_src.reshape(1, C), att_dst.reshape(1, C))
    return h, a_s.reshape(NPAD), a_d.reshape(NPAD)


def _nt2_body(p_ref, b_ref, w_ref, asr_ref, adr_ref, h_ref, as_ref, ad_ref):
    hm = jnp.maximum(p_ref[...] + b_ref[...], 0.0)
    h = jnp.dot(hm, w_ref[...], preferred_element_type=jnp.float32)
    h_ref[...] = h
    as_ref[...] = jnp.sum(h * asr_ref[...], axis=1).reshape(1, 1, BN)
    ad_ref[...] = jnp.sum(h * adr_ref[...], axis=1).reshape(1, 1, BN)


def _node_transform2(psum, b, W, att_src, att_dst):
    h, a_s, a_d = pl.pallas_call(
        _nt2_body,
        grid=(NBN,),
        in_specs=[
            pl.BlockSpec((BN, C), lambda i: (i, 0)),
            pl.BlockSpec((1, C), lambda i: (0, 0)),
            pl.BlockSpec((C, C), lambda i: (0, 0)),
            pl.BlockSpec((1, C), lambda i: (0, 0)),
            pl.BlockSpec((1, C), lambda i: (0, 0)),
        ],
        out_specs=[
            pl.BlockSpec((BN, C), lambda i: (i, 0)),
            pl.BlockSpec((1, 1, BN), lambda i: (i, 0, 0)),
            pl.BlockSpec((1, 1, BN), lambda i: (i, 0, 0)),
        ],
        out_shape=[
            jax.ShapeDtypeStruct((NPAD, C), jnp.float32),
            jax.ShapeDtypeStruct((NBN, 1, BN), jnp.float32),
            jax.ShapeDtypeStruct((NBN, 1, BN), jnp.float32),
        ],
    )(psum, b.reshape(1, C), W, att_src.reshape(1, C), att_dst.reshape(1, C))
    return h, a_s.reshape(NPAD), a_d.reshape(NPAD)


def _ec_body(ea_ref, we_ref, ate_ref, out_ref):
    v = jnp.sum(we_ref[...] * ate_ref[...], axis=1)
    ae = jnp.sum(ea_ref[...] * v[None, :], axis=1)
    out_ref[...] = ae.reshape(1, 1, BE)


def _edge_coef(ea, W_edge, att_edge):
    ae = pl.pallas_call(
        _ec_body,
        grid=(NBE,),
        in_specs=[
            pl.BlockSpec((BE, DE), lambda i: (i, 0)),
            pl.BlockSpec((DE, C), lambda i: (0, 0)),
            pl.BlockSpec((1, C), lambda i: (0, 0)),
        ],
        out_specs=pl.BlockSpec((1, 1, BE), lambda i: (i, 0, 0)),
        out_shape=jax.ShapeDtypeStruct((NBE, 1, BE), jnp.float32),
    )(ea, W_edge, att_edge.reshape(1, C))
    return ae.reshape(EPAD)


def _comb_body(p_ref, b_ref, out_ref):
    out_ref[...] = p_ref[...] + b_ref[...]


def _combine(psum, b):
    return pl.pallas_call(
        _comb_body,
        grid=(NBN,),
        in_specs=[
            pl.BlockSpec((BN, C), lambda i: (i, 0)),
            pl.BlockSpec((1, C), lambda i: (0, 0)),
        ],
        out_specs=pl.BlockSpec((BN, C), lambda i: (i, 0)),
        out_shape=jax.ShapeDtypeStruct((NPAD, C), jnp.float32),
    )(psum, b.reshape(1, C))



HG = G1 // 2


def _edge_pass_body(src_hbm, dst_hbm, ae_hbm, as_hbm, ad_hbm, h_hbm,
                    out_hbm,
                    a_s_v, a_d_v, denom2, idx80, src_all, dst_all, ae_all,
                    srcv0, dstw_v, coef_v, rows0_v, rows1_v,
                    sout, gsem0):
    c = lax.axis_index("c")
    s = lax.axis_index("s")
    base = s * NSLICE
    obase = s * OSLICE

    pltpu.sync_copy(as_hbm, a_s_v)
    pltpu.sync_copy(ad_hbm, a_d_v)

    def _zden(i, _):
        j = i // 8
        k = i % 8
        denom2[j, pl.ds(k * 16, 16)] = jnp.zeros((16,), jnp.float32)
        return 0
    lax.fori_loop(0, (NPAD // 128) * 8, _zden, 0)
    for i in range(NPAD // 128 // 16):
        idx80[pl.ds(i * 16, 16)] = lax.iota(jnp.int32, 16) + i * 16

    def _zrow(i, _):
        j = i // 8
        k = i % 8
        rows0_v[j, pl.ds(k * 16, 16)] = jnp.zeros((16,), jnp.float32)
        return 0
    lax.fori_loop(0, 128 * 8, _zrow, 0)

    for chunk in range(2):
        gi0 = s * G1 + chunk * HG
        pltpu.sync_copy(src_hbm.at[pl.ds(gi0, HG)], src_all)
        pltpu.sync_copy(dst_hbm.at[pl.ds(gi0, HG)], dst_all)
        pltpu.sync_copy(ae_hbm.at[pl.ds(gi0, HG)], ae_all)

        def _p1(g, _):
            def _sub(k, _):
                sl = pl.ds(k * 16, 16)
                s16 = src_all[g, sl]
                d16 = dst_all[g, sl]
                aev = ae_all[g, sl]
                al = plsc.load_gather(a_s_v, [s16]) \
                    + plsc.load_gather(a_d_v, [d16]) + aev
                al = jnp.where(al >= 0.0, al, al * 0.2)
                ex = jnp.exp(al)
                plsc.addupdate_scatter(
                    denom2,
                    [lax.shift_right_logical(d16, 7), d16 & 127], ex)
                return 0
            lax.fori_loop(0, 8, _sub, 0)
            return 0
        lax.fori_loop(0, HG, _p1, 0)

    @pl.when(s == 0)
    def _pub():
        pltpu.sync_copy(denom2, sout.at[pl.ds(0, NPAD // 128), :])
    plsc.subcore_barrier()

    @pl.when(s != 0)
    def _acc():
        pltpu.sync_copy(denom2, sout.at[idx80], add=True)
    plsc.subcore_barrier()
    pltpu.sync_copy(sout.at[pl.ds(0, NPAD // 128), :], denom2)
    plsc.subcore_barrier()

    pltpu.sync_copy(rows0_v, sout.at[pl.ds(obase, 128), :])
    pltpu.sync_copy(rows0_v, sout.at[pl.ds(obase + 128, 128), :])
    pltpu.sync_copy(rows0_v.at[pl.ds(0, 64), :],
                    sout.at[pl.ds(obase + 256, 64), :])

    @pl.when(s == 0)
    def _zero_trash():
        pltpu.sync_copy(rows0_v.at[pl.ds(0, 8), :],
                        sout.at[pl.ds(NHALF, 8), :])
    plsc.subcore_barrier()

    roff = c * NHALF

    def _process(g, rows_v):
        def _sub(k, _):
            sl = pl.ds(k * 16, 16)
            s16 = src_all[g, sl]
            d16 = dst_all[g, sl]
            aev = ae_all[g, sl]
            al = plsc.load_gather(a_s_v, [s16]) \
                + plsc.load_gather(a_d_v, [d16]) + aev
            al = jnp.where(al >= 0.0, al, al * 0.2)
            ex = jnp.exp(al)
            den = plsc.load_gather(
                denom2, [lax.shift_right_logical(d16, 7), d16 & 127])
            coef_v[sl] = ex / (den + 1e-16)
            rel = d16 - roff
            ok = (rel >= 0) & (rel < NHALF)
            dstw_v[sl] = jnp.where(ok, rel, NHALF)
            return 0
        lax.fori_loop(0, 8, _sub, 0)

        def _scale(j, _):
            csc = plsc.load_gather(coef_v, [jnp.full((16,), j, jnp.int32)])
            for k in range(8):
                sl = pl.ds(k * 16, 16)
                rows_v[j, sl] = rows_v[j, sl] * csc
            return 0
        lax.fori_loop(0, 128, _scale, 0)

        pltpu.sync_copy(rows_v, sout.at[dstw_v], add=True)

    for chunk in range(2):
        gi0 = s * G1 + chunk * HG
        pltpu.sync_copy(src_hbm.at[pl.ds(gi0, HG)], src_all)
        pltpu.sync_copy(dst_hbm.at[pl.ds(gi0, HG)], dst_all)
        pltpu.sync_copy(ae_hbm.at[pl.ds(gi0, HG)], ae_all)

        def _g(g, _):
            pltpu.sync_copy(src_hbm.at[gi0 + g], srcv0)
            pltpu.sync_copy(h_hbm.at[srcv0], rows0_v)
            _process(g, rows0_v)
            return 0
        lax.fori_loop(0, HG, _g, 0)

    plsc.subcore_barrier()
    pltpu.sync_copy(sout.at[pl.ds(obase, OSLICE), :],
                    out_hbm.at[c, pl.ds(obase, OSLICE), :])


_edge_pass = functools.partial(
    pl.kernel,
    out_type=jax.ShapeDtypeStruct((NC, NHALF, C), jnp.float32),
    mesh=plsc.VectorSubcoreMesh(core_axis_name="c", subcore_axis_name="s"),
    compiler_params=pltpu.CompilerParams(needs_layout_passes=False),
    scratch_types=[
        pltpu.VMEM((NPAD,), jnp.float32),
        pltpu.VMEM((NPAD,), jnp.float32),
        pltpu.VMEM((NPAD // 128, 128), jnp.float32),
        pltpu.VMEM((NPAD // 128,), jnp.int32),
        pltpu.VMEM((HG, 128), jnp.int32),
        pltpu.VMEM((HG, 128), jnp.int32),
        pltpu.VMEM((HG, 128), jnp.float32),
        pltpu.VMEM((128,), jnp.int32),
        pltpu.VMEM((128,), jnp.int32),
        pltpu.VMEM((128,), jnp.float32),
        pltpu.VMEM((128, C), jnp.float32),
        pltpu.VMEM((128, C), jnp.float32),
        pltpu.VMEM_SHARED((SOUT_ROWS, C), jnp.float32),
        pltpu.SemaphoreType.DMA,
    ],
)(_edge_pass_body)



def kernel(x, edge_index, edge_attr,
           W1, att_src1, att_dst1, att_edge1, W_edge1, b1,
           W2, att_src2, att_dst2, att_edge2, W_edge2, b2):
    src = edge_index[0].astype(jnp.int32)
    dst = edge_index[1].astype(jnp.int32)
    src_p = jnp.pad(src, (0, EPAD - E)).reshape(EROWS, 128)
    dst_p = jnp.pad(dst, (0, EPAD - E),
                    constant_values=NPAD - 1).reshape(EROWS, 128)
    ea_p = jnp.pad(edge_attr.astype(jnp.float32), ((0, EPAD - E), (0, 0)))
    x_p = jnp.pad(x, ((0, NPAD - N), (0, 0)))

    ae1 = _edge_coef(ea_p, W_edge1, att_edge1).reshape(EROWS, 128)
    ae2 = _edge_coef(ea_p, W_edge2, att_edge2).reshape(EROWS, 128)

    h1, a1s, a1d = _node_transform1(x_p, W1, att_src1, att_dst1)
    parts1 = _edge_pass(src_p, dst_p, ae1, a1s, a1d, h1).reshape(NPAD, C)

    h2, a2s, a2d = _node_transform2(parts1, b1, W2, att_src2, att_dst2)
    parts2 = _edge_pass(src_p, dst_p, ae2, a2s, a2d, h2).reshape(NPAD, C)

    out = _combine(parts2, b2)
    return out[:N]

# --- scband reference (transcript-rebuilt; emitter-appended) ---
"""Pipeline reference for scband-gnn-61555471286611 (READ-ONLY COPY).

The authoritative reference and input builder live on the scoring server;
editing this copy changes nothing except your own understanding.
"""

import jax, jax.numpy as jnp
import numpy as np

N = 10000
E = 320000
C = 128
DE = 16


def _gat_conv(x, edge_index, edge_attr, W, att_src, att_dst, att_edge, W_edge, bias):
    src = edge_index[0]
    dst = edge_index[1]
    h = x @ W                                   # [N, C] linear transform
    a_src = (h * att_src).sum(-1)               # [N]
    a_dst = (h * att_dst).sum(-1)               # [N]
    e = edge_attr @ W_edge                      # [E, C]
    a_edge = (e * att_edge).sum(-1)             # [E]
    alpha = a_src[src] + a_dst[dst] + a_edge    # [E]
    alpha = jax.nn.leaky_relu(alpha, negative_slope=0.2)
    amax = jax.ops.segment_max(alpha, dst, num_segments=N)
    amax = jnp.where(jnp.isfinite(amax), amax, 0.0)
    amax = jax.lax.stop_gradient(amax)
    ex = jnp.exp(alpha - amax[dst])
    denom = jax.ops.segment_sum(ex, dst, num_segments=N)
    coef = ex / (denom[dst] + 1e-16)            # softmax over incoming edges per dst
    msg = h[src] * coef[:, None]                # [E, C]
    out = jax.ops.segment_sum(msg, dst, num_segments=N)
    return out + bias


def setup_inputs(seed: int = 0) -> dict:
    key = jax.random.key(seed)
    ks = jax.random.split(key, 16)
    inp = {}
    inp["x"] = jax.random.normal(ks[0], (N, C), dtype=jnp.float32)
    inp["edge_index"] = jax.random.randint(ks[1], (2, E), 0, N, dtype=jnp.int64)
    inp["edge_attr"] = jax.random.normal(ks[2], (E, DE), dtype=jnp.float32)
    # conv1 params
    inp["W1"] = jax.random.normal(ks[3], (C, C), dtype=jnp.float32) * 0.05
    inp["att_src1"] = jax.random.normal(ks[4], (C,), dtype=jnp.float32) * 0.05
    inp["att_dst1"] = jax.random.normal(ks[5], (C,), dtype=jnp.float32) * 0.05
    inp["att_edge1"] = jax.random.normal(ks[6], (C,), dtype=jnp.float32) * 0.05
    inp["W_edge1"] = jax.random.normal(ks[7], (DE, C), dtype=jnp.float32) * 0.05
    inp["b1"] = jnp.zeros((C,), dtype=jnp.float32)
    # conv2 params
    inp["W2"] = jax.random.normal(ks[8], (C, C), dtype=jnp.float32) * 0.05
    inp["att_src2"] = jax.random.normal(ks[9], (C,), dtype=jnp.float32) * 0.05
    inp["att_dst2"] = jax.random.normal(ks[10], (C,), dtype=jnp.float32) * 0.05
    inp["att_edge2"] = jax.random.normal(ks[11], (C,), dtype=jnp.float32) * 0.05
    inp["W_edge2"] = jax.random.normal(ks[12], (DE, C), dtype=jnp.float32) * 0.05
    inp["b2"] = jnp.zeros((C,), dtype=jnp.float32)
    return inp


def reference(x, edge_index, edge_attr,
              W1, att_src1, att_dst1, att_edge1, W_edge1, b1,
              W2, att_src2, att_dst2, att_edge2, W_edge2, b2):
    h = _gat_conv(x, edge_index, edge_attr, W1, att_src1, att_dst1, att_edge1, W_edge1, b1)
    h = jax.nn.relu(h)
    out = _gat_conv(h, edge_index, edge_attr, W2, att_src2, att_dst2, att_edge2, W_edge2, b2)
    return out

if __name__ == "__main__":
    import jax
    _d = setup_inputs()
    print(jax.jit(kernel)(*tuple(_d.values())))

</pallas_src>

<mosaic_0001>
#map = affine_map<(d0, d1) -> (0, 0)>
#map1 = affine_map<(d0, d1) -> (0)>
#map2 = affine_map<(d0, d1) -> (0, 0, 0)>
module attributes {stable_mosaic.version = 14 : i64} {
  func.func @_edge_pass_body(%arg0: i32, %arg1: i32, %arg2: memref<2560x128xi32, #tpu.memory_space<hbm>>, %arg3: memref<2560x128xi32, #tpu.memory_space<hbm>>, %arg4: memref<2560x128xf32, #tpu.memory_space<hbm>>, %arg5: memref<10240xf32, #tpu.memory_space<hbm>>, %arg6: memref<10240xf32, #tpu.memory_space<hbm>>, %arg7: memref<10240x128xf32, #tpu.memory_space<hbm>>, %arg8: memref<2x5120x128xf32, #tpu.memory_space<hbm>>, %arg9: memref<10240xf32, #tpu.memory_space<vmem>>, %arg10: memref<10240xf32, #tpu.memory_space<vmem>>, %arg11: memref<80x128xf32, #tpu.memory_space<vmem>>, %arg12: memref<80xi32, #tpu.memory_space<vmem>>, %arg13: memref<80x128xi32, #tpu.memory_space<vmem>>, %arg14: memref<80x128xi32, #tpu.memory_space<vmem>>, %arg15: memref<80x128xf32, #tpu.memory_space<vmem>>, %arg16: memref<128xi32, #tpu.memory_space<vmem>>, %arg17: memref<128xi32, #tpu.memory_space<vmem>>, %arg18: memref<128xf32, #tpu.memory_space<vmem>>, %arg19: memref<128x128xf32, #tpu.memory_space<vmem>>, %arg20: memref<128x128xf32, #tpu.memory_space<vmem>>, %arg21: memref<5128x128xf32, #tpu.memory_space<vmem_shared>>, %arg22: memref<!tpu.dma_semaphore, #tpu.memory_space<semaphore_mem>>) attributes {dimension_semantics = [#tpu.dimension_semantics<core_parallel>, #tpu.dimension_semantics<subcore_parallel>], iteration_bounds = array<i64: 2, 16>, scalar_prefetch = 0 : i64, scratch_operands = 14 : i64, tpu.core_type = #tpu.core_type<sc_vector_subcore>, window_params = [{transform_indices = #map}, {transform_indices = #map}, {transform_indices = #map}, {transform_indices = #map1}, {transform_indices = #map1}, {transform_indices = #map}, {transform_indices = #map2}]} {
    %mul3A = arith.constant 640 : i32
    %mul3A_0 = arith.muli %arg1, %mul3A : i32
    %mul3A_1 = arith.constant 320 : i32
    %mul3A_2 = arith.muli %arg1, %mul3A_1 : i32
    "tpu.region"() ({
      %run_scoped3A = tpu.sem_alloc : memref<!tpu.dma_semaphore, #tpu.memory_space<semaphore_mem>>
      tpu.enqueue_dma source(%arg5 : memref<10240xf32, #tpu.memory_space<hbm>>) target(%arg9 : memref<10240xf32, #tpu.memory_space<vmem>>) target_semaphore(%run_scoped3A : memref<!tpu.dma_semaphore, #tpu.memory_space<semaphore_mem>>)
      tpu.wait_dma2 semaphore(%run_scoped3A : memref<!tpu.dma_semaphore, #tpu.memory_space<semaphore_mem>>) src(%arg5 : memref<10240xf32, #tpu.memory_space<hbm>>) dst(%arg9 : memref<10240xf32, #tpu.memory_space<vmem>>)
      tpu.yield
    }) : () -> ()
    "tpu.region"() ({
      %run_scoped3A = tpu.sem_alloc : memref<!tpu.dma_semaphore, #tpu.memory_space<semaphore_mem>>
      tpu.enqueue_dma source(%arg6 : memref<10240xf32, #tpu.memory_space<hbm>>) target(%arg10 : memref<10240xf32, #tpu.memory_space<vmem>>) target_semaphore(%run_scoped3A : memref<!tpu.dma_semaphore, #tpu.memory_space<semaphore_mem>>)
      tpu.wait_dma2 semaphore(%run_scoped3A : memref<!tpu.dma_semaphore, #tpu.memory_space<semaphore_mem>>) src(%arg6 : memref<10240xf32, #tpu.memory_space<hbm>>) dst(%arg10 : memref<10240xf32, #tpu.memory_space<vmem>>)
      tpu.yield
    }) : () -> ()
    %scan3A = arith.constant 0 : i32
    %scan3A_3 = arith.constant 0 : i32
    %scan3A_4 = arith.constant 640 : i32
    %scan3A_5 = arith.addi %scan3A_3, %scan3A_4 : i32
    %scan3A_6 = arith.constant 1 : i32
    %scan3A_7 = scf.for %scan3A_108 = %scan3A_3 to %scan3A_5 step %scan3A_6 iter_args(%scan3A_109 = %scan3A) -> (i32)  : i32 {
      %jit3A = arith.constant 8 : i32
      %div3A = arith.divsi %scan3A_108, %jit3A : i32
      %sign3A = arith.constant 0 : i32
      %sign3A_110 = arith.cmpi sgt, %scan3A_108, %sign3A : i32
      %sign3A_111 = arith.extui %sign3A_110 : i1 to i32
      %sign3A_112 = arith.constant 0 : i32
      %sign3A_113 = arith.cmpi slt, %scan3A_108, %sign3A_112 : i32
      %sign3A_114 = arith.extui %sign3A_113 : i1 to i32
      %sign3A_115 = arith.subi %sign3A_111, %sign3A_114 : i32
      %sign3A_116 = arith.constant 0 : i32
      %sign3A_117 = arith.cmpi sgt, %jit3A, %sign3A_116 : i32
      %sign3A_118 = arith.extui %sign3A_117 : i1 to i32
      %sign3A_119 = arith.constant 0 : i32
      %sign3A_120 = arith.cmpi slt, %jit3A, %sign3A_119 : i32
      %sign3A_121 = arith.extui %sign3A_120 : i1 to i32
      %sign3A_122 = arith.subi %sign3A_118, %sign3A_121 : i32
      %ne3A_123 = arith.cmpi ne, %sign3A_115, %sign3A_122 : i32
      %rem3A = arith.remsi %scan3A_108, %jit3A : i32
      %ne3A_124 = arith.constant 0 : i32
      %ne3A_125 = arith.cmpi ne, %rem3A, %ne3A_124 : i32
      %and3A = arith.andi %ne3A_123, %ne3A_125 : i1
      %sub3A = arith.constant 1 : i32
      %sub3A_126 = arith.subi %div3A, %sub3A : i32
      %select_n3A = arith.select %and3A, %sub3A_126, %div3A : i32
      %jit3A_127 = arith.constant 8 : i32
      %eq3A_128 = arith.constant 0 : i32
      %eq3A_129 = arith.cmpi eq, %jit3A_127, %eq3A_128 : i32
      %jit3A_130 = arith.constant 1 : i32
      %select_n3A_131 = arith.select %eq3A_129, %jit3A_130, %jit3A_127 : i32
      %rem3A_132 = arith.remsi %scan3A_108, %select_n3A_131 : i32
      %ne3A_133 = arith.constant 0 : i32
      %ne3A_134 = arith.cmpi ne, %rem3A_132, %ne3A_133 : i32
      %lt3A = arith.constant 0 : i32
      %lt3A_135 = arith.cmpi slt, %rem3A_132, %lt3A : i32
      %lt3A_136 = arith.constant 0 : i32
      %lt3A_137 = arith.cmpi slt, %select_n3A_131, %lt3A_136 : i32
      %ne3A_138 = arith.xori %lt3A_135, %lt3A_137 : i1
      %and3A_139 = arith.andi %ne3A_138, %ne3A_134 : i1
      %add3A_140 = arith.addi %rem3A_132, %select_n3A_131 : i32
      %select_n3A_141 = arith.select %and3A_139, %add3A_140, %rem3A_132 : i32
      %broadcast_in_dim3A = arith.constant 0.000000e+00 : f32
      %broadcast_in_dim3A_142 = vector.broadcast %broadcast_in_dim3A : f32 to vector<16xf32>
      %mul3A_143 = arith.constant 16 : i32
      %mul3A_144 = arith.muli %select_n3A_141, %mul3A_143 : i32
      %swap3A_145 = arith.index_cast %select_n3A : i32 to index
      %swap3A_146 = arith.index_cast %mul3A_144 : i32 to index
      %swap3A_147 = tpu.vector_load %arg11[%swap3A_145, %swap3A_146] {strides = array<i32>} : memref<80x128xf32, #tpu.memory_space<vmem>>, vector<16xf32>,
      tpu.vector_store %arg11[%swap3A_145, %swap3A_146], %broadcast_in_dim3A_142 {strides = array<i32>} : memref<80x128xf32, #tpu.memory_space<vmem>>, vector<16xf32>,
      %scan3A_148 = arith.constant 0 : i32
      scf.yield %scan3A_148 : i32
    }
    %scan3A_8 = arith.constant 640 : i32
    %iota3A = tpu.iota {dimensions = array<i32: 0>} : vector<16xi32>
    %add3A = arith.constant 0 : i32
    %add3A_9 = vector.broadcast %add3A : i32 to vector<16xi32>
    %add3A_10 = arith.addi %iota3A, %add3A_9 : vector<16xi32>
    %swap3A = arith.constant 0 : index
    %swap3A_11 = tpu.vector_load %arg12[%swap3A] {strides = array<i32>} : memref<80xi32, #tpu.memory_space<vmem>>, vector<16xi32>,
    tpu.vector_store %arg12[%swap3A], %add3A_10 {strides = array<i32>} : memref<80xi32, #tpu.memory_space<vmem>>, vector<16xi32>,
    %iota3A_12 = tpu.iota {dimensions = array<i32: 0>} : vector<16xi32>
    %add3A_13 = arith.constant 16 : i32
    %add3A_14 = vector.broadcast %add3A_13 : i32 to vector<16xi32>
    %add3A_15 = arith.addi %iota3A_12, %add3A_14 : vector<16xi32>
    %swap3A_16 = arith.constant 16 : index
    %swap3A_17 = tpu.vector_load %arg12[%swap3A_16] {strides = array<i32>} : memref<80xi32, #tpu.memory_space<vmem>>, vector<16xi32>,
    tpu.vector_store %arg12[%swap3A_16], %add3A_15 {strides = array<i32>} : memref<80xi32, #tpu.memory_space<vmem>>, vector<16xi32>,
    %iota3A_18 = tpu.iota {dimensions = array<i32: 0>} : vector<16xi32>
    %add3A_19 = arith.constant 32 : i32
    %add3A_20 = vector.broadcast %add3A_19 : i32 to vector<16xi32>
    %add3A_21 = arith.addi %iota3A_18, %add3A_20 : vector<16xi32>
    %swap3A_22 = arith.constant 32 : index
    %swap3A_23 = tpu.vector_load %arg12[%swap3A_22] {strides = array<i32>} : memref<80xi32, #tpu.memory_space<vmem>>, vector<16xi32>,
    tpu.vector_store %arg12[%swap3A_22], %add3A_21 {strides = array<i32>} : memref<80xi32, #tpu.memory_space<vmem>>, vector<16xi32>,
    %iota3A_24 = tpu.iota {dimensions = array<i32: 0>} : vector<16xi32>
    %add3A_25 = arith.constant 48 : i32
    %add3A_26 = vector.broadcast %add3A_25 : i32 to vector<16xi32>
    %add3A_27 = arith.addi %iota3A_24, %add3A_26 : vector<16xi32>
    %swap3A_28 = arith.constant 48 : index
    %swap3A_29 = tpu.vector_load %arg12[%swap3A_28] {strides = array<i32>} : memref<80xi32, #tpu.memory_space<vmem>>, vector<16xi32>,
    tpu.vector_store %arg12[%swap3A_28], %add3A_27 {strides = array<i32>} : memref<80xi32, #tpu.memory_space<vmem>>, vector<16xi32>,
    %iota3A_30 = tpu.iota {dimensions = array<i32: 0>} : vector<16xi32>
    %add3A_31 = arith.constant 64 : i32
    %add3A_32 = vector.broadcast %add3A_31 : i32 to vector<16xi32>
    %add3A_33 = arith.addi %iota3A_30, %add3A_32 : vector<16xi32>
    %swap3A_34 = arith.constant 64 : index
    %swap3A_35 = tpu.vector_load %arg12[%swap3A_34] {strides = array<i32>} : memref<80xi32, #tpu.memory_space<vmem>>, vector<16xi32>,
    tpu.vector_store %arg12[%swap3A_34], %add3A_33 {strides = array<i32>} : memref<80xi32, #tpu.memory_space<vmem>>, vector<16xi32>,
    %scan3A_36 = arith.constant 0 : i32
    %scan3A_37 = arith.constant 0 : i32
    %scan3A_38 = arith.constant 1024 : i32
    %scan3A_39 = arith.addi %scan3A_37, %scan3A_38 : i32
    %scan3A_40 = arith.constant 1 : i32
    %scan3A_41 = scf.for %scan3A_108 = %scan3A_37 to %scan3A_39 step %scan3A_40 iter_args(%scan3A_109 = %scan3A_36) -> (i32)  : i32 {
      %jit3A = arith.constant 8 : i32
      %div3A = arith.divsi %scan3A_108, %jit3A : i32
      %sign3A = arith.constant 0 : i32
      %sign3A_110 = arith.cmpi sgt, %scan3A_108, %sign3A : i32
      %sign3A_111 = arith.extui %sign3A_110 : i1 to i32
      %sign3A_112 = arith.constant 0 : i32
      %sign3A_113 = arith.cmpi slt, %scan3A_108, %sign3A_112 : i32
      %sign3A_114 = arith.extui %sign3A_113 : i1 to i32
      %sign3A_115 = arith.subi %sign3A_111, %sign3A_114 : i32
      %sign3A_116 = arith.constant 0 : i32
      %sign3A_117 = arith.cmpi sgt, %jit3A, %sign3A_116 : i32
      %sign3A_118 = arith.extui %sign3A_117 : i1 to i32
      %sign3A_119 = arith.constant 0 : i32
      %sign3A_120 = arith.cmpi slt, %jit3A, %sign3A_119 : i32
      %sign3A_121 = arith.extui %sign3A_120 : i1 to i32
      %sign3A_122 = arith.subi %sign3A_118, %sign3A_121 : i32
      %ne3A_123 = arith.cmpi ne, %sign3A_115, %sign3A_122 : i32
      %rem3A = arith.remsi %scan3A_108, %jit3A : i32
      %ne3A_124 = arith.constant 0 : i32
      %ne3A_125 = arith.cmpi ne, %rem3A, %ne3A_124 : i32
      %and3A = arith.andi %ne3A_123, %ne3A_125 : i1
      %sub3A = arith.constant 1 : i32
      %sub3A_126 = arith.subi %div3A, %sub3A : i32
      %select_n3A = arith.select %and3A, %sub3A_126, %div3A : i32
      %jit3A_127 = arith.constant 8 : i32
      %eq3A_128 = arith.constant 0 : i32
      %eq3A_129 = arith.cmpi eq, %jit3A_127, %eq3A_128 : i32
      %jit3A_130 = arith.constant 1 : i32
      %select_n3A_131 = arith.select %eq3A_129, %jit3A_130, %jit3A_127 : i32
      %rem3A_132 = arith.remsi %scan3A_108, %select_n3A_131 : i32
      %ne3A_133 = arith.constant 0 : i32
      %ne3A_134 = arith.cmpi ne, %rem3A_132, %ne3A_133 : i32
      %lt3A = arith.constant 0 : i32
      %lt3A_135 = arith.cmpi slt, %rem3A_132, %lt3A : i32
      %lt3A_136 = arith.constant 0 : i32
      %lt3A_137 = arith.cmpi slt, %select_n3A_131, %lt3A_136 : i32
      %ne3A_138 = arith.xori %lt3A_135, %lt3A_137 : i1
      %and3A_139 = arith.andi %ne3A_138, %ne3A_134 : i1
      %add3A_140 = arith.addi %rem3A_132, %select_n3A_131 : i32
      %select_n3A_141 = arith.select %and3A_139, %add3A_140, %rem3A_132 : i32
      %broadcast_in_dim3A = arith.constant 0.000000e+00 : f32
      %broadcast_in_dim3A_142 = vector.broadcast %broadcast_in_dim3A : f32 to vector<16xf32>
      %mul3A_143 = arith.constant 16 : i32
      %mul3A_144 = arith.muli %select_n3A_141, %mul3A_143 : i32
      %swap3A_145 = arith.index_cast %select_n3A : i32 to index
      %swap3A_146 = arith.index_cast %mul3A_144 : i32 to index
      %swap3A_147 = tpu.vector_load %arg19[%swap3A_145, %swap3A_146] {strides = array<i32>} : memref<128x128xf32, #tpu.memory_space<vmem>>, vector<16xf32>,
      tpu.vector_store %arg19[%swap3A_145, %swap3A_146], %broadcast_in_dim3A_142 {strides = array<i32>} : memref<128x128xf32, #tpu.memory_space<vmem>>, vector<16xf32>,
      %scan3A_148 = arith.constant 0 : i32
      scf.yield %scan3A_148 : i32
    }
    %scan3A_42 = arith.constant 1024 : i32
    %mul3A_43 = arith.constant 160 : i32
    %mul3A_44 = arith.muli %arg1, %mul3A_43 : i32
    %add3A_45 = arith.constant 0 : i32
    %add3A_46 = arith.addi %mul3A_44, %add3A_45 : i32
    "tpu.region"() ({
      %run_scoped3A = tpu.sem_alloc : memref<!tpu.dma_semaphore, #tpu.memory_space<semaphore_mem>>
      %dma_start3A = arith.constant 0 : i32
      %dma_start3A_108 = tpu.memref_slice %arg2[%add3A_46, %dma_start3A] : memref<2560x128xi32, #tpu.memory_space<hbm>> -> memref<80x128xi32, #tpu.memory_space<hbm>>
      %dma_start3A_109 = arith.constant 0 : i32
      %dma_start3A_110 = tpu.memref_slice %arg2[%add3A_46, %dma_start3A_109] : memref<2560x128xi32, #tpu.memory_space<hbm>> -> memref<80x128xi32, #tpu.memory_space<hbm>>
      tpu.enqueue_dma source(%dma_start3A_110 : memref<80x128xi32, #tpu.memory_space<hbm>>) target(%arg13 : memref<80x128xi32, #tpu.memory_space<vmem>>) target_semaphore(%run_scoped3A : memref<!tpu.dma_semaphore, #tpu.memory_space<semaphore_mem>>)
      %dma_wait3A = arith.constant 0 : i32
      %dma_wait3A_111 = tpu.memref_slice %arg2[%add3A_46, %dma_wait3A] : memref<2560x128xi32, #tpu.memory_space<hbm>> -> memref<80x128xi32, #tpu.memory_space<hbm>>
      %dma_wait3A_112 = arith.constant 0 : i32
      %dma_wait3A_113 = tpu.memref_slice %arg2[%add3A_46, %dma_wait3A_112] : memref<2560x128xi32, #tpu.memory_space<hbm>> -> memref<80x128xi32, #tpu.memory_space<hbm>>
      tpu.wait_dma2 semaphore(%run_scoped3A : memref<!tpu.dma_semaphore, #tpu.memory_space<semaphore_mem>>) src(%dma_wait3A_113 : memref<80x128xi32, #tpu.memory_space<hbm>>) dst(%arg13 : memref<80x128xi32, #tpu.memory_space<vmem>>)
      tpu.yield
    }) : () -> ()
    "tpu.region"() ({
      %run_scoped3A = tpu.sem_alloc : memref<!tpu.dma_semaphore, #tpu.memory_space<semaphore_mem>>
      %dma_start3A = arith.constant 0 : i32
      %dma_start3A_108 = tpu.memref_slice %arg3[%add3A_46, %dma_start3A] : memref<2560x128xi32, #tpu.memory_space<hbm>> -> memref<80x128xi32, #tpu.memory_space<hbm>>
      %dma_start3A_109 = arith.constant 0 : i32
      %dma_start3A_110 = tpu.memref_slice %arg3[%add3A_46, %dma_start3A_109] : memref<2560x128xi32, #tpu.memory_space<hbm>> -> memref<80x128xi32, #tpu.memory_space<hbm>>
      tpu.enqueue_dma source(%dma_start3A_110 : memref<80x128xi32, #tpu.memory_space<hbm>>) target(%arg14 : memref<80x128xi32, #tpu.memory_space<vmem>>) target_semaphore(%run_scoped3A : memref<!tpu.dma_semaphore, #tpu.memory_space<semaphore_mem>>)
      %dma_wait3A = arith.constant 0 : i32
      %dma_wait3A_111 = tpu.memref_slice %arg3[%add3A_46, %dma_wait3A] : memref<2560x128xi32, #tpu.memory_space<hbm>> -> memref<80x128xi32, #tpu.memory_space<hbm>>
      %dma_wait3A_112 = arith.constant 0 : i32
      %dma_wait3A_113 = tpu.memref_slice %arg3[%add3A_46, %dma_wait3A_112] : memref<2560x128xi32, #tpu.memory_space<hbm>> -> memref<80x128xi32, #tpu.memory_space<hbm>>
      tpu.wait_dma2 semaphore(%run_scoped3A : memref<!tpu.dma_semaphore, #tpu.memory_space<semaphore_mem>>) src(%dma_wait3A_113 : memref<80x128xi32, #tpu.memory_space<hbm>>) dst(%arg14 : memref<80x128xi32, #tpu.memory_space<vmem>>)
      tpu.yield
    }) : () -> ()
    "tpu.region"() ({
      %run_scoped3A = tpu.sem_alloc : memref<!tpu.dma_semaphore, #tpu.memory_space<semaphore_mem>>
      %dma_start3A = arith.constant 0 : i32
      %dma_start3A_108 = tpu.memref_slice %arg4[%add3A_46, %dma_start3A] : memref<2560x128xf32, #tpu.memory_space<hbm>> -> memref<80x128xf32, #tpu.memory_space<hbm>>
      %dma_start3A_109 = arith.constant 0 : i32
      %dma_start3A_110 = tpu.memref_slice %arg4[%add3A_46, %dma_start3A_109] : memref<2560x128xf32, #tpu.memory_space<hbm>> -> memref<80x128xf32, #tpu.memory_space<hbm>>
      tpu.enqueue_dma source(%dma_start3A_110 : memref<80x128xf32, #tpu.memory_space<hbm>>) target(%arg15 : memref<80x128xf32, #tpu.memory_space<vmem>>) target_semaphore(%run_scoped3A : memref<!tpu.dma_semaphore, #tpu.memory_space<semaphore_mem>>)
      %dma_wait3A = arith.constant 0 : i32
      %dma_wait3A_111 = tpu.memref_slice %arg4[%add3A_46, %dma_wait3A] : memref<2560x128xf32, #tpu.memory_space<hbm>> -> memref<80x128xf32, #tpu.memory_space<hbm>>
      %dma_wait3A_112 = arith.constant 0 : i32
      %dma_wait3A_113 = tpu.memref_slice %arg4[%add3A_46, %dma_wait3A_112] : memref<2560x128xf32, #tpu.memory_space<hbm>> -> memref<80x128xf32, #tpu.memory_space<hbm>>
      tpu.wait_dma2 semaphore(%run_scoped3A : memref<!tpu.dma_semaphore, #tpu.memory_space<semaphore_mem>>) src(%dma_wait3A_113 : memref<80x128xf32, #tpu.memory_space<hbm>>) dst(%arg15 : memref<80x128xf32, #tpu.memory_space<vmem>>)
      tpu.yield
    }) : () -> ()
    %scan3A_47 = arith.constant 0 : i32
    %scan3A_48 = arith.constant 0 : i32
    %scan3A_49 = arith.constant 80 : i32
    %scan3A_50 = arith.addi %scan3A_48, %scan3A_49 : i32
    %scan3A_51 = arith.constant 1 : i32
    %scan3A_52 = scf.for %scan3A_108 = %scan3A_48 to %scan3A_50 step %scan3A_51 iter_args(%scan3A_109 = %scan3A_47) -> (i32)  : i32 {
      %scan3A_110 = arith.constant 0 : i32
      %scan3A_111 = arith.constant 0 : i32
      %scan3A_112 = arith.constant 8 : i32
      %scan3A_113 = arith.addi %scan3A_111, %scan3A_112 : i32
      %scan3A_114 = arith.constant 1 : i32
      %scan3A_115 = scf.for %scan3A_118 = %scan3A_111 to %scan3A_113 step %scan3A_114 iter_args(%scan3A_119 = %scan3A_110) -> (i32)  : i32 {
        %mul3A_120 = arith.constant 16 : i32
        %mul3A_121 = arith.muli %scan3A_118, %mul3A_120 : i32
        %get3A = arith.index_cast %scan3A_108 : i32 to index
        %get3A_122 = arith.index_cast %mul3A_121 : i32 to index
        %get3A_123 = tpu.vector_load %arg13[%get3A, %get3A_122] {strides = array<i32>} : memref<80x128xi32, #tpu.memory_space<vmem>>, vector<16xi32>,
        %get3A_124 = arith.index_cast %scan3A_108 : i32 to index
        %get3A_125 = arith.index_cast %mul3A_121 : i32 to index
        %get3A_126 = tpu.vector_load %arg14[%get3A_124, %get3A_125] {strides = array<i32>} : memref<80x128xi32, #tpu.memory_space<vmem>>, vector<16xi32>,
        %get3A_127 = arith.index_cast %scan3A_108 : i32 to index
        %get3A_128 = arith.index_cast %mul3A_121 : i32 to index
        %get3A_129 = tpu.vector_load %arg15[%get3A_127, %get3A_128] {strides = array<i32>} : memref<80x128xf32, #tpu.memory_space<vmem>>, vector<16xf32>,
        %gather3A = tpu.vector_load_idx %arg9[%get3A_123] : memref<10240xf32, #tpu.memory_space<vmem>>[vector<16xi32>], vector<16xf32>,
        %gather3A_130 = tpu.vector_load_idx %arg10[%get3A_126] : memref<10240xf32, #tpu.memory_space<vmem>>[vector<16xi32>], vector<16xf32>,
        %add3A_131 = arith.addf %gather3A, %gather3A_130 : vector<16xf32>
        %add3A_132 = arith.addf %add3A_131, %get3A_129 : vector<16xf32>
        %ge3A = arith.constant 0.000000e+00 : f32
        %ge3A_133 = vector.broadcast %ge3A : f32 to vector<16xf32>
        %ge3A_134 = arith.cmpf oge, %add3A_132, %ge3A_133 : vector<16xf32>
        %mul3A_135 = arith.constant 2.000000e-01 : f32
        %mul3A_136 = vector.broadcast %mul3A_135 : f32 to vector<16xf32>
        %mul3A_137 = arith.mulf %add3A_132, %mul3A_136 : vector<16xf32>
        %select_n3A = arith.select %ge3A_134, %add3A_132, %mul3A_137 : vector<16xi1>, vector<16xf32>
        %exp3A = math.exp %select_n3A : vector<16xf32>
        %shift_right_logical3A = arith.constant 7 : i32
        %shift_right_logical3A_138 = vector.broadcast %shift_right_logical3A : i32 to vector<16xi32>
        %shift_right_logical3A_139 = arith.shrui %get3A_126, %shift_right_logical3A_138 : vector<16xi32>
        %and3A = arith.constant 127 : i32
        %and3A_140 = vector.broadcast %and3A : i32 to vector<16xi32>
        %and3A_141 = arith.andi %get3A_126, %and3A_140 : vector<16xi32>
        tpu.vector_store_idx %arg11[%shift_right_logical3A_139, %and3A_141], %exp3A {add = true} : memref<80x128xf32, #tpu.memory_space<vmem>>[vector<16xi32>, vector<16xi32>], vector<16xf32>,
        %scan3A_142 = arith.constant 0 : i32
        scf.yield %scan3A_142 : i32
      }
      %scan3A_116 = arith.constant 8 : i32
      %scan3A_117 = arith.constant 0 : i32
      scf.yield %scan3A_117 : i32
    }
    %scan3A_53 = arith.constant 80 : i32
    %mul3A_54 = arith.constant 160 : i32
    %mul3A_55 = arith.muli %arg1, %mul3A_54 : i32
    %add3A_56 = arith.constant 80 : i32
    %add3A_57 = arith.addi %mul3A_55, %add3A_56 : i32
    "tpu.region"() ({
      %run_scoped3A = tpu.sem_alloc : memref<!tpu.dma_semaphore, #tpu.memory_space<semaphore_mem>>
      %dma_start3A = arith.constant 0 : i32
      %dma_start3A_108 = tpu.memref_slice %arg2[%add3A_57, %dma_start3A] : memref<2560x128xi32, #tpu.memory_space<hbm>> -> memref<80x128xi32, #tpu.memory_space<hbm>>
      %dma_start3A_109 = arith.constant 0 : i32
      %dma_start3A_110 = tpu.memref_slice %arg2[%add3A_57, %dma_start3A_109] : memref<2560x128xi32, #tpu.memory_space<hbm>> -> memref<80x128xi32, #tpu.memory_space<hbm>>
      tpu.enqueue_dma source(%dma_start3A_110 : memref<80x128xi32, #tpu.memory_space<hbm>>) target(%arg13 : memref<80x128xi32, #tpu.memory_space<vmem>>) target_semaphore(%run_scoped3A : memref<!tpu.dma_semaphore, #tpu.memory_space<semaphore_mem>>)
      %dma_wait3A = arith.constant 0 : i32
      %dma_wait3A_111 = tpu.memref_slice %arg2[%add3A_57, %dma_wait3A] : memref<2560x128xi32, #tpu.memory_space<hbm>> -> memref<80x128xi32, #tpu.memory_space<hbm>>
      %dma_wait3A_112 = arith.constant 0 : i32
      %dma_wait3A_113 = tpu.memref_slice %arg2[%add3A_57, %dma_wait3A_112] : memref<2560x128xi32, #tpu.memory_space<hbm>> -> memref<80x128xi32, #tpu.memory_space<hbm>>
      tpu.wait_dma2 semaphore(%run_scoped3A : memref<!tpu.dma_semaphore, #tpu.memory_space<semaphore_mem>>) src(%dma_wait3A_113 : memref<80x128xi32, #tpu.memory_space<hbm>>) dst(%arg13 : memref<80x128xi32, #tpu.memory_space<vmem>>)
      tpu.yield
    }) : () -> ()
    "tpu.region"() ({
      %run_scoped3A = tpu.sem_alloc : memref<!tpu.dma_semaphore, #tpu.memory_space<semaphore_mem>>
      %dma_start3A = arith.constant 0 : i32
      %dma_start3A_108 = tpu.memref_slice %arg3[%add3A_57, %dma_start3A] : memref<2560x128xi32, #tpu.memory_space<hbm>> -> memref<80x128xi32, #tpu.memory_space<hbm>>
      %dma_start3A_109 = arith.constant 0 : i32
      %dma_start3A_110 = tpu.memref_slice %arg3[%add3A_57, %dma_start3A_109] : memref<2560x128xi32, #tpu.memory_space<hbm>> -> memref<80x128xi32, #tpu.memory_space<hbm>>
      tpu.enqueue_dma source(%dma_start3A_110 : memref<80x128xi32, #tpu.memory_space<hbm>>) target(%arg14 : memref<80x128xi32, #tpu.memory_space<vmem>>) target_semaphore(%run_scoped3A : memref<!tpu.dma_semaphore, #tpu.memory_space<semaphore_mem>>)
      %dma_wait3A = arith.constant 0 : i32
      %dma_wait3A_111 = tpu.memref_slice %arg3[%add3A_57, %dma_wait3A] : memref<2560x128xi32, #tpu.memory_space<hbm>> -> memref<80x128xi32, #tpu.memory_space<hbm>>
      %dma_wait3A_112 = arith.constant 0 : i32
      %dma_wait3A_113 = tpu.memref_slice %arg3[%add3A_57, %dma_wait3A_112] : memref<2560x128xi32, #tpu.memory_space<hbm>> -> memref<80x128xi32, #tpu.memory_space<hbm>>
      tpu.wait_dma2 semaphore(%run_scoped3A : memref<!tpu.dma_semaphore, #tpu.memory_space<semaphore_mem>>) src(%dma_wait3A_113 : memref<80x128xi32, #tpu.memory_space<hbm>>) dst(%arg14 : memref<80x128xi32, #tpu.memory_space<vmem>>)
      tpu.yield
    }) : () -> ()
    "tpu.region"() ({
      %run_scoped3A = tpu.sem_alloc : memref<!tpu.dma_semaphore, #tpu.memory_space<semaphore_mem>>
      %dma_start3A = arith.constant 0 : i32
      %dma_start3A_108 = tpu.memref_slice %arg4[%add3A_57, %dma_start3A] : memref<2560x128xf32, #tpu.memory_space<hbm>> -> memref<80x128xf32, #tpu.memory_space<hbm>>
      %dma_start3A_109 = arith.constant 0 : i32
      %dma_start3A_110 = tpu.memref_slice %arg4[%add3A_57, %dma_start3A_109] : memref<2560x128xf32, #tpu.memory_space<hbm>> -> memref<80x128xf32, #tpu.memory_space<hbm>>
      tpu.enqueue_dma source(%dma_start3A_110 : memref<80x128xf32, #tpu.memory_space<hbm>>) target(%arg15 : memref<80x128xf32, #tpu.memory_space<vmem>>) target_semaphore(%run_scoped3A : memref<!tpu.dma_semaphore, #tpu.memory_space<semaphore_mem>>)
      %dma_wait3A = arith.constant 0 : i32
      %dma_wait3A_111 = tpu.memref_slice %arg4[%add3A_57, %dma_wait3A] : memref<2560x128xf32, #tpu.memory_space<hbm>> -> memref<80x128xf32, #tpu.memory_space<hbm>>
      %dma_wait3A_112 = arith.constant 0 : i32
      %dma_wait3A_113 = tpu.memref_slice %arg4[%add3A_57, %dma_wait3A_112] : memref<2560x128xf32, #tpu.memory_space<hbm>> -> memref<80x128xf32, #tpu.memory_space<hbm>>
      tpu.wait_dma2 semaphore(%run_scoped3A : memref<!tpu.dma_semaphore, #tpu.memory_space<semaphore_mem>>) src(%dma_wait3A_113 : memref<80x128xf32, #tpu.memory_space<hbm>>) dst(%arg15 : memref<80x128xf32, #tpu.memory_space<vmem>>)
      tpu.yield
    }) : () -> ()
    %scan3A_58 = arith.constant 0 : i32
    %scan3A_59 = arith.constant 0 : i32
    %scan3A_60 = arith.constant 80 : i32
    %scan3A_61 = arith.addi %scan3A_59, %scan3A_60 : i32
    %scan3A_62 = arith.constant 1 : i32
    %scan3A_63 = scf.for %scan3A_108 = %scan3A_59 to %scan3A_61 step %scan3A_62 iter_args(%scan3A_109 = %scan3A_58) -> (i32)  : i32 {
      %scan3A_110 = arith.constant 0 : i32
      %scan3A_111 = arith.constant 0 : i32
      %scan3A_112 = arith.constant 8 : i32
      %scan3A_113 = arith.addi %scan3A_111, %scan3A_112 : i32
      %scan3A_114 = arith.constant 1 : i32
      %scan3A_115 = scf.for %scan3A_118 = %scan3A_111 to %scan3A_113 step %scan3A_114 iter_args(%scan3A_119 = %scan3A_110) -> (i32)  : i32 {
        %mul3A_120 = arith.constant 16 : i32
        %mul3A_121 = arith.muli %scan3A_118, %mul3A_120 : i32
        %get3A = arith.index_cast %scan3A_108 : i32 to index
        %get3A_122 = arith.index_cast %mul3A_121 : i32 to index
        %get3A_123 = tpu.vector_load %arg13[%get3A, %get3A_122] {strides = array<i32>} : memref<80x128xi32, #tpu.memory_space<vmem>>, vector<16xi32>,
        %get3A_124 = arith.index_cast %scan3A_108 : i32 to index
        %get3A_125 = arith.index_cast %mul3A_121 : i32 to index
        %get3A_126 = tpu.vector_load %arg14[%get3A_124, %get3A_125] {strides = array<i32>} : memref<80x128xi32, #tpu.memory_space<vmem>>, vector<16xi32>,
        %get3A_127 = arith.index_cast %scan3A_108 : i32 to index
        %get3A_128 = arith.index_cast %mul3A_121 : i32 to index
        %get3A_129 = tpu.vector_load %arg15[%get3A_127, %get3A_128] {strides = array<i32>} : memref<80x128xf32, #tpu.memory_space<vmem>>, vector<16xf32>,
        %gather3A = tpu.vector_load_idx %arg9[%get3A_123] : memref<10240xf32, #tpu.memory_space<vmem>>[vector<16xi32>], vector<16xf32>,
        %gather3A_130 = tpu.vector_load_idx %arg10[%get3A_126] : memref<10240xf32, #tpu.memory_space<vmem>>[vector<16xi32>], vector<16xf32>,
        %add3A_131 = arith.addf %gather3A, %gather3A_130 : vector<16xf32>
        %add3A_132 = arith.addf %add3A_131, %get3A_129 : vector<16xf32>
        %ge3A = arith.constant 0.000000e+00 : f32
        %ge3A_133 = vector.broadcast %ge3A : f32 to vector<16xf32>
        %ge3A_134 = arith.cmpf oge, %add3A_132, %ge3A_133 : vector<16xf32>
        %mul3A_135 = arith.constant 2.000000e-01 : f32
        %mul3A_136 = vector.broadcast %mul3A_135 : f32 to vector<16xf32>
        %mul3A_137 = arith.mulf %add3A_132, %mul3A_136 : vector<16xf32>
        %select_n3A = arith.select %ge3A_134, %add3A_132, %mul3A_137 : vector<16xi1>, vector<16xf32>
        %exp3A = math.exp %select_n3A : vector<16xf32>
        %shift_right_logical3A = arith.constant 7 : i32
        %shift_right_logical3A_138 = vector.broadcast %shift_right_logical3A : i32 to vector<16xi32>
        %shift_right_logical3A_139 = arith.shrui %get3A_126, %shift_right_logical3A_138 : vector<16xi32>
        %and3A = arith.constant 127 : i32
        %and3A_140 = vector.broadcast %and3A : i32 to vector<16xi32>
        %and3A_141 = arith.andi %get3A_126, %and3A_140 : vector<16xi32>
        tpu.vector_store_idx %arg11[%shift_right_logical3A_139, %and3A_141], %exp3A {add = true} : memref<80x128xf32, #tpu.memory_space<vmem>>[vector<16xi32>, vector<16xi32>], vector<16xf32>,
        %scan3A_142 = arith.constant 0 : i32
        scf.yield %scan3A_142 : i32
      }
      %scan3A_116 = arith.constant 8 : i32
      %scan3A_117 = arith.constant 0 : i32
      scf.yield %scan3A_117 : i32
    }
    %scan3A_64 = arith.constant 80 : i32
    %eq3A = arith.constant 0 : i32
    %eq3A_65 = arith.cmpi eq, %arg1, %eq3A : i32
    %convert_element_type3A = arith.extui %eq3A_65 : i1 to i32
    %cond3A = arith.constant 0 : i32
    %cond3A_66 = arith.cmpi ne, %convert_element_type3A, %cond3A : i32
    scf.if %cond3A_66 {
      "tpu.region"() ({
        %run_scoped3A = tpu.sem_alloc : memref<!tpu.dma_semaphore, #tpu.memory_space<semaphore_mem>>
        %dma_start3A = arith.constant 0 : i32
        %dma_start3A_108 = arith.constant 0 : i32
        %dma_start3A_109 = tpu.memref_slice %arg21[%dma_start3A, %dma_start3A_108] : memref<5128x128xf32, #tpu.memory_space<vmem_shared>> -> memref<80x128xf32, #tpu.memory_space<vmem_shared>>
        %dma_start3A_110 = arith.constant 0 : i32
        %dma_start3A_111 = arith.constant 0 : i32
        %dma_start3A_112 = tpu.memref_slice %arg21[%dma_start3A_110, %dma_start3A_111] : memref<5128x128xf32, #tpu.memory_space<vmem_shared>> -> memref<80x128xf32, #tpu.memory_space<vmem_shared>>
        tpu.enqueue_dma source(%arg11 : memref<80x128xf32, #tpu.memory_space<vmem>>) target(%dma_start3A_112 : memref<80x128xf32, #tpu.memory_space<vmem_shared>>) target_semaphore(%run_scoped3A : memref<!tpu.dma_semaphore, #tpu.memory_space<semaphore_mem>>)
        %dma_wait3A = arith.constant 0 : i32
        %dma_wait3A_113 = arith.constant 0 : i32
        %dma_wait3A_114 = tpu.memref_slice %arg21[%dma_wait3A, %dma_wait3A_113] : memref<5128x128xf32, #tpu.memory_space<vmem_shared>> -> memref<80x128xf32, #tpu.memory_space<vmem_shared>>
        %dma_wait3A_115 = arith.constant 0 : i32
        %dma_wait3A_116 = arith.constant 0 : i32
        %dma_wait3A_117 = tpu.memref_slice %arg21[%dma_wait3A_115, %dma_wait3A_116] : memref<5128x128xf32, #tpu.memory_space<vmem_shared>> -> memref<80x128xf32, #tpu.memory_space<vmem_shared>>
        tpu.wait_dma2 semaphore(%run_scoped3A : memref<!tpu.dma_semaphore, #tpu.memory_space<semaphore_mem>>) src(%arg11 : memref<80x128xf32, #tpu.memory_space<vmem>>) dst(%dma_wait3A_117 : memref<80x128xf32, #tpu.memory_space<vmem_shared>>)
        tpu.yield
      }) : () -> ()
    } else {
    }
    %barrier3A = arith.constant 0 : index
    tpu.barrier barrier_id(%barrier3A)
    %ne3A = arith.constant 0 : i32
    %ne3A_67 = arith.cmpi ne, %arg1, %ne3A : i32
    %convert_element_type3A_68 = arith.extui %ne3A_67 : i1 to i32
    %cond3A_69 = arith.constant 0 : i32
    %cond3A_70 = arith.cmpi ne, %convert_element_type3A_68, %cond3A_69 : i32
    scf.if %cond3A_70 {
      "tpu.region"() ({
        %run_scoped3A = tpu.sem_alloc : memref<!tpu.dma_semaphore, #tpu.memory_space<semaphore_mem>>
        %dma_start3A = arith.constant 0 : i32
        %dma_start3A_108 = arith.constant 0 : i32
        %dma_start3A_109 = tpu.memref_slice %arg21[%dma_start3A, %dma_start3A_108] : memref<5128x128xf32, #tpu.memory_space<vmem_shared>> -> memref<5128x128xf32, #tpu.memory_space<vmem_shared>>
        tpu.enqueue_indirect_dma source(%arg11 : memref<80x128xf32, #tpu.memory_space<vmem>>) target(%dma_start3A_109 : memref<5128x128xf32, #tpu.memory_space<vmem_shared>>) offsets(%arg12 : memref<80xi32, #tpu.memory_space<vmem>>) semaphore(%run_scoped3A : memref<!tpu.dma_semaphore, #tpu.memory_space<semaphore_mem>>) {add = true}
        %dma_wait3A = arith.constant 0 : i32
        %dma_wait3A_110 = arith.constant 0 : i32
        %dma_wait3A_111 = tpu.memref_slice %arg21[%dma_wait3A, %dma_wait3A_110] : memref<5128x128xf32, #tpu.memory_space<vmem_shared>> -> memref<5128x128xf32, #tpu.memory_space<vmem_shared>>
        tpu.wait_indirect_dma semaphore(%run_scoped3A : memref<!tpu.dma_semaphore, #tpu.memory_space<semaphore_mem>>) src(%arg11 : memref<80x128xf32, #tpu.memory_space<vmem>>) dst(%dma_wait3A_111 : memref<5128x128xf32, #tpu.memory_space<vmem_shared>>)
        tpu.yield
      }) : () -> ()
    } else {
    }
    %barrier3A_71 = arith.constant 0 : index
    tpu.barrier barrier_id(%barrier3A_71)
    "tpu.region"() ({
      %run_scoped3A = tpu.sem_alloc : memref<!tpu.dma_semaphore, #tpu.memory_space<semaphore_mem>>
      %dma_start3A = arith.constant 0 : i32
      %dma_start3A_108 = arith.constant 0 : i32
      %dma_start3A_109 = tpu.memref_slice %arg21[%dma_start3A, %dma_start3A_108] : memref<5128x128xf32, #tpu.memory_space<vmem_shared>> -> memref<80x128xf32, #tpu.memory_space<vmem_shared>>
      %dma_start3A_110 = arith.constant 0 : i32
      %dma_start3A_111 = arith.constant 0 : i32
      %dma_start3A_112 = tpu.memref_slice %arg21[%dma_start3A_110, %dma_start3A_111] : memref<5128x128xf32, #tpu.memory_space<vmem_shared>> -> memref<80x128xf32, #tpu.memory_space<vmem_shared>>
      tpu.enqueue_dma source(%dma_start3A_112 : memref<80x128xf32, #tpu.memory_space<vmem_shared>>) target(%arg11 : memref<80x128xf32, #tpu.memory_space<vmem>>) target_semaphore(%run_scoped3A : memref<!tpu.dma_semaphore, #tpu.memory_space<semaphore_mem>>)
      %dma_wait3A = arith.constant 0 : i32
      %dma_wait3A_113 = arith.constant 0 : i32
      %dma_wait3A_114 = tpu.memref_slice %arg21[%dma_wait3A, %dma_wait3A_113] : memref<5128x128xf32, #tpu.memory_space<vmem_shared>> -> memref<80x128xf32, #tpu.memory_space<vmem_shared>>
      %dma_wait3A_115 = arith.constant 0 : i32
      %dma_wait3A_116 = arith.constant 0 : i32
      %dma_wait3A_117 = tpu.memref_slice %arg21[%dma_wait3A_115, %dma_wait3A_116] : memref<5128x128xf32, #tpu.memory_space<vmem_shared>> -> memref<80x128xf32, #tpu.memory_space<vmem_shared>>
      tpu.wait_dma2 semaphore(%run_scoped3A : memref<!tpu.dma_semaphore, #tpu.memory_space<semaphore_mem>>) src(%dma_wait3A_117 : memref<80x128xf32, #tpu.memory_space<vmem_shared>>) dst(%arg11 : memref<80x128xf32, #tpu.memory_space<vmem>>)
      tpu.yield
    }) : () -> ()
    %barrier3A_72 = arith.constant 0 : index
    tpu.barrier barrier_id(%barrier3A_72)
    "tpu.region"() ({
      %run_scoped3A = tpu.sem_alloc : memref<!tpu.dma_semaphore, #tpu.memory_space<semaphore_mem>>
      %dma_start3A = arith.constant 0 : i32
      %dma_start3A_108 = tpu.memref_slice %arg21[%mul3A_2, %dma_start3A] : memref<5128x128xf32, #tpu.memory_space<vmem_shared>> -> memref<128x128xf32, #tpu.memory_space<vmem_shared>>
      %dma_start3A_109 = arith.constant 0 : i32
      %dma_start3A_110 = tpu.memref_slice %arg21[%mul3A_2, %dma_start3A_109] : memref<5128x128xf32, #tpu.memory_space<vmem_shared>> -> memref<128x128xf32, #tpu.memory_space<vmem_shared>>
      tpu.enqueue_dma source(%arg19 : memref<128x128xf32, #tpu.memory_space<vmem>>) target(%dma_start3A_110 : memref<128x128xf32, #tpu.memory_space<vmem_shared>>) target_semaphore(%run_scoped3A : memref<!tpu.dma_semaphore, #tpu.memory_space<semaphore_mem>>)
      %dma_wait3A = arith.constant 0 : i32
      %dma_wait3A_111 = tpu.memref_slice %arg21[%mul3A_2, %dma_wait3A] : memref<5128x128xf32, #tpu.memory_space<vmem_shared>> -> memref<128x128xf32, #tpu.memory_space<vmem_shared>>
      %dma_wait3A_112 = arith.constant 0 : i32
      %dma_wait3A_113 = tpu.memref_slice %arg21[%mul3A_2, %dma_wait3A_112] : memref<5128x128xf32, #tpu.memory_space<vmem_shared>> -> memref<128x128xf32, #tpu.memory_space<vmem_shared>>
      tpu.wait_dma2 semaphore(%run_scoped3A : memref<!tpu.dma_semaphore, #tpu.memory_space<semaphore_mem>>) src(%arg19 : memref<128x128xf32, #tpu.memory_space<vmem>>) dst(%dma_wait3A_113 : memref<128x128xf32, #tpu.memory_space<vmem_shared>>)
      tpu.yield
    }) : () -> ()
    %add3A_73 = arith.constant 128 : i32
    %add3A_74 = arith.addi %mul3A_2, %add3A_73 : i32
    "tpu.region"() ({
      %run_scoped3A = tpu.sem_alloc : memref<!tpu.dma_semaphore, #tpu.memory_space<semaphore_mem>>
      %dma_start3A = arith.constant 0 : i32
      %dma_start3A_108 = tpu.memref_slice %arg21[%add3A_74, %dma_start3A] : memref<5128x128xf32, #tpu.memory_space<vmem_shared>> -> memref<128x128xf32, #tpu.memory_space<vmem_shared>>
      %dma_start3A_109 = arith.constant 0 : i32
      %dma_start3A_110 = tpu.memref_slice %arg21[%add3A_74, %dma_start3A_109] : memref<5128x128xf32, #tpu.memory_space<vmem_shared>> -> memref<128x128xf32, #tpu.memory_space<vmem_shared>>
      tpu.enqueue_dma source(%arg19 : memref<128x128xf32, #tpu.memory_space<vmem>>) target(%dma_start3A_110 : memref<128x128xf32, #tpu.memory_space<vmem_shared>>) target_semaphore(%run_scoped3A : memref<!tpu.dma_semaphore, #tpu.memory_space<semaphore_mem>>)
      %dma_wait3A = arith.constant 0 : i32
      %dma_wait3A_111 = tpu.memref_slice %arg21[%add3A_74, %dma_wait3A] : memref<5128x128xf32, #tpu.memory_space<vmem_shared>> -> memref<128x128xf32, #tpu.memory_space<vmem_shared>>
      %dma_wait3A_112 = arith.constant 0 : i32
      %dma_wait3A_113 = tpu.memref_slice %arg21[%add3A_74, %dma_wait3A_112] : memref<5128x128xf32, #tpu.memory_space<vmem_shared>> -> memref<128x128xf32, #tpu.memory_space<vmem_shared>>
      tpu.wait_dma2 semaphore(%run_scoped3A : memref<!tpu.dma_semaphore, #tpu.memory_space<semaphore_mem>>) src(%arg19 : memref<128x128xf32, #tpu.memory_space<vmem>>) dst(%dma_wait3A_113 : memref<128x128xf32, #tpu.memory_space<vmem_shared>>)
      tpu.yield
    }) : () -> ()
    %add3A_75 = arith.constant 256 : i32
    %add3A_76 = arith.addi %mul3A_2, %add3A_75 : i32
    "tpu.region"() ({
      %run_scoped3A = tpu.sem_alloc : memref<!tpu.dma_semaphore, #tpu.memory_space<semaphore_mem>>
      %dma_start3A = arith.constant 0 : i32
      %dma_start3A_108 = arith.constant 0 : i32
      %dma_start3A_109 = tpu.memref_slice %arg19[%dma_start3A, %dma_start3A_108] : memref<128x128xf32, #tpu.memory_space<vmem>> -> memref<64x128xf32, #tpu.memory_space<vmem>>
      %dma_start3A_110 = arith.constant 0 : i32
      %dma_start3A_111 = tpu.memref_slice %arg21[%add3A_76, %dma_start3A_110] : memref<5128x128xf32, #tpu.memory_space<vmem_shared>> -> memref<64x128xf32, #tpu.memory_space<vmem_shared>>
      %dma_start3A_112 = arith.constant 0 : i32
      %dma_start3A_113 = tpu.memref_slice %arg21[%add3A_76, %dma_start3A_112] : memref<5128x128xf32, #tpu.memory_space<vmem_shared>> -> memref<64x128xf32, #tpu.memory_space<vmem_shared>>
      %dma_start3A_114 = arith.constant 0 : i32
      %dma_start3A_115 = arith.constant 0 : i32
      %dma_start3A_116 = tpu.memref_slice %arg19[%dma_start3A_114, %dma_start3A_115] : memref<128x128xf32, #tpu.memory_space<vmem>> -> memref<64x128xf32, #tpu.memory_space<vmem>>
      tpu.enqueue_dma source(%dma_start3A_116 : memref<64x128xf32, #tpu.memory_space<vmem>>) target(%dma_start3A_113 : memref<64x128xf32, #tpu.memory_space<vmem_shared>>) target_semaphore(%run_scoped3A : memref<!tpu.dma_semaphore, #tpu.memory_space<semaphore_mem>>)
      %dma_wait3A = arith.constant 0 : i32
      %dma_wait3A_117 = arith.constant 0 : i32
      %dma_wait3A_118 = tpu.memref_slice %arg19[%dma_wait3A, %dma_wait3A_117] : memref<128x128xf32, #tpu.memory_space<vmem>> -> memref<64x128xf32, #tpu.memory_space<vmem>>
      %dma_wait3A_119 = arith.constant 0 : i32
      %dma_wait3A_120 = tpu.memref_slice %arg21[%add3A_76, %dma_wait3A_119] : memref<5128x128xf32, #tpu.memory_space<vmem_shared>> -> memref<64x128xf32, #tpu.memory_space<vmem_shared>>
      %dma_wait3A_121 = arith.constant 0 : i32
      %dma_wait3A_122 = tpu.memref_slice %arg21[%add3A_76, %dma_wait3A_121] : memref<5128x128xf32, #tpu.memory_space<vmem_shared>> -> memref<64x128xf32, #tpu.memory_space<vmem_shared>>
      %dma_wait3A_123 = arith.constant 0 : i32
      %dma_wait3A_124 = arith.constant 0 : i32
      %dma_wait3A_125 = tpu.memref_slice %arg19[%dma_wait3A_123, %dma_wait3A_124] : memref<128x128xf32, #tpu.memory_space<vmem>> -> memref<64x128xf32, #tpu.memory_space<vmem>>
      tpu.wait_dma2 semaphore(%run_scoped3A : memref<!tpu.dma_semaphore, #tpu.memory_space<semaphore_mem>>) src(%dma_wait3A_125 : memref<64x128xf32, #tpu.memory_space<vmem>>) dst(%dma_wait3A_122 : memref<64x128xf32, #tpu.memory_space<vmem_shared>>)
      tpu.yield
    }) : () -> ()
    %eq3A_77 = arith.constant 0 : i32
    %eq3A_78 = arith.cmpi eq, %arg1, %eq3A_77 : i32
    %convert_element_type3A_79 = arith.extui %eq3A_78 : i1 to i32
    %cond3A_80 = arith.constant 0 : i32
    %cond3A_81 = arith.cmpi ne, %convert_element_type3A_79, %cond3A_80 : i32
    scf.if %cond3A_81 {
      "tpu.region"() ({
        %run_scoped3A = tpu.sem_alloc : memref<!tpu.dma_semaphore, #tpu.memory_space<semaphore_mem>>
        %dma_start3A = arith.constant 0 : i32
        %dma_start3A_108 = arith.constant 0 : i32
        %dma_start3A_109 = tpu.memref_slice %arg19[%dma_start3A, %dma_start3A_108] : memref<128x128xf32, #tpu.memory_space<vmem>> -> memref<8x128xf32, #tpu.memory_space<vmem>>
        %dma_start3A_110 = arith.constant 5120 : i32
        %dma_start3A_111 = arith.constant 0 : i32
        %dma_start3A_112 = tpu.memref_slice %arg21[%dma_start3A_110, %dma_start3A_111] : memref<5128x128xf32, #tpu.memory_space<vmem_shared>> -> memref<8x128xf32, #tpu.memory_space<vmem_shared>>
        %dma_start3A_113 = arith.constant 5120 : i32
        %dma_start3A_114 = arith.constant 0 : i32
        %dma_start3A_115 = tpu.memref_slice %arg21[%dma_start3A_113, %dma_start3A_114] : memref<5128x128xf32, #tpu.memory_space<vmem_shared>> -> memref<8x128xf32, #tpu.memory_space<vmem_shared>>
        %dma_start3A_116 = arith.constant 0 : i32
        %dma_start3A_117 = arith.constant 0 : i32
        %dma_start3A_118 = tpu.memref_slice %arg19[%dma_start3A_116, %dma_start3A_117] : memref<128x128xf32, #tpu.memory_space<vmem>> -> memref<8x128xf32, #tpu.memory_space<vmem>>
        tpu.enqueue_dma source(%dma_start3A_118 : memref<8x128xf32, #tpu.memory_space<vmem>>) target(%dma_start3A_115 : memref<8x128xf32, #tpu.memory_space<vmem_shared>>) target_semaphore(%run_scoped3A : memref<!tpu.dma_semaphore, #tpu.memory_space<semaphore_mem>>)
        %dma_wait3A = arith.constant 0 : i32
        %dma_wait3A_119 = arith.constant 0 : i32
        %dma_wait3A_120 = tpu.memref_slice %arg19[%dma_wait3A, %dma_wait3A_119] : memref<128x128xf32, #tpu.memory_space<vmem>> -> memref<8x128xf32, #tpu.memory_space<vmem>>
        %dma_wait3A_121 = arith.constant 5120 : i32
        %dma_wait3A_122 = arith.constant 0 : i32
        %dma_wait3A_123 = tpu.memref_slice %arg21[%dma_wait3A_121, %dma_wait3A_122] : memref<5128x128xf32, #tpu.memory_space<vmem_shared>> -> memref<8x128xf32, #tpu.memory_space<vmem_shared>>
        %dma_wait3A_124 = arith.constant 5120 : i32
        %dma_wait3A_125 = arith.constant 0 : i32
        %dma_wait3A_126 = tpu.memref_slice %arg21[%dma_wait3A_124, %dma_wait3A_125] : memref<5128x128xf32, #tpu.memory_space<vmem_shared>> -> memref<8x128xf32, #tpu.memory_space<vmem_shared>>
        %dma_wait3A_127 = arith.constant 0 : i32
        %dma_wait3A_128 = arith.constant 0 : i32
        %dma_wait3A_129 = tpu.memref_slice %arg19[%dma_wait3A_127, %dma_wait3A_128] : memref<128x128xf32, #tpu.memory_space<vmem>> -> memref<8x128xf32, #tpu.memory_space<vmem>>
        tpu.wait_dma2 semaphore(%run_scoped3A : memref<!tpu.dma_semaphore, #tpu.memory_space<semaphore_mem>>) src(%dma_wait3A_129 : memref<8x128xf32, #tpu.memory_space<vmem>>) dst(%dma_wait3A_126 : memref<8x128xf32, #tpu.memory_space<vmem_shared>>)
        tpu.yield
      }) : () -> ()
    } else {
    }
    %barrier3A_82 = arith.constant 0 : index
    tpu.barrier barrier_id(%barrier3A_82)
    %mul3A_83 = arith.constant 5120 : i32
    %mul3A_84 = arith.muli %arg0, %mul3A_83 : i32
    %mul3A_85 = arith.constant 160 : i32
    %mul3A_86 = arith.muli %arg1, %mul3A_85 : i32
    %add3A_87 = arith.constant 0 : i32
    %add3A_88 = arith.addi %mul3A_86, %add3A_87 : i32
    "tpu.region"() ({
      %run_scoped3A = tpu.sem_alloc : memref<!tpu.dma_semaphore, #tpu.memory_space<semaphore_mem>>
      %dma_start3A = arith.constant 0 : i32
      %dma_start3A_108 = tpu.memref_slice %arg2[%add3A_88, %dma_start3A] : memref<2560x128xi32, #tpu.memory_space<hbm>> -> memref<80x128xi32, #tpu.memory_space<hbm>>
      %dma_start3A_109 = arith.constant 0 : i32
      %dma_start3A_110 = tpu.memref_slice %arg2[%add3A_88, %dma_start3A_109] : memref<2560x128xi32, #tpu.memory_space<hbm>> -> memref<80x128xi32, #tpu.memory_space<hbm>>
      tpu.enqueue_dma source(%dma_start3A_110 : memref<80x128xi32, #tpu.memory_space<hbm>>) target(%arg13 : memref<80x128xi32, #tpu.memory_space<vmem>>) target_semaphore(%run_scoped3A : memref<!tpu.dma_semaphore, #tpu.memory_space<semaphore_mem>>)
      %dma_wait3A = arith.constant 0 : i32
      %dma_wait3A_111 = tpu.memref_slice %arg2[%add3A_88, %dma_wait3A] : memref<2560x128xi32, #tpu.memory_space<hbm>> -> memref<80x128xi32, #tpu.memory_space<hbm>>
      %dma_wait3A_112 = arith.constant 0 : i32
      %dma_wait3A_113 = tpu.memref_slice %arg2[%add3A_88, %dma_wait3A_112] : memref<2560x128xi32, #tpu.memory_space<hbm>> -> memref<80x128xi32, #tpu.memory_space<hbm>>
      tpu.wait_dma2 semaphore(%run_scoped3A : memref<!tpu.dma_semaphore, #tpu.memory_space<semaphore_mem>>) src(%dma_wait3A_113 : memref<80x128xi32, #tpu.memory_space<hbm>>) dst(%arg13 : memref<80x128xi32, #tpu.memory_space<vmem>>)
      tpu.yield
    }) : () -> ()
    "tpu.region"() ({
      %run_scoped3A = tpu.sem_alloc : memref<!tpu.dma_semaphore, #tpu.memory_space<semaphore_mem>>
      %dma_start3A = arith.constant 0 : i32
      %dma_start3A_108 = tpu.memref_slice %arg3[%add3A_88, %dma_start3A] : memref<2560x128xi32, #tpu.memory_space<hbm>> -> memref<80x128xi32, #tpu.memory_space<hbm>>
      %dma_start3A_109 = arith.constant 0 : i32
      %dma_start3A_110 = tpu.memref_slice %arg3[%add3A_88, %dma_start3A_109] : memref<2560x128xi32, #tpu.memory_space<hbm>> -> memref<80x128xi32, #tpu.memory_space<hbm>>
      tpu.enqueue_dma source(%dma_start3A_110 : memref<80x128xi32, #tpu.memory_space<hbm>>) target(%arg14 : memref<80x128xi32, #tpu.memory_space<vmem>>) target_semaphore(%run_scoped3A : memref<!tpu.dma_semaphore, #tpu.memory_space<semaphore_mem>>)
      %dma_wait3A = arith.constant 0 : i32
      %dma_wait3A_111 = tpu.memref_slice %arg3[%add3A_88, %dma_wait3A] : memref<2560x128xi32, #tpu.memory_space<hbm>> -> memref<80x128xi32, #tpu.memory_space<hbm>>
      %dma_wait3A_112 = arith.constant 0 : i32
      %dma_wait3A_113 = tpu.memref_slice %arg3[%add3A_88, %dma_wait3A_112] : memref<2560x128xi32, #tpu.memory_space<hbm>> -> memref<80x128xi32, #tpu.memory_space<hbm>>
      tpu.wait_dma2 semaphore(%run_scoped3A : memref<!tpu.dma_semaphore, #tpu.memory_space<semaphore_mem>>) src(%dma_wait3A_113 : memref<80x128xi32, #tpu.memory_space<hbm>>) dst(%arg14 : memref<80x128xi32, #tpu.memory_space<vmem>>)
      tpu.yield
    }) : () -> ()
    "tpu.region"() ({
      %run_scoped3A = tpu.sem_alloc : memref<!tpu.dma_semaphore, #tpu.memory_space<semaphore_mem>>
      %dma_start3A = arith.constant 0 : i32
      %dma_start3A_108 = tpu.memref_slice %arg4[%add3A_88, %dma_start3A] : memref<2560x128xf32, #tpu.memory_space<hbm>> -> memref<80x128xf32, #tpu.memory_space<hbm>>
      %dma_start3A_109 = arith.constant 0 : i32
      %dma_start3A_110 = tpu.memref_slice %arg4[%add3A_88, %dma_start3A_109] : memref<2560x128xf32, #tpu.memory_space<hbm>> -> memref<80x128xf32, #tpu.memory_space<hbm>>
      tpu.enqueue_dma source(%dma_start3A_110 : memref<80x128xf32, #tpu.memory_space<hbm>>) target(%arg15 : memref<80x128xf32, #tpu.memory_space<vmem>>) target_semaphore(%run_scoped3A : memref<!tpu.dma_semaphore, #tpu.memory_space<semaphore_mem>>)
      %dma_wait3A = arith.constant 0 : i32
      %dma_wait3A_111 = tpu.memref_slice %arg4[%add3A_88, %dma_wait3A] : memref<2560x128xf32, #tpu.memory_space<hbm>> -> memref<80x128xf32, #tpu.memory_space<hbm>>
      %dma_wait3A_112 = arith.constant 0 : i32
      %dma_wait3A_113 = tpu.memref_slice %arg4[%add3A_88, %dma_wait3A_112] : memref<2560x128xf32, #tpu.memory_space<hbm>> -> memref<80x128xf32, #tpu.memory_space<hbm>>
      tpu.wait_dma2 semaphore(%run_scoped3A : memref<!tpu.dma_semaphore, #tpu.memory_space<semaphore_mem>>) src(%dma_wait3A_113 : memref<80x128xf32, #tpu.memory_space<hbm>>) dst(%arg15 : memref<80x128xf32, #tpu.memory_space<vmem>>)
      tpu.yield
    }) : () -> ()
    %scan3A_89 = arith.constant 0 : i32
    %scan3A_90 = arith.constant 0 : i32
    %scan3A_91 = arith.constant 80 : i32
    %scan3A_92 = arith.addi %scan3A_90, %scan3A_91 : i32
    %scan3A_93 = arith.constant 1 : i32
    %scan3A_94 = scf.for %scan3A_108 = %scan3A_90 to %scan3A_92 step %scan3A_93 iter_args(%scan3A_109 = %scan3A_89) -> (i32)  : i32 {
      %add3A_110 = arith.addi %add3A_88, %scan3A_108 : i32
      "tpu.region"() ({
        %run_scoped3A = tpu.sem_alloc : memref<!tpu.dma_semaphore, #tpu.memory_space<semaphore_mem>>
        %dma_start3A = arith.constant 0 : i32
        %dma_start3A_126 = tpu.memref_slice %arg2[%add3A_110, %dma_start3A] : memref<2560x128xi32, #tpu.memory_space<hbm>> -> memref<1x128xi32, #tpu.memory_space<hbm>>
        %dma_start3A_127 = tpu.memref_squeeze %dma_start3A_126 : memref<1x128xi32, #tpu.memory_space<hbm>> -> memref<128xi32, #tpu.memory_space<hbm>>
        %dma_start3A_128 = arith.constant 0 : i32
        %dma_start3A_129 = tpu.memref_slice %arg2[%add3A_110, %dma_start3A_128] : memref<2560x128xi32, #tpu.memory_space<hbm>> -> memref<1x128xi32, #tpu.memory_space<hbm>>
        %dma_start3A_130 = tpu.memref_squeeze %dma_start3A_129 : memref<1x128xi32, #tpu.memory_space<hbm>> -> memref<128xi32, #tpu.memory_space<hbm>>
        tpu.enqueue_dma source(%dma_start3A_130 : memref<128xi32, #tpu.memory_space<hbm>>) target(%arg16 : memref<128xi32, #tpu.memory_space<vmem>>) target_semaphore(%run_scoped3A : memref<!tpu.dma_semaphore, #tpu.memory_space<semaphore_mem>>)
        %dma_wait3A = arith.constant 0 : i32
        %dma_wait3A_131 = tpu.memref_slice %arg2[%add3A_110, %dma_wait3A] : memref<2560x128xi32, #tpu.memory_space<hbm>> -> memref<1x128xi32, #tpu.memory_space<hbm>>
        %dma_wait3A_132 = tpu.memref_squeeze %dma_wait3A_131 : memref<1x128xi32, #tpu.memory_space<hbm>> -> memref<128xi32, #tpu.memory_space<hbm>>
        %dma_wait3A_133 = arith.constant 0 : i32
        %dma_wait3A_134 = tpu.memref_slice %arg2[%add3A_110, %dma_wait3A_133] : memref<2560x128xi32, #tpu.memory_space<hbm>> -> memref<1x128xi32, #tpu.memory_space<hbm>>
        %dma_wait3A_135 = tpu.memref_squeeze %dma_wait3A_134 : memref<1x128xi32, #tpu.memory_space<hbm>> -> memref<128xi32, #tpu.memory_space<hbm>>
        tpu.wait_dma2 semaphore(%run_scoped3A : memref<!tpu.dma_semaphore, #tpu.memory_space<semaphore_mem>>) src(%dma_wait3A_135 : memref<128xi32, #tpu.memory_space<hbm>>) dst(%arg16 : memref<128xi32, #tpu.memory_space<vmem>>)
        tpu.yield
      }) : () -> ()
      "tpu.region"() ({
        %run_scoped3A = tpu.sem_alloc : memref<!tpu.dma_semaphore, #tpu.memory_space<semaphore_mem>>
        %dma_start3A = arith.constant 0 : i32
        %dma_start3A_126 = arith.constant 0 : i32
        %dma_start3A_127 = tpu.memref_slice %arg7[%dma_start3A, %dma_start3A_126] : memref<10240x128xf32, #tpu.memory_space<hbm>> -> memref<10240x128xf32, #tpu.memory_space<hbm>>
        tpu.enqueue_indirect_dma source(%dma_start3A_127 : memref<10240x128xf32, #tpu.memory_space<hbm>>) target(%arg19 : memref<128x128xf32, #tpu.memory_space<vmem>>) offsets(%arg16 : memref<128xi32, #tpu.memory_space<vmem>>) semaphore(%run_scoped3A : memref<!tpu.dma_semaphore, #tpu.memory_space<semaphore_mem>>)
        %dma_wait3A = arith.constant 0 : i32
        %dma_wait3A_128 = arith.constant 0 : i32
        %dma_wait3A_129 = tpu.memref_slice %arg7[%dma_wait3A, %dma_wait3A_128] : memref<10240x128xf32, #tpu.memory_space<hbm>> -> memref<10240x128xf32, #tpu.memory_space<hbm>>
        tpu.wait_indirect_dma semaphore(%run_scoped3A : memref<!tpu.dma_semaphore, #tpu.memory_space<semaphore_mem>>) src(%dma_wait3A_129 : memref<10240x128xf32, #tpu.memory_space<hbm>>) dst(%arg19 : memref<128x128xf32, #tpu.memory_space<vmem>>)
        tpu.yield
      }) : () -> ()
      %scan3A_111 = arith.constant 0 : i32
      %scan3A_112 = arith.constant 0 : i32
      %scan3A_113 = arith.constant 8 : i32
      %scan3A_114 = arith.addi %scan3A_112, %scan3A_113 : i32
      %scan3A_115 = arith.constant 1 : i32
      %scan3A_116 = scf.for %scan3A_126 = %scan3A_112 to %scan3A_114 step %scan3A_115 iter_args(%scan3A_127 = %scan3A_111) -> (i32)  : i32 {
        %mul3A_128 = arith.constant 16 : i32
        %mul3A_129 = arith.muli %scan3A_126, %mul3A_128 : i32
        %get3A = arith.index_cast %scan3A_108 : i32 to index
        %get3A_130 = arith.index_cast %mul3A_129 : i32 to index
        %get3A_131 = tpu.vector_load %arg13[%get3A, %get3A_130] {strides = array<i32>} : memref<80x128xi32, #tpu.memory_space<vmem>>, vector<16xi32>,
        %get3A_132 = arith.index_cast %scan3A_108 : i32 to index
        %get3A_133 = arith.index_cast %mul3A_129 : i32 to index
        %get3A_134 = tpu.vector_load %arg14[%get3A_132, %get3A_133] {strides = array<i32>} : memref<80x128xi32, #tpu.memory_space<vmem>>, vector<16xi32>,
        %get3A_135 = arith.index_cast %scan3A_108 : i32 to index
        %get3A_136 = arith.index_cast %mul3A_129 : i32 to index
        %get3A_137 = tpu.vector_load %arg15[%get3A_135, %get3A_136] {strides = array<i32>} : memref<80x128xf32, #tpu.memory_space<vmem>>, vector<16xf32>,
        %gather3A = tpu.vector_load_idx %arg9[%get3A_131] : memref<10240xf32, #tpu.memory_space<vmem>>[vector<16xi32>], vector<16xf32>,
        %gather3A_138 = tpu.vector_load_idx %arg10[%get3A_134] : memref<10240xf32, #tpu.memory_space<vmem>>[vector<16xi32>], vector<16xf32>,
        %add3A_139 = arith.addf %gather3A, %gather3A_138 : vector<16xf32>
        %add3A_140 = arith.addf %add3A_139, %get3A_137 : vector<16xf32>
        %ge3A = arith.constant 0.000000e+00 : f32
        %ge3A_141 = vector.broadcast %ge3A : f32 to vector<16xf32>
        %ge3A_142 = arith.cmpf oge, %add3A_140, %ge3A_141 : vector<16xf32>
        %mul3A_143 = arith.constant 2.000000e-01 : f32
        %mul3A_144 = vector.broadcast %mul3A_143 : f32 to vector<16xf32>
        %mul3A_145 = arith.mulf %add3A_140, %mul3A_144 : vector<16xf32>
        %select_n3A = arith.select %ge3A_142, %add3A_140, %mul3A_145 : vector<16xi1>, vector<16xf32>
        %exp3A = math.exp %select_n3A : vector<16xf32>
        %shift_right_logical3A = arith.constant 7 : i32
        %shift_right_logical3A_146 = vector.broadcast %shift_right_logical3A : i32 to vector<16xi32>
        %shift_right_logical3A_147 = arith.shrui %get3A_134, %shift_right_logical3A_146 : vector<16xi32>
        %and3A = arith.constant 127 : i32
        %and3A_148 = vector.broadcast %and3A : i32 to vector<16xi32>
        %and3A_149 = arith.andi %get3A_134, %and3A_148 : vector<16xi32>
        %gather3A_150 = tpu.vector_load_idx %arg11[%shift_right_logical3A_147, %and3A_149] : memref<80x128xf32, #tpu.memory_space<vmem>>[vector<16xi32>, vector<16xi32>], vector<16xf32>,
        %add3A_151 = arith.constant 1.000000e-16 : f32
        %add3A_152 = vector.broadcast %add3A_151 : f32 to vector<16xf32>
        %add3A_153 = arith.addf %gather3A_150, %add3A_152 : vector<16xf32>
        %div3A = arith.divf %exp3A, %add3A_153 : vector<16xf32>
        %swap3A_154 = arith.index_cast %mul3A_129 : i32 to index
        %swap3A_155 = tpu.vector_load %arg18[%swap3A_154] {strides = array<i32>} : memref<128xf32, #tpu.memory_space<vmem>>, vector<16xf32>,
        tpu.vector_store %arg18[%swap3A_154], %div3A {strides = array<i32>} : memref<128xf32, #tpu.memory_space<vmem>>, vector<16xf32>,
        %sub3A = vector.broadcast %mul3A_84 : i32 to vector<16xi32>
        %sub3A_156 = arith.subi %get3A_134, %sub3A : vector<16xi32>
        %ge3A_157 = arith.constant 0 : i32
        %ge3A_158 = vector.broadcast %ge3A_157 : i32 to vector<16xi32>
        %ge3A_159 = arith.cmpi sge, %sub3A_156, %ge3A_158 : vector<16xi32>
        %lt3A = arith.constant 5120 : i32
        %lt3A_160 = vector.broadcast %lt3A : i32 to vector<16xi32>
        %lt3A_161 = arith.cmpi slt, %sub3A_156, %lt3A_160 : vector<16xi32>
        %and3A_162 = arith.andi %ge3A_159, %lt3A_161 : vector<16xi1>
        %jit3A = arith.constant 5120 : i32
        %broadcast_in_dim3A = vector.broadcast %jit3A : i32 to vector<16xi32>
        %select_n3A_163 = arith.select %and3A_162, %sub3A_156, %broadcast_in_dim3A : vector<16xi1>, vector<16xi32>
        %swap3A_164 = arith.index_cast %mul3A_129 : i32 to index
        %swap3A_165 = tpu.vector_load %arg17[%swap3A_164] {strides = array<i32>} : memref<128xi32, #tpu.memory_space<vmem>>, vector<16xi32>,
        tpu.vector_store %arg17[%swap3A_164], %select_n3A_163 {strides = array<i32>} : memref<128xi32, #tpu.memory_space<vmem>>, vector<16xi32>,
        %scan3A_166 = arith.constant 0 : i32
        scf.yield %scan3A_166 : i32
      }
      %scan3A_117 = arith.constant 8 : i32
      %scan3A_118 = arith.constant 0 : i32
      %scan3A_119 = arith.constant 0 : i32
      %scan3A_120 = arith.constant 128 : i32
      %scan3A_121 = arith.addi %scan3A_119, %scan3A_120 : i32
      %scan3A_122 = arith.constant 1 : i32
      %scan3A_123 = scf.for %scan3A_126 = %scan3A_119 to %scan3A_121 step %scan3A_122 iter_args(%scan3A_127 = %scan3A_118) -> (i32)  : i32 {
        %broadcast_in_dim3A = vector.broadcast %scan3A_126 : i32 to vector<16xi32>
        %gather3A = tpu.vector_load_idx %arg18[%broadcast_in_dim3A] : memref<128xf32, #tpu.memory_space<vmem>>[vector<16xi32>], vector<16xf32>,
        %get3A = arith.index_cast %scan3A_126 : i32 to index
        %get3A_128 = arith.constant 0 : index
        %get3A_129 = tpu.vector_load %arg19[%get3A, %get3A_128] {strides = array<i32>} : memref<128x128xf32, #tpu.memory_space<vmem>>, vector<16xf32>,
        %mul3A_130 = arith.mulf %get3A_129, %gather3A : vector<16xf32>
        %swap3A_131 = arith.index_cast %scan3A_126 : i32 to index
        %swap3A_132 = arith.constant 0 : index
        %swap3A_133 = tpu.vector_load %arg19[%swap3A_131, %swap3A_132] {strides = array<i32>} : memref<128x128xf32, #tpu.memory_space<vmem>>, vector<16xf32>,
        tpu.vector_store %arg19[%swap3A_131, %swap3A_132], %mul3A_130 {strides = array<i32>} : memref<128x128xf32, #tpu.memory_space<vmem>>, vector<16xf32>,
        %get3A_134 = arith.index_cast %scan3A_126 : i32 to index
        %get3A_135 = arith.constant 16 : index
        %get3A_136 = tpu.vector_load %arg19[%get3A_134, %get3A_135] {strides = array<i32>} : memref<128x128xf32, #tpu.memory_space<vmem>>, vector<16xf32>,
        %mul3A_137 = arith.mulf %get3A_136, %gather3A : vector<16xf32>
        %swap3A_138 = arith.index_cast %scan3A_126 : i32 to index
        %swap3A_139 = arith.constant 16 : index
        %swap3A_140 = tpu.vector_load %arg19[%swap3A_138, %swap3A_139] {strides = array<i32>} : memref<128x128xf32, #tpu.memory_space<vmem>>, vector<16xf32>,
        tpu.vector_store %arg19[%swap3A_138, %swap3A_139], %mul3A_137 {strides = array<i32>} : memref<128x128xf32, #tpu.memory_space<vmem>>, vector<16xf32>,
        %get3A_141 = arith.index_cast %scan3A_126 : i32 to index
        %get3A_142 = arith.constant 32 : index
        %get3A_143 = tpu.vector_load %arg19[%get3A_141, %get3A_142] {strides = array<i32>} : memref<128x128xf32, #tpu.memory_space<vmem>>, vector<16xf32>,
        %mul3A_144 = arith.mulf %get3A_143, %gather3A : vector<16xf32>
        %swap3A_145 = arith.index_cast %scan3A_126 : i32 to index
        %swap3A_146 = arith.constant 32 : index
        %swap3A_147 = tpu.vector_load %arg19[%swap3A_145, %swap3A_146] {strides = array<i32>} : memref<128x128xf32, #tpu.memory_space<vmem>>, vector<16xf32>,
        tpu.vector_store %arg19[%swap3A_145, %swap3A_146], %mul3A_144 {strides = array<i32>} : memref<128x128xf32, #tpu.memory_space<vmem>>, vector<16xf32>,
        %get3A_148 = arith.index_cast %scan3A_126 : i32 to index
        %get3A_149 = arith.constant 48 : index
        %get3A_150 = tpu.vector_load %arg19[%get3A_148, %get3A_149] {strides = array<i32>} : memref<128x128xf32, #tpu.memory_space<vmem>>, vector<16xf32>,
        %mul3A_151 = arith.mulf %get3A_150, %gather3A : vector<16xf32>
        %swap3A_152 = arith.index_cast %scan3A_126 : i32 to index
        %swap3A_153 = arith.constant 48 : index
        %swap3A_154 = tpu.vector_load %arg19[%swap3A_152, %swap3A_153] {strides = array<i32>} : memref<128x128xf32, #tpu.memory_space<vmem>>, vector<16xf32>,
        tpu.vector_store %arg19[%swap3A_152, %swap3A_153], %mul3A_151 {strides = array<i32>} : memref<128x128xf32, #tpu.memory_space<vmem>>, vector<16xf32>,
        %get3A_155 = arith.index_cast %scan3A_126 : i32 to index
        %get3A_156 = arith.constant 64 : index
        %get3A_157 = tpu.vector_load %arg19[%get3A_155, %get3A_156] {strides = array<i32>} : memref<128x128xf32, #tpu.memory_space<vmem>>, vector<16xf32>,
        %mul3A_158 = arith.mulf %get3A_157, %gather3A : vector<16xf32>
        %swap3A_159 = arith.index_cast %scan3A_126 : i32 to index
        %swap3A_160 = arith.constant 64 : index
        %swap3A_161 = tpu.vector_load %arg19[%swap3A_159, %swap3A_160] {strides = array<i32>} : memref<128x128xf32, #tpu.memory_space<vmem>>, vector<16xf32>,
        tpu.vector_store %arg19[%swap3A_159, %swap3A_160], %mul3A_158 {strides = array<i32>} : memref<128x128xf32, #tpu.memory_space<vmem>>, vector<16xf32>,
        %get3A_162 = arith.index_cast %scan3A_126 : i32 to index
        %get3A_163 = arith.constant 80 : index
        %get3A_164 = tpu.vector_load %arg19[%get3A_162, %get3A_163] {strides = array<i32>} : memref<128x128xf32, #tpu.memory_space<vmem>>, vector<16xf32>,
        %mul3A_165 = arith.mulf %get3A_164, %gather3A : vector<16xf32>
        %swap3A_166 = arith.index_cast %scan3A_126 : i32 to index
        %swap3A_167 = arith.constant 80 : index
        %swap3A_168 = tpu.vector_load %arg19[%swap3A_166, %swap3A_167] {strides = array<i32>} : memref<128x128xf32, #tpu.memory_space<vmem>>, vector<16xf32>,
        tpu.vector_store %arg19[%swap3A_166, %swap3A_167], %mul3A_165 {strides = array<i32>} : memref<128x128xf32, #tpu.memory_space<vmem>>, vector<16xf32>,
        %get3A_169 = arith.index_cast %scan3A_126 : i32 to index
        %get3A_170 = arith.constant 96 : index
        %get3A_171 = tpu.vector_load %arg19[%get3A_169, %get3A_170] {strides = array<i32>} : memref<128x128xf32, #tpu.memory_space<vmem>>, vector<16xf32>,
        %mul3A_172 = arith.mulf %get3A_171, %gather3A : vector<16xf32>
        %swap3A_173 = arith.index_cast %scan3A_126 : i32 to index
        %swap3A_174 = arith.constant 96 : index
        %swap3A_175 = tpu.vector_load %arg19[%swap3A_173, %swap3A_174] {strides = array<i32>} : memref<128x128xf32, #tpu.memory_space<vmem>>, vector<16xf32>,
        tpu.vector_store %arg19[%swap3A_173, %swap3A_174], %mul3A_172 {strides = array<i32>} : memref<128x128xf32, #tpu.memory_space<vmem>>, vector<16xf32>,
        %get3A_176 = arith.index_cast %scan3A_126 : i32 to index
        %get3A_177 = arith.constant 112 : index
        %get3A_178 = tpu.vector_load %arg19[%get3A_176, %get3A_177] {strides = array<i32>} : memref<128x128xf32, #tpu.memory_space<vmem>>, vector<16xf32>,
        %mul3A_179 = arith.mulf %get3A_178, %gather3A : vector<16xf32>
        %swap3A_180 = arith.index_cast %scan3A_126 : i32 to index
        %swap3A_181 = arith.constant 112 : index
        %swap3A_182 = tpu.vector_load %arg19[%swap3A_180, %swap3A_181] {strides = array<i32>} : memref<128x128xf32, #tpu.memory_space<vmem>>, vector<16xf32>,
        tpu.vector_store %arg19[%swap3A_180, %swap3A_181], %mul3A_179 {strides = array<i32>} : memref<128x128xf32, #tpu.memory_space<vmem>>, vector<16xf32>,
        %scan3A_183 = arith.constant 0 : i32
        scf.yield %scan3A_183 : i32
      }
      %scan3A_124 = arith.constant 128 : i32
      "tpu.region"() ({
        %run_scoped3A = tpu.sem_alloc : memref<!tpu.dma_semaphore, #tpu.memory_space<semaphore_mem>>
        %dma_start3A = arith.constant 0 : i32
        %dma_start3A_126 = arith.constant 0 : i32
        %dma_start3A_127 = tpu.memref_slice %arg21[%dma_start3A, %dma_start3A_126] : memref<5128x128xf32, #tpu.memory_space<vmem_shared>> -> memref<5128x128xf32, #tpu.memory_space<vmem_shared>>
        tpu.enqueue_indirect_dma source(%arg19 : memref<128x128xf32, #tpu.memory_space<vmem>>) target(%dma_start3A_127 : memref<5128x128xf32, #tpu.memory_space<vmem_shared>>) offsets(%arg17 : memref<128xi32, #tpu.memory_space<vmem>>) semaphore(%run_scoped3A : memref<!tpu.dma_semaphore, #tpu.memory_space<semaphore_mem>>) {add = true}
        %dma_wait3A = arith.constant 0 : i32
        %dma_wait3A_128 = arith.constant 0 : i32
        %dma_wait3A_129 = tpu.memref_slice %arg21[%dma_wait3A, %dma_wait3A_128] : memref<5128x128xf32, #tpu.memory_space<vmem_shared>> -> memref<5128x128xf32, #tpu.memory_space<vmem_shared>>
        tpu.wait_indirect_dma semaphore(%run_scoped3A : memref<!tpu.dma_semaphore, #tpu.memory_space<semaphore_mem>>) src(%arg19 : memref<128x128xf32, #tpu.memory_space<vmem>>) dst(%dma_wait3A_129 : memref<5128x128xf32, #tpu.memory_space<vmem_shared>>)
        tpu.yield
      }) : () -> ()
      %scan3A_125 = arith.constant 0 : i32
      scf.yield %scan3A_125 : i32
    }
    %scan3A_95 = arith.constant 80 : i32
    %mul3A_96 = arith.constant 160 : i32
    %mul3A_97 = arith.muli %arg1, %mul3A_96 : i32
    %add3A_98 = arith.constant 80 : i32
    %add3A_99 = arith.addi %mul3A_97, %add3A_98 : i32
    "tpu.region"() ({
      %run_scoped3A = tpu.sem_alloc : memref<!tpu.dma_semaphore, #tpu.memory_space<semaphore_mem>>
      %dma_start3A = arith.constant 0 : i32
      %dma_start3A_108 = tpu.memref_slice %arg2[%add3A_99, %dma_start3A] : memref<2560x128xi32, #tpu.memory_space<hbm>> -> memref<80x128xi32, #tpu.memory_space<hbm>>
      %dma_start3A_109 = arith.constant 0 : i32
      %dma_start3A_110 = tpu.memref_slice %arg2[%add3A_99, %dma_start3A_109] : memref<2560x128xi32, #tpu.memory_space<hbm>> -> memref<80x128xi32, #tpu.memory_space<hbm>>
      tpu.enqueue_dma source(%dma_start3A_110 : memref<80x128xi32, #tpu.memory_space<hbm>>) target(%arg13 : memref<80x128xi32, #tpu.memory_space<vmem>>) target_semaphore(%run_scoped3A : memref<!tpu.dma_semaphore, #tpu.memory_space<semaphore_mem>>)
      %dma_wait3A = arith.constant 0 : i32
      %dma_wait3A_111 = tpu.memref_slice %arg2[%add3A_99, %dma_wait3A] : memref<2560x128xi32, #tpu.memory_space<hbm>> -> memref<80x128xi32, #tpu.memory_space<hbm>>
      %dma_wait3A_112 = arith.constant 0 : i32
      %dma_wait3A_113 = tpu.memref_slice %arg2[%add3A_99, %dma_wait3A_112] : memref<2560x128xi32, #tpu.memory_space<hbm>> -> memref<80x128xi32, #tpu.memory_space<hbm>>
      tpu.wait_dma2 semaphore(%run_scoped3A : memref<!tpu.dma_semaphore, #tpu.memory_space<semaphore_mem>>) src(%dma_wait3A_113 : memref<80x128xi32, #tpu.memory_space<hbm>>) dst(%arg13 : memref<80x128xi32, #tpu.memory_space<vmem>>)
      tpu.yield
    }) : () -> ()
    "tpu.region"() ({
      %run_scoped3A = tpu.sem_alloc : memref<!tpu.dma_semaphore, #tpu.memory_space<semaphore_mem>>
      %dma_start3A = arith.constant 0 : i32
      %dma_start3A_108 = tpu.memref_slice %arg3[%add3A_99, %dma_start3A] : memref<2560x128xi32, #tpu.memory_space<hbm>> -> memref<80x128xi32, #tpu.memory_space<hbm>>
      %dma_start3A_109 = arith.constant 0 : i32
      %dma_start3A_110 = tpu.memref_slice %arg3[%add3A_99, %dma_start3A_109] : memref<2560x128xi32, #tpu.memory_space<hbm>> -> memref<80x128xi32, #tpu.memory_space<hbm>>
      tpu.enqueue_dma source(%dma_start3A_110 : memref<80x128xi32, #tpu.memory_space<hbm>>) target(%arg14 : memref<80x128xi32, #tpu.memory_space<vmem>>) target_semaphore(%run_scoped3A : memref<!tpu.dma_semaphore, #tpu.memory_space<semaphore_mem>>)
      %dma_wait3A = arith.constant 0 : i32
      %dma_wait3A_111 = tpu.memref_slice %arg3[%add3A_99, %dma_wait3A] : memref<2560x128xi32, #tpu.memory_space<hbm>> -> memref<80x128xi32, #tpu.memory_space<hbm>>
      %dma_wait3A_112 = arith.constant 0 : i32
      %dma_wait3A_113 = tpu.memref_slice %arg3[%add3A_99, %dma_wait3A_112] : memref<2560x128xi32, #tpu.memory_space<hbm>> -> memref<80x128xi32, #tpu.memory_space<hbm>>
      tpu.wait_dma2 semaphore(%run_scoped3A : memref<!tpu.dma_semaphore, #tpu.memory_space<semaphore_mem>>) src(%dma_wait3A_113 : memref<80x128xi32, #tpu.memory_space<hbm>>) dst(%arg14 : memref<80x128xi32, #tpu.memory_space<vmem>>)
      tpu.yield
    }) : () -> ()
    "tpu.region"() ({
      %run_scoped3A = tpu.sem_alloc : memref<!tpu.dma_semaphore, #tpu.memory_space<semaphore_mem>>
      %dma_start3A = arith.constant 0 : i32
      %dma_start3A_108 = tpu.memref_slice %arg4[%add3A_99, %dma_start3A] : memref<2560x128xf32, #tpu.memory_space<hbm>> -> memref<80x128xf32, #tpu.memory_space<hbm>>
      %dma_start3A_109 = arith.constant 0 : i32
      %dma_start3A_110 = tpu.memref_slice %arg4[%add3A_99, %dma_start3A_109] : memref<2560x128xf32, #tpu.memory_space<hbm>> -> memref<80x128xf32, #tpu.memory_space<hbm>>
      tpu.enqueue_dma source(%dma_start3A_110 : memref<80x128xf32, #tpu.memory_space<hbm>>) target(%arg15 : memref<80x128xf32, #tpu.memory_space<vmem>>) target_semaphore(%run_scoped3A : memref<!tpu.dma_semaphore, #tpu.memory_space<semaphore_mem>>)
      %dma_wait3A = arith.constant 0 : i32
      %dma_wait3A_111 = tpu.memref_slice %arg4[%add3A_99, %dma_wait3A] : memref<2560x128xf32, #tpu.memory_space<hbm>> -> memref<80x128xf32, #tpu.memory_space<hbm>>
      %dma_wait3A_112 = arith.constant 0 : i32
      %dma_wait3A_113 = tpu.memref_slice %arg4[%add3A_99, %dma_wait3A_112] : memref<2560x128xf32, #tpu.memory_space<hbm>> -> memref<80x128xf32, #tpu.memory_space<hbm>>
      tpu.wait_dma2 semaphore(%run_scoped3A : memref<!tpu.dma_semaphore, #tpu.memory_space<semaphore_mem>>) src(%dma_wait3A_113 : memref<80x128xf32, #tpu.memory_space<hbm>>) dst(%arg15 : memref<80x128xf32, #tpu.memory_space<vmem>>)
      tpu.yield
    }) : () -> ()
    %scan3A_100 = arith.constant 0 : i32
    %scan3A_101 = arith.constant 0 : i32
    %scan3A_102 = arith.constant 80 : i32
    %scan3A_103 = arith.addi %scan3A_101, %scan3A_102 : i32
    %scan3A_104 = arith.constant 1 : i32
    %scan3A_105 = scf.for %scan3A_108 = %scan3A_101 to %scan3A_103 step %scan3A_104 iter_args(%scan3A_109 = %scan3A_100) -> (i32)  : i32 {
      %add3A_110 = arith.addi %add3A_99, %scan3A_108 : i32
      "tpu.region"() ({
        %run_scoped3A = tpu.sem_alloc : memref<!tpu.dma_semaphore, #tpu.memory_space<semaphore_mem>>
        %dma_start3A = arith.constant 0 : i32
        %dma_start3A_126 = tpu.memref_slice %arg2[%add3A_110, %dma_start3A] : memref<2560x128xi32, #tpu.memory_space<hbm>> -> memref<1x128xi32, #tpu.memory_space<hbm>>
        %dma_start3A_127 = tpu.memref_squeeze %dma_start3A_126 : memref<1x128xi32, #tpu.memory_space<hbm>> -> memref<128xi32, #tpu.memory_space<hbm>>
        %dma_start3A_128 = arith.constant 0 : i32
        %dma_start3A_129 = tpu.memref_slice %arg2[%add3A_110, %dma_start3A_128] : memref<2560x128xi32, #tpu.memory_space<hbm>> -> memref<1x128xi32, #tpu.memory_space<hbm>>
        %dma_start3A_130 = tpu.memref_squeeze %dma_start3A_129 : memref<1x128xi32, #tpu.memory_space<hbm>> -> memref<128xi32, #tpu.memory_space<hbm>>
        tpu.enqueue_dma source(%dma_start3A_130 : memref<128xi32, #tpu.memory_space<hbm>>) target(%arg16 : memref<128xi32, #tpu.memory_space<vmem>>) target_semaphore(%run_scoped3A : memref<!tpu.dma_semaphore, #tpu.memory_space<semaphore_mem>>)
        %dma_wait3A = arith.constant 0 : i32
        %dma_wait3A_131 = tpu.memref_slice %arg2[%add3A_110, %dma_wait3A] : memref<2560x128xi32, #tpu.memory_space<hbm>> -> memref<1x128xi32, #tpu.memory_space<hbm>>
        %dma_wait3A_132 = tpu.memref_squeeze %dma_wait3A_131 : memref<1x128xi32, #tpu.memory_space<hbm>> -> memref<128xi32, #tpu.memory_space<hbm>>
        %dma_wait3A_133 = arith.constant 0 : i32
        %dma_wait3A_134 = tpu.memref_slice %arg2[%add3A_110, %dma_wait3A_133] : memref<2560x128xi32, #tpu.memory_space<hbm>> -> memref<1x128xi32, #tpu.memory_space<hbm>>
        %dma_wait3A_135 = tpu.memref_squeeze %dma_wait3A_134 : memref<1x128xi32, #tpu.memory_space<hbm>> -> memref<128xi32, #tpu.memory_space<hbm>>
        tpu.wait_dma2 semaphore(%run_scoped3A : memref<!tpu.dma_semaphore, #tpu.memory_space<semaphore_mem>>) src(%dma_wait3A_135 : memref<128xi32, #tpu.memory_space<hbm>>) dst(%arg16 : memref<128xi32, #tpu.memory_space<vmem>>)
        tpu.yield
      }) : () -> ()
      "tpu.region"() ({
        %run_scoped3A = tpu.sem_alloc : memref<!tpu.dma_semaphore, #tpu.memory_space<semaphore_mem>>
        %dma_start3A = arith.constant 0 : i32
        %dma_start3A_126 = arith.constant 0 : i32
        %dma_start3A_127 = tpu.memref_slice %arg7[%dma_start3A, %dma_start3A_126] : memref<10240x128xf32, #tpu.memory_space<hbm>> -> memref<10240x128xf32, #tpu.memory_space<hbm>>
        tpu.enqueue_indirect_dma source(%dma_start3A_127 : memref<10240x128xf32, #tpu.memory_space<hbm>>) target(%arg19 : memref<128x128xf32, #tpu.memory_space<vmem>>) offsets(%arg16 : memref<128xi32, #tpu.memory_space<vmem>>) semaphore(%run_scoped3A : memref<!tpu.dma_semaphore, #tpu.memory_space<semaphore_mem>>)
        %dma_wait3A = arith.constant 0 : i32
        %dma_wait3A_128 = arith.constant 0 : i32
        %dma_wait3A_129 = tpu.memref_slice %arg7[%dma_wait3A, %dma_wait3A_128] : memref<10240x128xf32, #tpu.memory_space<hbm>> -> memref<10240x128xf32, #tpu.memory_space<hbm>>
        tpu.wait_indirect_dma semaphore(%run_scoped3A : memref<!tpu.dma_semaphore, #tpu.memory_space<semaphore_mem>>) src(%dma_wait3A_129 : memref<10240x128xf32, #tpu.memory_space<hbm>>) dst(%arg19 : memref<128x128xf32, #tpu.memory_space<vmem>>)
        tpu.yield
      }) : () -> ()
      %scan3A_111 = arith.constant 0 : i32
      %scan3A_112 = arith.constant 0 : i32
      %scan3A_113 = arith.constant 8 : i32
      %scan3A_114 = arith.addi %scan3A_112, %scan3A_113 : i32
      %scan3A_115 = arith.constant 1 : i32
      %scan3A_116 = scf.for %scan3A_126 = %scan3A_112 to %scan3A_114 step %scan3A_115 iter_args(%scan3A_127 = %scan3A_111) -> (i32)  : i32 {
        %mul3A_128 = arith.constant 16 : i32
        %mul3A_129 = arith.muli %scan3A_126, %mul3A_128 : i32
        %get3A = arith.index_cast %scan3A_108 : i32 to index
        %get3A_130 = arith.index_cast %mul3A_129 : i32 to index
        %get3A_131 = tpu.vector_load %arg13[%get3A, %get3A_130] {strides = array<i32>} : memref<80x128xi32, #tpu.memory_space<vmem>>, vector<16xi32>,
        %get3A_132 = arith.index_cast %scan3A_108 : i32 to index
        %get3A_133 = arith.index_cast %mul3A_129 : i32 to index
        %get3A_134 = tpu.vector_load %arg14[%get3A_132, %get3A_133] {strides = array<i32>} : memref<80x128xi32, #tpu.memory_space<vmem>>, vector<16xi32>,
        %get3A_135 = arith.index_cast %scan3A_108 : i32 to index
        %get3A_136 = arith.index_cast %mul3A_129 : i32 to index
        %get3A_137 = tpu.vector_load %arg15[%get3A_135, %get3A_136] {strides = array<i32>} : memref<80x128xf32, #tpu.memory_space<vmem>>, vector<16xf32>,
        %gather3A = tpu.vector_load_idx %arg9[%get3A_131] : memref<10240xf32, #tpu.memory_space<vmem>>[vector<16xi32>], vector<16xf32>,
        %gather3A_138 = tpu.vector_load_idx %arg10[%get3A_134] : memref<10240xf32, #tpu.memory_space<vmem>>[vector<16xi32>], vector<16xf32>,
        %add3A_139 = arith.addf %gather3A, %gather3A_138 : vector<16xf32>
        %add3A_140 = arith.addf %add3A_139, %get3A_137 : vector<16xf32>
        %ge3A = arith.constant 0.000000e+00 : f32
        %ge3A_141 = vector.broadcast %ge3A : f32 to vector<16xf32>
        %ge3A_142 = arith.cmpf oge, %add3A_140, %ge3A_141 : vector<16xf32>
        %mul3A_143 = arith.constant 2.000000e-01 : f32
        %mul3A_144 = vector.broadcast %mul3A_143 : f32 to vector<16xf32>
        %mul3A_145 = arith.mulf %add3A_140, %mul3A_144 : vector<16xf32>
        %select_n3A = arith.select %ge3A_142, %add3A_140, %mul3A_145 : vector<16xi1>, vector<16xf32>
        %exp3A = math.exp %select_n3A : vector<16xf32>
        %shift_right_logical3A = arith.constant 7 : i32
        %shift_right_logical3A_146 = vector.broadcast %shift_right_logical3A : i32 to vector<16xi32>
        %shift_right_logical3A_147 = arith.shrui %get3A_134, %shift_right_logical3A_146 : vector<16xi32>
        %and3A = arith.constant 127 : i32
        %and3A_148 = vector.broadcast %and3A : i32 to vector<16xi32>
        %and3A_149 = arith.andi %get3A_134, %and3A_148 : vector<16xi32>
        %gather3A_150 = tpu.vector_load_idx %arg11[%shift_right_logical3A_147, %and3A_149] : memref<80x128xf32, #tpu.memory_space<vmem>>[vector<16xi32>, vector<16xi32>], vector<16xf32>,
        %add3A_151 = arith.constant 1.000000e-16 : f32
        %add3A_152 = vector.broadcast %add3A_151 : f32 to vector<16xf32>
        %add3A_153 = arith.addf %gather3A_150, %add3A_152 : vector<16xf32>
        %div3A = arith.divf %exp3A, %add3A_153 : vector<16xf32>
        %swap3A_154 = arith.index_cast %mul3A_129 : i32 to index
        %swap3A_155 = tpu.vector_load %arg18[%swap3A_154] {strides = array<i32>} : memref<128xf32, #tpu.memory_space<vmem>>, vector<16xf32>,
        tpu.vector_store %arg18[%swap3A_154], %div3A {strides = array<i32>} : memref<128xf32, #tpu.memory_space<vmem>>, vector<16xf32>,
        %sub3A = vector.broadcast %mul3A_84 : i32 to vector<16xi32>
        %sub3A_156 = arith.subi %get3A_134, %sub3A : vector<16xi32>
        %ge3A_157 = arith.constant 0 : i32
        %ge3A_158 = vector.broadcast %ge3A_157 : i32 to vector<16xi32>
        %ge3A_159 = arith.cmpi sge, %sub3A_156, %ge3A_158 : vector<16xi32>
        %lt3A = arith.constant 5120 : i32
        %lt3A_160 = vector.broadcast %lt3A : i32 to vector<16xi32>
        %lt3A_161 = arith.cmpi slt, %sub3A_156, %lt3A_160 : vector<16xi32>
        %and3A_162 = arith.andi %ge3A_159, %lt3A_161 : vector<16xi1>
        %jit3A = arith.constant 5120 : i32
        %broadcast_in_dim3A = vector.broadcast %jit3A : i32 to vector<16xi32>
        %select_n3A_163 = arith.select %and3A_162, %sub3A_156, %broadcast_in_dim3A : vector<16xi1>, vector<16xi32>
        %swap3A_164 = arith.index_cast %mul3A_129 : i32 to index
        %swap3A_165 = tpu.vector_load %arg17[%swap3A_164] {strides = array<i32>} : memref<128xi32, #tpu.memory_space<vmem>>, vector<16xi32>,
        tpu.vector_store %arg17[%swap3A_164], %select_n3A_163 {strides = array<i32>} : memref<128xi32, #tpu.memory_space<vmem>>, vector<16xi32>,
        %scan3A_166 = arith.constant 0 : i32
        scf.yield %scan3A_166 : i32
      }
      %scan3A_117 = arith.constant 8 : i32
      %scan3A_118 = arith.constant 0 : i32
      %scan3A_119 = arith.constant 0 : i32
      %scan3A_120 = arith.constant 128 : i32
      %scan3A_121 = arith.addi %scan3A_119, %scan3A_120 : i32
      %scan3A_122 = arith.constant 1 : i32
      %scan3A_123 = scf.for %scan3A_126 = %scan3A_119 to %scan3A_121 step %scan3A_122 iter_args(%scan3A_127 = %scan3A_118) -> (i32)  : i32 {
        %broadcast_in_dim3A = vector.broadcast %scan3A_126 : i32 to vector<16xi32>
        %gather3A = tpu.vector_load_idx %arg18[%broadcast_in_dim3A] : memref<128xf32, #tpu.memory_space<vmem>>[vector<16xi32>], vector<16xf32>,
        %get3A = arith.index_cast %scan3A_126 : i32 to index
        %get3A_128 = arith.constant 0 : index
        %get3A_129 = tpu.vector_load %arg19[%get3A, %get3A_128] {strides = array<i32>} : memref<128x128xf32, #tpu.memory_space<vmem>>, vector<16xf32>,
        %mul3A_130 = arith.mulf %get3A_129, %gather3A : vector<16xf32>
        %swap3A_131 = arith.index_cast %scan3A_126 : i32 to index
        %swap3A_132 = arith.constant 0 : index
        %swap3A_133 = tpu.vector_load %arg19[%swap3A_131, %swap3A_132] {strides = array<i32>} : memref<128x128xf32, #tpu.memory_space<vmem>>, vector<16xf32>,
        tpu.vector_store %arg19[%swap3A_131, %swap3A_132], %mul3A_130 {strides = array<i32>} : memref<128x128xf32, #tpu.memory_space<vmem>>, vector<16xf32>,
        %get3A_134 = arith.index_cast %scan3A_126 : i32 to index
        %get3A_135 = arith.constant 16 : index
        %get3A_136 = tpu.vector_load %arg19[%get3A_134, %get3A_135] {strides = array<i32>} : memref<128x128xf32, #tpu.memory_space<vmem>>, vector<16xf32>,
        %mul3A_137 = arith.mulf %get3A_136, %gather3A : vector<16xf32>
        %swap3A_138 = arith.index_cast %scan3A_126 : i32 to index
        %swap3A_139 = arith.constant 16 : index
        %swap3A_140 = tpu.vector_load %arg19[%swap3A_138, %swap3A_139] {strides = array<i32>} : memref<128x128xf32, #tpu.memory_space<vmem>>, vector<16xf32>,
        tpu.vector_store %arg19[%swap3A_138, %swap3A_139], %mul3A_137 {strides = array<i32>} : memref<128x128xf32, #tpu.memory_space<vmem>>, vector<16xf32>,
        %get3A_141 = arith.index_cast %scan3A_126 : i32 to index
        %get3A_142 = arith.constant 32 : index
        %get3A_143 = tpu.vector_load %arg19[%get3A_141, %get3A_142] {strides = array<i32>} : memref<128x128xf32, #tpu.memory_space<vmem>>, vector<16xf32>,
        %mul3A_144 = arith.mulf %get3A_143, %gather3A : vector<16xf32>
        %swap3A_145 = arith.index_cast %scan3A_126 : i32 to index
        %swap3A_146 = arith.constant 32 : index
        %swap3A_147 = tpu.vector_load %arg19[%swap3A_145, %swap3A_146] {strides = array<i32>} : memref<128x128xf32, #tpu.memory_space<vmem>>, vector<16xf32>,
        tpu.vector_store %arg19[%swap3A_145, %swap3A_146], %mul3A_144 {strides = array<i32>} : memref<128x128xf32, #tpu.memory_space<vmem>>, vector<16xf32>,
        %get3A_148 = arith.index_cast %scan3A_126 : i32 to index
        %get3A_149 = arith.constant 48 : index
        %get3A_150 = tpu.vector_load %arg19[%get3A_148, %get3A_149] {strides = array<i32>} : memref<128x128xf32, #tpu.memory_space<vmem>>, vector<16xf32>,
        %mul3A_151 = arith.mulf %get3A_150, %gather3A : vector<16xf32>
        %swap3A_152 = arith.index_cast %scan3A_126 : i32 to index
        %swap3A_153 = arith.constant 48 : index
        %swap3A_154 = tpu.vector_load %arg19[%swap3A_152, %swap3A_153] {strides = array<i32>} : memref<128x128xf32, #tpu.memory_space<vmem>>, vector<16xf32>,
        tpu.vector_store %arg19[%swap3A_152, %swap3A_153], %mul3A_151 {strides = array<i32>} : memref<128x128xf32, #tpu.memory_space<vmem>>, vector<16xf32>,
        %get3A_155 = arith.index_cast %scan3A_126 : i32 to index
        %get3A_156 = arith.constant 64 : index
        %get3A_157 = tpu.vector_load %arg19[%get3A_155, %get3A_156] {strides = array<i32>} : memref<128x128xf32, #tpu.memory_space<vmem>>, vector<16xf32>,
        %mul3A_158 = arith.mulf %get3A_157, %gather3A : vector<16xf32>
        %swap3A_159 = arith.index_cast %scan3A_126 : i32 to index
        %swap3A_160 = arith.constant 64 : index
        %swap3A_161 = tpu.vector_load %arg19[%swap3A_159, %swap3A_160] {strides = array<i32>} : memref<128x128xf32, #tpu.memory_space<vmem>>, vector<16xf32>,
        tpu.vector_store %arg19[%swap3A_159, %swap3A_160], %mul3A_158 {strides = array<i32>} : memref<128x128xf32, #tpu.memory_space<vmem>>, vector<16xf32>,
        %get3A_162 = arith.index_cast %scan3A_126 : i32 to index
        %get3A_163 = arith.constant 80 : index
        %get3A_164 = tpu.vector_load %arg19[%get3A_162, %get3A_163] {strides = array<i32>} : memref<128x128xf32, #tpu.memory_space<vmem>>, vector<16xf32>,
        %mul3A_165 = arith.mulf %get3A_164, %gather3A : vector<16xf32>
        %swap3A_166 = arith.index_cast %scan3A_126 : i32 to index
        %swap3A_167 = arith.constant 80 : index
        %swap3A_168 = tpu.vector_load %arg19[%swap3A_166, %swap3A_167] {strides = array<i32>} : memref<128x128xf32, #tpu.memory_space<vmem>>, vector<16xf32>,
        tpu.vector_store %arg19[%swap3A_166, %swap3A_167], %mul3A_165 {strides = array<i32>} : memref<128x128xf32, #tpu.memory_space<vmem>>, vector<16xf32>,
        %get3A_169 = arith.index_cast %scan3A_126 : i32 to index
        %get3A_170 = arith.constant 96 : index
        %get3A_171 = tpu.vector_load %arg19[%get3A_169, %get3A_170] {strides = array<i32>} : memref<128x128xf32, #tpu.memory_space<vmem>>, vector<16xf32>,
        %mul3A_172 = arith.mulf %get3A_171, %gather3A : vector<16xf32>
        %swap3A_173 = arith.index_cast %scan3A_126 : i32 to index
        %swap3A_174 = arith.constant 96 : index
        %swap3A_175 = tpu.vector_load %arg19[%swap3A_173, %swap3A_174] {strides = array<i32>} : memref<128x128xf32, #tpu.memory_space<vmem>>, vector<16xf32>,
        tpu.vector_store %arg19[%swap3A_173, %swap3A_174], %mul3A_172 {strides = array<i32>} : memref<128x128xf32, #tpu.memory_space<vmem>>, vector<16xf32>,
        %get3A_176 = arith.index_cast %scan3A_126 : i32 to index
        %get3A_177 = arith.constant 112 : index
        %get3A_178 = tpu.vector_load %arg19[%get3A_176, %get3A_177] {strides = array<i32>} : memref<128x128xf32, #tpu.memory_space<vmem>>, vector<16xf32>,
        %mul3A_179 = arith.mulf %get3A_178, %gather3A : vector<16xf32>
        %swap3A_180 = arith.index_cast %scan3A_126 : i32 to index
        %swap3A_181 = arith.constant 112 : index
        %swap3A_182 = tpu.vector_load %arg19[%swap3A_180, %swap3A_181] {strides = array<i32>} : memref<128x128xf32, #tpu.memory_space<vmem>>, vector<16xf32>,
        tpu.vector_store %arg19[%swap3A_180, %swap3A_181], %mul3A_179 {strides = array<i32>} : memref<128x128xf32, #tpu.memory_space<vmem>>, vector<16xf32>,
        %scan3A_183 = arith.constant 0 : i32
        scf.yield %scan3A_183 : i32
      }
      %scan3A_124 = arith.constant 128 : i32
      "tpu.region"() ({
        %run_scoped3A = tpu.sem_alloc : memref<!tpu.dma_semaphore, #tpu.memory_space<semaphore_mem>>
        %dma_start3A = arith.constant 0 : i32
        %dma_start3A_126 = arith.constant 0 : i32
        %dma_start3A_127 = tpu.memref_slice %arg21[%dma_start3A, %dma_start3A_126] : memref<5128x128xf32, #tpu.memory_space<vmem_shared>> -> memref<5128x128xf32, #tpu.memory_space<vmem_shared>>
        tpu.enqueue_indirect_dma source(%arg19 : memref<128x128xf32, #tpu.memory_space<vmem>>) target(%dma_start3A_127 : memref<5128x128xf32, #tpu.memory_space<vmem_shared>>) offsets(%arg17 : memref<128xi32, #tpu.memory_space<vmem>>) semaphore(%run_scoped3A : memref<!tpu.dma_semaphore, #tpu.memory_space<semaphore_mem>>) {add = true}
        %dma_wait3A = arith.constant 0 : i32
        %dma_wait3A_128 = arith.constant 0 : i32
        %dma_wait3A_129 = tpu.memref_slice %arg21[%dma_wait3A, %dma_wait3A_128] : memref<5128x128xf32, #tpu.memory_space<vmem_shared>> -> memref<5128x128xf32, #tpu.memory_space<vmem_shared>>
        tpu.wait_indirect_dma semaphore(%run_scoped3A : memref<!tpu.dma_semaphore, #tpu.memory_space<semaphore_mem>>) src(%arg19 : memref<128x128xf32, #tpu.memory_space<vmem>>) dst(%dma_wait3A_129 : memref<5128x128xf32, #tpu.memory_space<vmem_shared>>)
        tpu.yield
      }) : () -> ()
      %scan3A_125 = arith.constant 0 : i32
      scf.yield %scan3A_125 : i32
    }
    %scan3A_106 = arith.constant 80 : i32
    %barrier3A_107 = arith.constant 0 : index
    tpu.barrier barrier_id(%barrier3A_107)
    "tpu.region"() ({
      %run_scoped3A = tpu.sem_alloc : memref<!tpu.dma_semaphore, #tpu.memory_space<semaphore_mem>>
      %dma_start3A = arith.constant 0 : i32
      %dma_start3A_108 = tpu.memref_slice %arg8[%arg0, %mul3A_2, %dma_start3A] : memref<2x5120x128xf32, #tpu.memory_space<hbm>> -> memref<1x320x128xf32, #tpu.memory_space<hbm>>
      %dma_start3A_109 = tpu.memref_squeeze %dma_start3A_108 : memref<1x320x128xf32, #tpu.memory_space<hbm>> -> memref<320x128xf32, #tpu.memory_space<hbm>>
      %dma_start3A_110 = arith.constant 0 : i32
      %dma_start3A_111 = tpu.memref_slice %arg21[%mul3A_2, %dma_start3A_110] : memref<5128x128xf32, #tpu.memory_space<vmem_shared>> -> memref<320x128xf32, #tpu.memory_space<vmem_shared>>
      tpu.enqueue_dma source(%dma_start3A_111 : memref<320x128xf32, #tpu.memory_space<vmem_shared>>) target(%dma_start3A_109 : memref<320x128xf32, #tpu.memory_space<hbm>>) target_semaphore(%run_scoped3A : memref<!tpu.dma_semaphore, #tpu.memory_space<semaphore_mem>>)
      %dma_wait3A = arith.constant 0 : i32
      %dma_wait3A_112 = tpu.memref_slice %arg8[%arg0, %mul3A_2, %dma_wait3A] : memref<2x5120x128xf32, #tpu.memory_space<hbm>> -> memref<1x320x128xf32, #tpu.memory_space<hbm>>
      %dma_wait3A_113 = tpu.memref_squeeze %dma_wait3A_112 : memref<1x320x128xf32, #tpu.memory_space<hbm>> -> memref<320x128xf32, #tpu.memory_space<hbm>>
      %dma_wait3A_114 = arith.constant 0 : i32
      %dma_wait3A_115 = tpu.memref_slice %arg21[%mul3A_2, %dma_wait3A_114] : memref<5128x128xf32, #tpu.memory_space<vmem_shared>> -> memref<320x128xf32, #tpu.memory_space<vmem_shared>>
      tpu.wait_dma2 semaphore(%run_scoped3A : memref<!tpu.dma_semaphore, #tpu.memory_space<semaphore_mem>>) src(%dma_wait3A_115 : memref<320x128xf32, #tpu.memory_space<vmem_shared>>) dst(%dma_wait3A_113 : memref<320x128xf32, #tpu.memory_space<hbm>>)
      tpu.yield
    }) : () -> ()
    return
  }
}

#map = affine_map<(d0, d1) -> (0, 0)>
#map1 = affine_map<(d0, d1) -> (0)>
#map2 = affine_map<(d0, d1) -> (0, 0, 0)>
module attributes {stable_mosaic.version = 14 : i64} {
  func.func @_edge_pass_body(%arg0: i32, %arg1: i32, %arg2: memref<2560x128xi32, #tpu.memory_space<hbm>>, %arg3: memref<2560x128xi32, #tpu.memory_space<hbm>>, %arg4: memref<2560x128xf32, #tpu.memory_space<hbm>>, %arg5: memref<10240xf32, #tpu.memory_space<hbm>>, %arg6: memref<10240xf32, #tpu.memory_space<hbm>>, %arg7: memref<10240x128xf32, #tpu.memory_space<hbm>>, %arg8: memref<2x5120x128xf32, #tpu.memory_space<hbm>>, %arg9: memref<10240xf32, #tpu.memory_space<vmem>>, %arg10: memref<10240xf32, #tpu.memory_space<vmem>>, %arg11: memref<80x128xf32, #tpu.memory_space<vmem>>, %arg12: memref<80xi32, #tpu.memory_space<vmem>>, %arg13: memref<80x128xi32, #tpu.memory_space<vmem>>, %arg14: memref<80x128xi32, #tpu.memory_space<vmem>>, %arg15: memref<80x128xf32, #tpu.memory_space<vmem>>, %arg16: memref<128xi32, #tpu.memory_space<vmem>>, %arg17: memref<128xi32, #tpu.memory_space<vmem>>, %arg18: memref<128xf32, #tpu.memory_space<vmem>>, %arg19: memref<128x128xf32, #tpu.memory_space<vmem>>, %arg20: memref<128x128xf32, #tpu.memory_space<vmem>>, %arg21: memref<5128x128xf32, #tpu.memory_space<vmem_shared>>, %arg22: memref<!tpu.dma_semaphore, #tpu.memory_space<semaphore_mem>>) attributes {dimension_semantics = [#tpu.dimension_semantics<core_parallel>, #tpu.dimension_semantics<subcore_parallel>], iteration_bounds = array<i64: 2, 16>, scalar_prefetch = 0 : i64, scratch_operands = 14 : i64, tpu.core_type = #tpu.core_type<sc_vector_subcore>, window_params = [{transform_indices = #map}, {transform_indices = #map}, {transform_indices = #map}, {transform_indices = #map1}, {transform_indices = #map1}, {transform_indices = #map}, {transform_indices = #map2}]} {
    %mul3A = arith.constant 640 : i32
    %mul3A_0 = arith.muli %arg1, %mul3A : i32
    %mul3A_1 = arith.constant 320 : i32
    %mul3A_2 = arith.muli %arg1, %mul3A_1 : i32
    "tpu.region"() ({
      %run_scoped3A = tpu.sem_alloc : memref<!tpu.dma_semaphore, #tpu.memory_space<semaphore_mem>>
      tpu.enqueue_dma source(%arg5 : memref<10240xf32, #tpu.memory_space<hbm>>) target(%arg9 : memref<10240xf32, #tpu.memory_space<vmem>>) target_semaphore(%run_scoped3A : memref<!tpu.dma_semaphore, #tpu.memory_space<semaphore_mem>>)
      tpu.wait_dma2 semaphore(%run_scoped3A : memref<!tpu.dma_semaphore, #tpu.memory_space<semaphore_mem>>) src(%arg5 : memref<10240xf32, #tpu.memory_space<hbm>>) dst(%arg9 : memref<10240xf32, #tpu.memory_space<vmem>>)
      tpu.yield
    }) : () -> ()
    "tpu.region"() ({
      %run_scoped3A = tpu.sem_alloc : memref<!tpu.dma_semaphore, #tpu.memory_space<semaphore_mem>>
      tpu.enqueue_dma source(%arg6 : memref<10240xf32, #tpu.memory_space<hbm>>) target(%arg10 : memref<10240xf32, #tpu.memory_space<vmem>>) target_semaphore(%run_scoped3A : memref<!tpu.dma_semaphore, #tpu.memory_space<semaphore_mem>>)
      tpu.wait_dma2 semaphore(%run_scoped3A : memref<!tpu.dma_semaphore, #tpu.memory_space<semaphore_mem>>) src(%arg6 : memref<10240xf32, #tpu.memory_space<hbm>>) dst(%arg10 : memref<10240xf32, #tpu.memory_space<vmem>>)
      tpu.yield
    }) : () -> ()
    %scan3A = arith.constant 0 : i32
    %scan3A_3 = arith.constant 0 : i32
    %scan3A_4 = arith.constant 640 : i32
    %scan3A_5 = arith.addi %scan3A_3, %scan3A_4 : i32
    %scan3A_6 = arith.constant 1 : i32
    %scan3A_7 = scf.for %scan3A_108 = %scan3A_3 to %scan3A_5 step %scan3A_6 iter_args(%scan3A_109 = %scan3A) -> (i32)  : i32 {
      %jit3A = arith.constant 8 : i32
      %div3A = arith.divsi %scan3A_108, %jit3A : i32
      %sign3A = arith.constant 0 : i32
      %sign3A_110 = arith.cmpi sgt, %scan3A_108, %sign3A : i32
      %sign3A_111 = arith.extui %sign3A_110 : i1 to i32
      %sign3A_112 = arith.constant 0 : i32
      %sign3A_113 = arith.cmpi slt, %scan3A_108, %sign3A_112 : i32
      %sign3A_114 = arith.extui %sign3A_113 : i1 to i32
      %sign3A_115 = arith.subi %sign3A_111, %sign3A_114 : i32
      %sign3A_116 = arith.constant 0 : i32
      %sign3A_117 = arith.cmpi sgt, %jit3A, %sign3A_116 : i32
      %sign3A_118 = arith.extui %sign3A_117 : i1 to i32
      %sign3A_119 = arith.constant 0 : i32
      %sign3A_120 = arith.cmpi slt, %jit3A, %sign3A_119 : i32
      %sign3A_121 = arith.extui %sign3A_120 : i1 to i32
      %sign3A_122 = arith.subi %sign3A_118, %sign3A_121 : i32
      %ne3A_123 = arith.cmpi ne, %sign3A_115, %sign3A_122 : i32
      %rem3A = arith.remsi %scan3A_108, %jit3A : i32
      %ne3A_124 = arith.constant 0 : i32
      %ne3A_125 = arith.cmpi ne, %rem3A, %ne3A_124 : i32
      %and3A = arith.andi %ne3A_123, %ne3A_125 : i1
      %sub3A = arith.constant 1 : i32
      %sub3A_126 = arith.subi %div3A, %sub3A : i32
      %select_n3A = arith.select %and3A, %sub3A_126, %div3A : i32
      %jit3A_127 = arith.constant 8 : i32
      %eq3A_128 = arith.constant 0 : i32
      %eq3A_129 = arith.cmpi eq, %jit3A_127, %eq3A_128 : i32
      %jit3A_130 = arith.constant 1 : i32
      %select_n3A_131 = arith.select %eq3A_129, %jit3A_130, %jit3A_127 : i32
      %rem3A_132 = arith.remsi %scan3A_108, %select_n3A_131 : i32
      %ne3A_133 = arith.constant 0 : i32
      %ne3A_134 = arith.cmpi ne, %rem3A_132, %ne3A_133 : i32
      %lt3A = arith.constant 0 : i32
      %lt3A_135 = arith.cmpi slt, %rem3A_132, %lt3A : i32
      %lt3A_136 = arith.constant 0 : i32
      %lt3A_137 = arith.cmpi slt, %select_n3A_131, %lt3A_136 : i32
      %ne3A_138 = arith.xori %lt3A_135, %lt3A_137 : i1
      %and3A_139 = arith.andi %ne3A_138, %ne3A_134 : i1
      %add3A_140 = arith.addi %rem3A_132, %select_n3A_131 : i32
      %select_n3A_141 = arith.select %and3A_139, %add3A_140, %rem3A_132 : i32
      %broadcast_in_dim3A = arith.constant 0.000000e+00 : f32
      %broadcast_in_dim3A_142 = vector.broadcast %broadcast_in_dim3A : f32 to vector<16xf32>
      %mul3A_143 = arith.constant 16 : i32
      %mul3A_144 = arith.muli %select_n3A_141, %mul3A_143 : i32
      %swap3A_145 = arith.index_cast %select_n3A : i32 to index
      %swap3A_146 = arith.index_cast %mul3A_144 : i32 to index
      %swap3A_147 = tpu.vector_load %arg11[%swap3A_145, %swap3A_146] {strides = array<i32>} : memref<80x128xf32, #tpu.memory_space<vmem>>, vector<16xf32>,
      tpu.vector_store %arg11[%swap3A_145, %swap3A_146], %broadcast_in_dim3A_142 {strides = array<i32>} : memref<80x128xf32, #tpu.memory_space<vmem>>, vector<16xf32>,
      %scan3A_148 = arith.constant 0 : i32
      scf.yield %scan3A_148 : i32
    }
    %scan3A_8 = arith.constant 640 : i32
    %iota3A = tpu.iota {dimensions = array<i32: 0>} : vector<16xi32>
    %add3A = arith.constant 0 : i32
    %add3A_9 = vector.broadcast %add3A : i32 to vector<16xi32>
    %add3A_10 = arith.addi %iota3A, %add3A_9 : vector<16xi32>
    %swap3A = arith.constant 0 : index
    %swap3A_11 = tpu.vector_load %arg12[%swap3A] {strides = array<i32>} : memref<80xi32, #tpu.memory_space<vmem>>, vector<16xi32>,
    tpu.vector_store %arg12[%swap3A], %add3A_10 {strides = array<i32>} : memref<80xi32, #tpu.memory_space<vmem>>, vector<16xi32>,
    %iota3A_12 = tpu.iota {dimensions = array<i32: 0>} : vector<16xi32>
    %add3A_13 = arith.constant 16 : i32
    %add3A_14 = vector.broadcast %add3A_13 : i32 to vector<16xi32>
    %add3A_15 = arith.addi %iota3A_12, %add3A_14 : vector<16xi32>
    %swap3A_16 = arith.constant 16 : index
    %swap3A_17 = tpu.vector_load %arg12[%swap3A_16] {strides = array<i32>} : memref<80xi32, #tpu.memory_space<vmem>>, vector<16xi32>,
    tpu.vector_store %arg12[%swap3A_16], %add3A_15 {strides = array<i32>} : memref<80xi32, #tpu.memory_space<vmem>>, vector<16xi32>,
    %iota3A_18 = tpu.iota {dimensions = array<i32: 0>} : vector<16xi32>
    %add3A_19 = arith.constant 32 : i32
    %add3A_20 = vector.broadcast %add3A_19 : i32 to vector<16xi32>
    %add3A_21 = arith.addi %iota3A_18, %add3A_20 : vector<16xi32>
    %swap3A_22 = arith.constant 32 : index
    %swap3A_23 = tpu.vector_load %arg12[%swap3A_22] {strides = array<i32>} : memref<80xi32, #tpu.memory_space<vmem>>, vector<16xi32>,
    tpu.vector_store %arg12[%swap3A_22], %add3A_21 {strides = array<i32>} : memref<80xi32, #tpu.memory_space<vmem>>, vector<16xi32>,
    %iota3A_24 = tpu.iota {dimensions = array<i32: 0>} : vector<16xi32>
    %add3A_25 = arith.constant 48 : i32
    %add3A_26 = vector.broadcast %add3A_25 : i32 to vector<16xi32>
    %add3A_27 = arith.addi %iota3A_24, %add3A_26 : vector<16xi32>
    %swap3A_28 = arith.constant 48 : index
    %swap3A_29 = tpu.vector_load %arg12[%swap3A_28] {strides = array<i32>} : memref<80xi32, #tpu.memory_space<vmem>>, vector<16xi32>,
    tpu.vector_store %arg12[%swap3A_28], %add3A_27 {strides = array<i32>} : memref<80xi32, #tpu.memory_space<vmem>>, vector<16xi32>,
    %iota3A_30 = tpu.iota {dimensions = array<i32: 0>} : vector<16xi32>
    %add3A_31 = arith.constant 64 : i32
    %add3A_32 = vector.broadcast %add3A_31 : i32 to vector<16xi32>
    %add3A_33 = arith.addi %iota3A_30, %add3A_32 : vector<16xi32>
    %swap3A_34 = arith.constant 64 : index
    %swap3A_35 = tpu.vector_load %arg12[%swap3A_34] {strides = array<i32>} : memref<80xi32, #tpu.memory_space<vmem>>, vector<16xi32>,
    tpu.vector_store %arg12[%swap3A_34], %add3A_33 {strides = array<i32>} : memref<80xi32, #tpu.memory_space<vmem>>, vector<16xi32>,
    %scan3A_36 = arith.constant 0 : i32
    %scan3A_37 = arith.constant 0 : i32
    %scan3A_38 = arith.constant 1024 : i32
    %scan3A_39 = arith.addi %scan3A_37, %scan3A_38 : i32
    %scan3A_40 = arith.constant 1 : i32
    %scan3A_41 = scf.for %scan3A_108 = %scan3A_37 to %scan3A_39 step %scan3A_40 iter_args(%scan3A_109 = %scan3A_36) -> (i32)  : i32 {
      %jit3A = arith.constant 8 : i32
      %div3A = arith.divsi %scan3A_108, %jit3A : i32
      %sign3A = arith.constant 0 : i32
      %sign3A_110 = arith.cmpi sgt, %scan3A_108, %sign3A : i32
      %sign3A_111 = arith.extui %sign3A_110 : i1 to i32
      %sign3A_112 = arith.constant 0 : i32
      %sign3A_113 = arith.cmpi slt, %scan3A_108, %sign3A_112 : i32
      %sign3A_114 = arith.extui %sign3A_113 : i1 to i32
      %sign3A_115 = arith.subi %sign3A_111, %sign3A_114 : i32
      %sign3A_116 = arith.constant 0 : i32
      %sign3A_117 = arith.cmpi sgt, %jit3A, %sign3A_116 : i32
      %sign3A_118 = arith.extui %sign3A_117 : i1 to i32
      %sign3A_119 = arith.constant 0 : i32
      %sign3A_120 = arith.cmpi slt, %jit3A, %sign3A_119 : i32
      %sign3A_121 = arith.extui %sign3A_120 : i1 to i32
      %sign3A_122 = arith.subi %sign3A_118, %sign3A_121 : i32
      %ne3A_123 = arith.cmpi ne, %sign3A_115, %sign3A_122 : i32
      %rem3A = arith.remsi %scan3A_108, %jit3A : i32
      %ne3A_124 = arith.constant 0 : i32
      %ne3A_125 = arith.cmpi ne, %rem3A, %ne3A_124 : i32
      %and3A = arith.andi %ne3A_123, %ne3A_125 : i1
      %sub3A = arith.constant 1 : i32
      %sub3A_126 = arith.subi %div3A, %sub3A : i32
      %select_n3A = arith.select %and3A, %sub3A_126, %div3A : i32
      %jit3A_127 = arith.constant 8 : i32
      %eq3A_128 = arith.constant 0 : i32
      %eq3A_129 = arith.cmpi eq, %jit3A_127, %eq3A_128 : i32
      %jit3A_130 = arith.constant 1 : i32
      %select_n3A_131 = arith.select %eq3A_129, %jit3A_130, %jit3A_127 : i32
      %rem3A_132 = arith.remsi %scan3A_108, %select_n3A_131 : i32
      %ne3A_133 = arith.constant 0 : i32
      %ne3A_134 = arith.cmpi ne, %rem3A_132, %ne3A_133 : i32
      %lt3A = arith.constant 0 : i32
      %lt3A_135 = arith.cmpi slt, %rem3A_132, %lt3A : i32
      %lt3A_136 = arith.constant 0 : i32
      %lt3A_137 = arith.cmpi slt, %select_n3A_131, %lt3A_136 : i32
      %ne3A_138 = arith.xori %lt3A_135, %lt3A_137 : i1
      %and3A_139 = arith.andi %ne3A_138, %ne3A_134 : i1
      %add3A_140 = arith.addi %rem3A_132, %select_n3A_131 : i32
      %select_n3A_141 = arith.select %and3A_139, %add3A_140, %rem3A_132 : i32
      %broadcast_in_dim3A = arith.constant 0.000000e+00 : f32
      %broadcast_in_dim3A_142 = vector.broadcast %broadcast_in_dim3A : f32 to vector<16xf32>
      %mul3A_143 = arith.constant 16 : i32
      %mul3A_144 = arith.muli %select_n3A_141, %mul3A_143 : i32
      %swap3A_145 = arith.index_cast %select_n3A : i32 to index
      %swap3A_146 = arith.index_cast %mul3A_144 : i32 to index
      %swap3A_147 = tpu.vector_load %arg19[%swap3A_145, %swap3A_146] {strides = array<i32>} : memref<128x128xf32, #tpu.memory_space<vmem>>, vector<16xf32>,
      tpu.vector_store %arg19[%swap3A_145, %swap3A_146], %broadcast_in_dim3A_142 {strides = array<i32>} : memref<128x128xf32, #tpu.memory_space<vmem>>, vector<16xf32>,
      %scan3A_148 = arith.constant 0 : i32
      scf.yield %scan3A_148 : i32
    }
    %scan3A_42 = arith.constant 1024 : i32
    %mul3A_43 = arith.constant 160 : i32
    %mul3A_44 = arith.muli %arg1, %mul3A_43 : i32
    %add3A_45 = arith.constant 0 : i32
    %add3A_46 = arith.addi %mul3A_44, %add3A_45 : i32
    "tpu.region"() ({
      %run_scoped3A = tpu.sem_alloc : memref<!tpu.dma_semaphore, #tpu.memory_space<semaphore_mem>>
      %dma_start3A = arith.constant 0 : i32
      %dma_start3A_108 = tpu.memref_slice %arg2[%add3A_46, %dma_start3A] : memref<2560x128xi32, #tpu.memory_space<hbm>> -> memref<80x128xi32, #tpu.memory_space<hbm>>
      %dma_start3A_109 = arith.constant 0 : i32
      %dma_start3A_110 = tpu.memref_slice %arg2[%add3A_46, %dma_start3A_109] : memref<2560x128xi32, #tpu.memory_space<hbm>> -> memref<80x128xi32, #tpu.memory_space<hbm>>
      tpu.enqueue_dma source(%dma_start3A_110 : memref<80x128xi32, #tpu.memory_space<hbm>>) target(%arg13 : memref<80x128xi32, #tpu.memory_space<vmem>>) target_semaphore(%run_scoped3A : memref<!tpu.dma_semaphore, #tpu.memory_space<semaphore_mem>>)
      %dma_wait3A = arith.constant 0 : i32
      %dma_wait3A_111 = tpu.memref_slice %arg2[%add3A_46, %dma_wait3A] : memref<2560x128xi32, #tpu.memory_space<hbm>> -> memref<80x128xi32, #tpu.memory_space<hbm>>
      %dma_wait3A_112 = arith.constant 0 : i32
      %dma_wait3A_113 = tpu.memref_slice %arg2[%add3A_46, %dma_wait3A_112] : memref<2560x128xi32, #tpu.memory_space<hbm>> -> memref<80x128xi32, #tpu.memory_space<hbm>>
      tpu.wait_dma2 semaphore(%run_scoped3A : memref<!tpu.dma_semaphore, #tpu.memory_space<semaphore_mem>>) src(%dma_wait3A_113 : memref<80x128xi32, #tpu.memory_space<hbm>>) dst(%arg13 : memref<80x128xi32, #tpu.memory_space<vmem>>)
      tpu.yield
    }) : () -> ()
    "tpu.region"() ({
      %run_scoped3A = tpu.sem_alloc : memref<!tpu.dma_semaphore, #tpu.memory_space<semaphore_mem>>
      %dma_start3A = arith.constant 0 : i32
      %dma_start3A_108 = tpu.memref_slice %arg3[%add3A_46, %dma_start3A] : memref<2560x128xi32, #tpu.memory_space<hbm>> -> memref<80x128xi32, #tpu.memory_space<hbm>>
      %dma_start3A_109 = arith.constant 0 : i32
      %dma_start3A_110 = tpu.memref_slice %arg3[%add3A_46, %dma_start3A_109] : memref<2560x128xi32, #tpu.memory_space<hbm>> -> memref<80x128xi32, #tpu.memory_space<hbm>>
      tpu.enqueue_dma source(%dma_start3A_110 : memref<80x128xi32, #tpu.memory_space<hbm>>) target(%arg14 : memref<80x128xi32, #tpu.memory_space<vmem>>) target_semaphore(%run_scoped3A : memref<!tpu.dma_semaphore, #tpu.memory_space<semaphore_mem>>)
      %dma_wait3A = arith.constant 0 : i32
      %dma_wait3A_111 = tpu.memref_slice %arg3[%add3A_46, %dma_wait3A] : memref<2560x128xi32, #tpu.memory_space<hbm>> -> memref<80x128xi32, #tpu.memory_space<hbm>>
      %dma_wait3A_112 = arith.constant 0 : i32
      %dma_wait3A_113 = tpu.memref_slice %arg3[%add3A_46, %dma_wait3A_112] : memref<2560x128xi32, #tpu.memory_space<hbm>> -> memref<80x128xi32, #tpu.memory_space<hbm>>
      tpu.wait_dma2 semaphore(%run_scoped3A : memref<!tpu.dma_semaphore, #tpu.memory_space<semaphore_mem>>) src(%dma_wait3A_113 : memref<80x128xi32, #tpu.memory_space<hbm>>) dst(%arg14 : memref<80x128xi32, #tpu.memory_space<vmem>>)
      tpu.yield
    }) : () -> ()
    "tpu.region"() ({
      %run_scoped3A = tpu.sem_alloc : memref<!tpu.dma_semaphore, #tpu.memory_space<semaphore_mem>>
      %dma_start3A = arith.constant 0 : i32
      %dma_start3A_108 = tpu.memref_slice %arg4[%add3A_46, %dma_start3A] : memref<2560x128xf32, #tpu.memory_space<hbm>> -> memref<80x128xf32, #tpu.memory_space<hbm>>
      %dma_start3A_109 = arith.constant 0 : i32
      %dma_start3A_110 = tpu.memref_slice %arg4[%add3A_46, %dma_start3A_109] : memref<2560x128xf32, #tpu.memory_space<hbm>> -> memref<80x128xf32, #tpu.memory_space<hbm>>
      tpu.enqueue_dma source(%dma_start3A_110 : memref<80x128xf32, #tpu.memory_space<hbm>>) target(%arg15 : memref<80x128xf32, #tpu.memory_space<vmem>>) target_semaphore(%run_scoped3A : memref<!tpu.dma_semaphore, #tpu.memory_space<semaphore_mem>>)
      %dma_wait3A = arith.constant 0 : i32
      %dma_wait3A_111 = tpu.memref_slice %arg4[%add3A_46, %dma_wait3A] : memref<2560x128xf32, #tpu.memory_space<hbm>> -> memref<80x128xf32, #tpu.memory_space<hbm>>
      %dma_wait3A_112 = arith.constant 0 : i32
      %dma_wait3A_113 = tpu.memref_slice %arg4[%add3A_46, %dma_wait3A_112] : memref<2560x128xf32, #tpu.memory_space<hbm>> -> memref<80x128xf32, #tpu.memory_space<hbm>>
      tpu.wait_dma2 semaphore(%run_scoped3A : memref<!tpu.dma_semaphore, #tpu.memory_space<semaphore_mem>>) src(%dma_wait3A_113 : memref<80x128xf32, #tpu.memory_space<hbm>>) dst(%arg15 : memref<80x128xf32, #tpu.memory_space<vmem>>)
      tpu.yield
    }) : () -> ()
    %scan3A_47 = arith.constant 0 : i32
    %scan3A_48 = arith.constant 0 : i32
    %scan3A_49 = arith.constant 80 : i32
    %scan3A_50 = arith.addi %scan3A_48, %scan3A_49 : i32
    %scan3A_51 = arith.constant 1 : i32
    %scan3A_52 = scf.for %scan3A_108 = %scan3A_48 to %scan3A_50 step %scan3A_51 iter_args(%scan3A_109 = %scan3A_47) -> (i32)  : i32 {
      %scan3A_110 = arith.constant 0 : i32
      %scan3A_111 = arith.constant 0 : i32
      %scan3A_112 = arith.constant 8 : i32
      %scan3A_113 = arith.addi %scan3A_111, %scan3A_112 : i32
      %scan3A_114 = arith.constant 1 : i32
      %scan3A_115 = scf.for %scan3A_118 = %scan3A_111 to %scan3A_113 step %scan3A_114 iter_args(%scan3A_119 = %scan3A_110) -> (i32)  : i32 {
        %mul3A_120 = arith.constant 16 : i32
        %mul3A_121 = arith.muli %scan3A_118, %mul3A_120 : i32
        %get3A = arith.index_cast %scan3A_108 : i32 to index
        %get3A_122 = arith.index_cast %mul3A_121 : i32 to index
        %get3A_123 = tpu.vector_load %arg13[%get3A, %get3A_122] {strides = array<i32>} : memref<80x128xi32, #tpu.memory_space<vmem>>, vector<16xi32>,
        %get3A_124 = arith.index_cast %scan3A_108 : i32 to index
        %get3A_125 = arith.index_cast %mul3A_121 : i32 to index
        %get3A_126 = tpu.vector_load %arg14[%get3A_124, %get3A_125] {strides = array<i32>} : memref<80x128xi32, #tpu.memory_space<vmem>>, vector<16xi32>,
        %get3A_127 = arith.index_cast %scan3A_108 : i32 to index
        %get3A_128 = arith.index_cast %mul3A_121 : i32 to index
        %get3A_129 = tpu.vector_load %arg15[%get3A_127, %get3A_128] {strides = array<i32>} : memref<80x128xf32, #tpu.memory_space<vmem>>, vector<16xf32>,
        %gather3A = tpu.vector_load_idx %arg9[%get3A_123] : memref<10240xf32, #tpu.memory_space<vmem>>[vector<16xi32>], vector<16xf32>,
        %gather3A_130 = tpu.vector_load_idx %arg10[%get3A_126] : memref<10240xf32, #tpu.memory_space<vmem>>[vector<16xi32>], vector<16xf32>,
        %add3A_131 = arith.addf %gather3A, %gather3A_130 : vector<16xf32>
        %add3A_132 = arith.addf %add3A_131, %get3A_129 : vector<16xf32>
        %ge3A = arith.constant 0.000000e+00 : f32
        %ge3A_133 = vector.broadcast %ge3A : f32 to vector<16xf32>
        %ge3A_134 = arith.cmpf oge, %add3A_132, %ge3A_133 : vector<16xf32>
        %mul3A_135 = arith.constant 2.000000e-01 : f32
        %mul3A_136 = vector.broadcast %mul3A_135 : f32 to vector<16xf32>
        %mul3A_137 = arith.mulf %add3A_132, %mul3A_136 : vector<16xf32>
        %select_n3A = arith.select %ge3A_134, %add3A_132, %mul3A_137 : vector<16xi1>, vector<16xf32>
        %exp3A = math.exp %select_n3A : vector<16xf32>
        %shift_right_logical3A = arith.constant 7 : i32
        %shift_right_logical3A_138 = vector.broadcast %shift_right_logical3A : i32 to vector<16xi32>
        %shift_right_logical3A_139 = arith.shrui %get3A_126, %shift_right_logical3A_138 : vector<16xi32>
        %and3A = arith.constant 127 : i32
        %and3A_140 = vector.broadcast %and3A : i32 to vector<16xi32>
        %and3A_141 = arith.andi %get3A_126, %and3A_140 : vector<16xi32>
        tpu.vector_store_idx %arg11[%shift_right_logical3A_139, %and3A_141], %exp3A {add = true} : memref<80x128xf32, #tpu.memory_space<vmem>>[vector<16xi32>, vector<16xi32>], vector<16xf32>,
        %scan3A_142 = arith.constant 0 : i32
        scf.yield %scan3A_142 : i32
      }
      %scan3A_116 = arith.constant 8 : i32
      %scan3A_117 = arith.constant 0 : i32
      scf.yield %scan3A_117 : i32
    }
    %scan3A_53 = arith.constant 80 : i32
    %mul3A_54 = arith.constant 160 : i32
    %mul3A_55 = arith.muli %arg1, %mul3A_54 : i32
    %add3A_56 = arith.constant 80 : i32
    %add3A_57 = arith.addi %mul3A_55, %add3A_56 : i32
    "tpu.region"() ({
      %run_scoped3A = tpu.sem_alloc : memref<!tpu.dma_semaphore, #tpu.memory_space<semaphore_mem>>
      %dma_start3A = arith.constant 0 : i32
      %dma_start3A_108 = tpu.memref_slice %arg2[%add3A_57, %dma_start3A] : memref<2560x128xi32, #tpu.memory_space<hbm>> -> memref<80x128xi32, #tpu.memory_space<hbm>>
      %dma_start3A_109 = arith.constant 0 : i32
      %dma_start3A_110 = tpu.memref_slice %arg2[%add3A_57, %dma_start3A_109] : memref<2560x128xi32, #tpu.memory_space<hbm>> -> memref<80x128xi32, #tpu.memory_space<hbm>>
      tpu.enqueue_dma source(%dma_start3A_110 : memref<80x128xi32, #tpu.memory_space<hbm>>) target(%arg13 : memref<80x128xi32, #tpu.memory_space<vmem>>) target_semaphore(%run_scoped3A : memref<!tpu.dma_semaphore, #tpu.memory_space<semaphore_mem>>)
      %dma_wait3A = arith.constant 0 : i32
      %dma_wait3A_111 = tpu.memref_slice %arg2[%add3A_57, %dma_wait3A] : memref<2560x128xi32, #tpu.memory_space<hbm>> -> memref<80x128xi32, #tpu.memory_space<hbm>>
      %dma_wait3A_112 = arith.constant 0 : i32
      %dma_wait3A_113 = tpu.memref_slice %arg2[%add3A_57, %dma_wait3A_112] : memref<2560x128xi32, #tpu.memory_space<hbm>> -> memref<80x128xi32, #tpu.memory_space<hbm>>
      tpu.wait_dma2 semaphore(%run_scoped3A : memref<!tpu.dma_semaphore, #tpu.memory_space<semaphore_mem>>) src(%dma_wait3A_113 : memref<80x128xi32, #tpu.memory_space<hbm>>) dst(%arg13 : memref<80x128xi32, #tpu.memory_space<vmem>>)
      tpu.yield
    }) : () -> ()
    "tpu.region"() ({
      %run_scoped3A = tpu.sem_alloc : memref<!tpu.dma_semaphore, #tpu.memory_space<semaphore_mem>>
      %dma_start3A = arith.constant 0 : i32
      %dma_start3A_108 = tpu.memref_slice %arg3[%add3A_57, %dma_start3A] : memref<2560x128xi32, #tpu.memory_space<hbm>> -> memref<80x128xi32, #tpu.memory_space<hbm>>
      %dma_start3A_109 = arith.constant 0 : i32
      %dma_start3A_110 = tpu.memref_slice %arg3[%add3A_57, %dma_start3A_109] : memref<2560x128xi32, #tpu.memory_space<hbm>> -> memref<80x128xi32, #tpu.memory_space<hbm>>
      tpu.enqueue_dma source(%dma_start3A_110 : memref<80x128xi32, #tpu.memory_space<hbm>>) target(%arg14 : memref<80x128xi32, #tpu.memory_space<vmem>>) target_semaphore(%run_scoped3A : memref<!tpu.dma_semaphore, #tpu.memory_space<semaphore_mem>>)
      %dma_wait3A = arith.constant 0 : i32
      %dma_wait3A_111 = tpu.memref_slice %arg3[%add3A_57, %dma_wait3A] : memref<2560x128xi32, #tpu.memory_space<hbm>> -> memref<80x128xi32, #tpu.memory_space<hbm>>
      %dma_wait3A_112 = arith.constant 0 : i32
      %dma_wait3A_113 = tpu.memref_slice %arg3[%add3A_57, %dma_wait3A_112] : memref<2560x128xi32, #tpu.memory_space<hbm>> -> memref<80x128xi32, #tpu.memory_space<hbm>>
      tpu.wait_dma2 semaphore(%run_scoped3A : memref<!tpu.dma_semaphore, #tpu.memory_space<semaphore_mem>>) src(%dma_wait3A_113 : memref<80x128xi32, #tpu.memory_space<hbm>>) dst(%arg14 : memref<80x128xi32, #tpu.memory_space<vmem>>)
      tpu.yield
    }) : () -> ()
    "tpu.region"() ({
      %run_scoped3A = tpu.sem_alloc : memref<!tpu.dma_semaphore, #tpu.memory_space<semaphore_mem>>
      %dma_start3A = arith.constant 0 : i32
      %dma_start3A_108 = tpu.memref_slice %arg4[%add3A_57, %dma_start3A] : memref<2560x128xf32, #tpu.memory_space<hbm>> -> memref<80x128xf32, #tpu.memory_space<hbm>>
      %dma_start3A_109 = arith.constant 0 : i32
      %dma_start3A_110 = tpu.memref_slice %arg4[%add3A_57, %dma_start3A_109] : memref<2560x128xf32, #tpu.memory_space<hbm>> -> memref<80x128xf32, #tpu.memory_space<hbm>>
      tpu.enqueue_dma source(%dma_start3A_110 : memref<80x128xf32, #tpu.memory_space<hbm>>) target(%arg15 : memref<80x128xf32, #tpu.memory_space<vmem>>) target_semaphore(%run_scoped3A : memref<!tpu.dma_semaphore, #tpu.memory_space<semaphore_mem>>)
      %dma_wait3A = arith.constant 0 : i32
      %dma_wait3A_111 = tpu.memref_slice %arg4[%add3A_57, %dma_wait3A] : memref<2560x128xf32, #tpu.memory_space<hbm>> -> memref<80x128xf32, #tpu.memory_space<hbm>>
      %dma_wait3A_112 = arith.constant 0 : i32
      %dma_wait3A_113 = tpu.memref_slice %arg4[%add3A_57, %dma_wait3A_112] : memref<2560x128xf32, #tpu.memory_space<hbm>> -> memref<80x128xf32, #tpu.memory_space<hbm>>
      tpu.wait_dma2 semaphore(%run_scoped3A : memref<!tpu.dma_semaphore, #tpu.memory_space<semaphore_mem>>) src(%dma_wait3A_113 : memref<80x128xf32, #tpu.memory_space<hbm>>) dst(%arg15 : memref<80x128xf32, #tpu.memory_space<vmem>>)
      tpu.yield
    }) : () -> ()
    %scan3A_58 = arith.constant 0 : i32
    %scan3A_59 = arith.constant 0 : i32
    %scan3A_60 = arith.constant 80 : i32
    %scan3A_61 = arith.addi %scan3A_59, %scan3A_60 : i32
    %scan3A_62 = arith.constant 1 : i32
    %scan3A_63 = scf.for %scan3A_108 = %scan3A_59 to %scan3A_61 step %scan3A_62 iter_args(%scan3A_109 = %scan3A_58) -> (i32)  : i32 {
      %scan3A_110 = arith.constant 0 : i32
      %scan3A_111 = arith.constant 0 : i32
      %scan3A_112 = arith.constant 8 : i32
      %scan3A_113 = arith.addi %scan3A_111, %scan3A_112 : i32
      %scan3A_114 = arith.constant 1 : i32
      %scan3A_115 = scf.for %scan3A_118 = %scan3A_111 to %scan3A_113 step %scan3A_114 iter_args(%scan3A_119 = %scan3A_110) -> (i32)  : i32 {
        %mul3A_120 = arith.constant 16 : i32
        %mul3A_121 = arith.muli %scan3A_118, %mul3A_120 : i32
        %get3A = arith.index_cast %scan3A_108 : i32 to index
        %get3A_122 = arith.index_cast %mul3A_121 : i32 to index
        %get3A_123 = tpu.vector_load %arg13[%get3A, %get3A_122] {strides = array<i32>} : memref<80x128xi32, #tpu.memory_space<vmem>>, vector<16xi32>,
        %get3A_124 = arith.index_cast %scan3A_108 : i32 to index
        %get3A_125 = arith.index_cast %mul3A_121 : i32 to index
        %get3A_126 = tpu.vector_load %arg14[%get3A_124, %get3A_125] {strides = array<i32>} : memref<80x128xi32, #tpu.memory_space<vmem>>, vector<16xi32>,
        %get3A_127 = arith.index_cast %scan3A_108 : i32 to index
        %get3A_128 = arith.index_cast %mul3A_121 : i32 to index
        %get3A_129 = tpu.vector_load %arg15[%get3A_127, %get3A_128] {strides = array<i32>} : memref<80x128xf32, #tpu.memory_space<vmem>>, vector<16xf32>,
        %gather3A = tpu.vector_load_idx %arg9[%get3A_123] : memref<10240xf32, #tpu.memory_space<vmem>>[vector<16xi32>], vector<16xf32>,
        %gather3A_130 = tpu.vector_load_idx %arg10[%get3A_126] : memref<10240xf32, #tpu.memory_space<vmem>>[vector<16xi32>], vector<16xf32>,
        %add3A_131 = arith.addf %gather3A, %gather3A_130 : vector<16xf32>
        %add3A_132 = arith.addf %add3A_131, %get3A_129 : vector<16xf32>
        %ge3A = arith.constant 0.000000e+00 : f32
        %ge3A_133 = vector.broadcast %ge3A : f32 to vector<16xf32>
        %ge3A_134 = arith.cmpf oge, %add3A_132, %ge3A_133 : vector<16xf32>
        %mul3A_135 = arith.constant 2.000000e-01 : f32
        %mul3A_136 = vector.broadcast %mul3A_135 : f32 to vector<16xf32>
        %mul3A_137 = arith.mulf %add3A_132, %mul3A_136 : vector<16xf32>
        %select_n3A = arith.select %ge3A_134, %add3A_132, %mul3A_137 : vector<16xi1>, vector<16xf32>
        %exp3A = math.exp %select_n3A : vector<16xf32>
        %shift_right_logical3A = arith.constant 7 : i32
        %shift_right_logical3A_138 = vector.broadcast %shift_right_logical3A : i32 to vector<16xi32>
        %shift_right_logical3A_139 = arith.shrui %get3A_126, %shift_right_logical3A_138 : vector<16xi32>
        %and3A = arith.constant 127 : i32
        %and3A_140 = vector.broadcast %and3A : i32 to vector<16xi32>
        %and3A_141 = arith.andi %get3A_126, %and3A_140 : vector<16xi32>
        tpu.vector_store_idx %arg11[%shift_right_logical3A_139, %and3A_141], %exp3A {add = true} : memref<80x128xf32, #tpu.memory_space<vmem>>[vector<16xi32>, vector<16xi32>], vector<16xf32>,
        %scan3A_142 = arith.constant 0 : i32
        scf.yield %scan3A_142 : i32
      }
      %scan3A_116 = arith.constant 8 : i32
      %scan3A_117 = arith.constant 0 : i32
      scf.yield %scan3A_117 : i32
    }
    %scan3A_64 = arith.constant 80 : i32
    %eq3A = arith.constant 0 : i32
    %eq3A_65 = arith.cmpi eq, %arg1, %eq3A : i32
    %convert_element_type3A = arith.extui %eq3A_65 : i1 to i32
    %cond3A = arith.constant 0 : i32
    %cond3A_66 = arith.cmpi ne, %convert_element_type3A, %cond3A : i32
    scf.if %cond3A_66 {
      "tpu.region"() ({
        %run_scoped3A = tpu.sem_alloc : memref<!tpu.dma_semaphore, #tpu.memory_space<semaphore_mem>>
        %dma_start3A = arith.constant 0 : i32
        %dma_start3A_108 = arith.constant 0 : i32
        %dma_start3A_109 = tpu.memref_slice %arg21[%dma_start3A, %dma_start3A_108] : memref<5128x128xf32, #tpu.memory_space<vmem_shared>> -> memref<80x128xf32, #tpu.memory_space<vmem_shared>>
        %dma_start3A_110 = arith.constant 0 : i32
        %dma_start3A_111 = arith.constant 0 : i32
        %dma_start3A_112 = tpu.memref_slice %arg21[%dma_start3A_110, %dma_start3A_111] : memref<5128x128xf32, #tpu.memory_space<vmem_shared>> -> memref<80x128xf32, #tpu.memory_space<vmem_shared>>
        tpu.enqueue_dma source(%arg11 : memref<80x128xf32, #tpu.memory_space<vmem>>) target(%dma_start3A_112 : memref<80x128xf32, #tpu.memory_space<vmem_shared>>) target_semaphore(%run_scoped3A : memref<!tpu.dma_semaphore, #tpu.memory_space<semaphore_mem>>)
        %dma_wait3A = arith.constant 0 : i32
        %dma_wait3A_113 = arith.constant 0 : i32
        %dma_wait3A_114 = tpu.memref_slice %arg21[%dma_wait3A, %dma_wait3A_113] : memref<5128x128xf32, #tpu.memory_space<vmem_shared>> -> memref<80x128xf32, #tpu.memory_space<vmem_shared>>
        %dma_wait3A_115 = arith.constant 0 : i32
        %dma_wait3A_116 = arith.constant 0 : i32
        %dma_wait3A_117 = tpu.memref_slice %arg21[%dma_wait3A_115, %dma_wait3A_116] : memref<5128x128xf32, #tpu.memory_space<vmem_shared>> -> memref<80x128xf32, #tpu.memory_space<vmem_shared>>
        tpu.wait_dma2 semaphore(%run_scoped3A : memref<!tpu.dma_semaphore, #tpu.memory_space<semaphore_mem>>) src(%arg11 : memref<80x128xf32, #tpu.memory_space<vmem>>) dst(%dma_wait3A_117 : memref<80x128xf32, #tpu.memory_space<vmem_shared>>)
        tpu.yield
      }) : () -> ()
    } else {
    }
    %barrier3A = arith.constant 0 : index
    tpu.barrier barrier_id(%barrier3A)
    %ne3A = arith.constant 0 : i32
    %ne3A_67 = arith.cmpi ne, %arg1, %ne3A : i32
    %convert_element_type3A_68 = arith.extui %ne3A_67 : i1 to i32
    %cond3A_69 = arith.constant 0 : i32
    %cond3A_70 = arith.cmpi ne, %convert_element_type3A_68, %cond3A_69 : i32
    scf.if %cond3A_70 {
      "tpu.region"() ({
        %run_scoped3A = tpu.sem_alloc : memref<!tpu.dma_semaphore, #tpu.memory_space<semaphore_mem>>
        %dma_start3A = arith.constant 0 : i32
        %dma_start3A_108 = arith.constant 0 : i32
        %dma_start3A_109 = tpu.memref_slice %arg21[%dma_start3A, %dma_start3A_108] : memref<5128x128xf32, #tpu.memory_space<vmem_shared>> -> memref<5128x128xf32, #tpu.memory_space<vmem_shared>>
        tpu.enqueue_indirect_dma source(%arg11 : memref<80x128xf32, #tpu.memory_space<vmem>>) target(%dma_start3A_109 : memref<5128x128xf32, #tpu.memory_space<vmem_shared>>) offsets(%arg12 : memref<80xi32, #tpu.memory_space<vmem>>) semaphore(%run_scoped3A : memref<!tpu.dma_semaphore, #tpu.memory_space<semaphore_mem>>) {add = true}
        %dma_wait3A = arith.constant 0 : i32
        %dma_wait3A_110 = arith.constant 0 : i32
        %dma_wait3A_111 = tpu.memref_slice %arg21[%dma_wait3A, %dma_wait3A_110] : memref<5128x128xf32, #tpu.memory_space<vmem_shared>> -> memref<5128x128xf32, #tpu.memory_space<vmem_shared>>
        tpu.wait_indirect_dma semaphore(%run_scoped3A : memref<!tpu.dma_semaphore, #tpu.memory_space<semaphore_mem>>) src(%arg11 : memref<80x128xf32, #tpu.memory_space<vmem>>) dst(%dma_wait3A_111 : memref<5128x128xf32, #tpu.memory_space<vmem_shared>>)
        tpu.yield
      }) : () -> ()
    } else {
    }
    %barrier3A_71 = arith.constant 0 : index
    tpu.barrier barrier_id(%barrier3A_71)
    "tpu.region"() ({
      %run_scoped3A = tpu.sem_alloc : memref<!tpu.dma_semaphore, #tpu.memory_space<semaphore_mem>>
      %dma_start3A = arith.constant 0 : i32
      %dma_start3A_108 = arith.constant 0 : i32
      %dma_start3A_109 = tpu.memref_slice %arg21[%dma_start3A, %dma_start3A_108] : memref<5128x128xf32, #tpu.memory_space<vmem_shared>> -> memref<80x128xf32, #tpu.memory_space<vmem_shared>>
      %dma_start3A_110 = arith.constant 0 : i32
      %dma_start3A_111 = arith.constant 0 : i32
      %dma_start3A_112 = tpu.memref_slice %arg21[%dma_start3A_110, %dma_start3A_111] : memref<5128x128xf32, #tpu.memory_space<vmem_shared>> -> memref<80x128xf32, #tpu.memory_space<vmem_shared>>
      tpu.enqueue_dma source(%dma_start3A_112 : memref<80x128xf32, #tpu.memory_space<vmem_shared>>) target(%arg11 : memref<80x128xf32, #tpu.memory_space<vmem>>) target_semaphore(%run_scoped3A : memref<!tpu.dma_semaphore, #tpu.memory_space<semaphore_mem>>)
      %dma_wait3A = arith.constant 0 : i32
      %dma_wait3A_113 = arith.constant 0 : i32
      %dma_wait3A_114 = tpu.memref_slice %arg21[%dma_wait3A, %dma_wait3A_113] : memref<5128x128xf32, #tpu.memory_space<vmem_shared>> -> memref<80x128xf32, #tpu.memory_space<vmem_shared>>
      %dma_wait3A_115 = arith.constant 0 : i32
      %dma_wait3A_116 = arith.constant 0 : i32
      %dma_wait3A_117 = tpu.memref_slice %arg21[%dma_wait3A_115, %dma_wait3A_116] : memref<5128x128xf32, #tpu.memory_space<vmem_shared>> -> memref<80x128xf32, #tpu.memory_space<vmem_shared>>
      tpu.wait_dma2 semaphore(%run_scoped3A : memref<!tpu.dma_semaphore, #tpu.memory_space<semaphore_mem>>) src(%dma_wait3A_117 : memref<80x128xf32, #tpu.memory_space<vmem_shared>>) dst(%arg11 : memref<80x128xf32, #tpu.memory_space<vmem>>)
      tpu.yield
    }) : () -> ()
    %barrier3A_72 = arith.constant 0 : index
    tpu.barrier barrier_id(%barrier3A_72)
    "tpu.region"() ({
      %run_scoped3A = tpu.sem_alloc : memref<!tpu.dma_semaphore, #tpu.memory_space<semaphore_mem>>
      %dma_start3A = arith.constant 0 : i32
      %dma_start3A_108 = tpu.memref_slice %arg21[%mul3A_2, %dma_start3A] : memref<5128x128xf32, #tpu.memory_space<vmem_shared>> -> memref<128x128xf32, #tpu.memory_space<vmem_shared>>
      %dma_start3A_109 = arith.constant 0 : i32
      %dma_start3A_110 = tpu.memref_slice %arg21[%mul3A_2, %dma_start3A_109] : memref<5128x128xf32, #tpu.memory_space<vmem_shared>> -> memref<128x128xf32, #tpu.memory_space<vmem_shared>>
      tpu.enqueue_dma source(%arg19 : memref<128x128xf32, #tpu.memory_space<vmem>>) target(%dma_start3A_110 : memref<128x128xf32, #tpu.memory_space<vmem_shared>>) target_semaphore(%run_scoped3A : memref<!tpu.dma_semaphore, #tpu.memory_space<semaphore_mem>>)
      %dma_wait3A = arith.constant 0 : i32
      %dma_wait3A_111 = tpu.memref_slice %arg21[%mul3A_2, %dma_wait3A] : memref<5128x128xf32, #tpu.memory_space<vmem_shared>> -> memref<128x128xf32, #tpu.memory_space<vmem_shared>>
      %dma_wait3A_112 = arith.constant 0 : i32
      %dma_wait3A_113 = tpu.memref_slice %arg21[%mul3A_2, %dma_wait3A_112] : memref<5128x128xf32, #tpu.memory_space<vmem_shared>> -> memref<128x128xf32, #tpu.memory_space<vmem_shared>>
      tpu.wait_dma2 semaphore(%run_scoped3A : memref<!tpu.dma_semaphore, #tpu.memory_space<semaphore_mem>>) src(%arg19 : memref<128x128xf32, #tpu.memory_space<vmem>>) dst(%dma_wait3A_113 : memref<128x128xf32, #tpu.memory_space<vmem_shared>>)
      tpu.yield
    }) : () -> ()
    %add3A_73 = arith.constant 128 : i32
    %add3A_74 = arith.addi %mul3A_2, %add3A_73 : i32
    "tpu.region"() ({
      %run_scoped3A = tpu.sem_alloc : memref<!tpu.dma_semaphore, #tpu.memory_space<semaphore_mem>>
      %dma_start3A = arith.constant 0 : i32
      %dma_start3A_108 = tpu.memref_slice %arg21[%add3A_74, %dma_start3A] : memref<5128x128xf32, #tpu.memory_space<vmem_shared>> -> memref<128x128xf32, #tpu.memory_space<vmem_shared>>
      %dma_start3A_109 = arith.constant 0 : i32
      %dma_start3A_110 = tpu.memref_slice %arg21[%add3A_74, %dma_start3A_109] : memref<5128x128xf32, #tpu.memory_space<vmem_shared>> -> memref<128x128xf32, #tpu.memory_space<vmem_shared>>
      tpu.enqueue_dma source(%arg19 : memref<128x128xf32, #tpu.memory_space<vmem>>) target(%dma_start3A_110 : memref<128x128xf32, #tpu.memory_space<vmem_shared>>) target_semaphore(%run_scoped3A : memref<!tpu.dma_semaphore, #tpu.memory_space<semaphore_mem>>)
      %dma_wait3A = arith.constant 0 : i32
      %dma_wait3A_111 = tpu.memref_slice %arg21[%add3A_74, %dma_wait3A] : memref<5128x128xf32, #tpu.memory_space<vmem_shared>> -> memref<128x128xf32, #tpu.memory_space<vmem_shared>>
      %dma_wait3A_112 = arith.constant 0 : i32
      %dma_wait3A_113 = tpu.memref_slice %arg21[%add3A_74, %dma_wait3A_112] : memref<5128x128xf32, #tpu.memory_space<vmem_shared>> -> memref<128x128xf32, #tpu.memory_space<vmem_shared>>
      tpu.wait_dma2 semaphore(%run_scoped3A : memref<!tpu.dma_semaphore, #tpu.memory_space<semaphore_mem>>) src(%arg19 : memref<128x128xf32, #tpu.memory_space<vmem>>) dst(%dma_wait3A_113 : memref<128x128xf32, #tpu.memory_space<vmem_shared>>)
      tpu.yield
    }) : () -> ()
    %add3A_75 = arith.constant 256 : i32
    %add3A_76 = arith.addi %mul3A_2, %add3A_75 : i32
    "tpu.region"() ({
      %run_scoped3A = tpu.sem_alloc : memref<!tpu.dma_semaphore, #tpu.memory_space<semaphore_mem>>
      %dma_start3A = arith.constant 0 : i32
      %dma_start3A_108 = arith.constant 0 : i32
      %dma_start3A_109 = tpu.memref_slice %arg19[%dma_start3A, %dma_start3A_108] : memref<128x128xf32, #tpu.memory_space<vmem>> -> memref<64x128xf32, #tpu.memory_space<vmem>>
      %dma_start3A_110 = arith.constant 0 : i32
      %dma_start3A_111 = tpu.memref_slice %arg21[%add3A_76, %dma_start3A_110] : memref<5128x128xf32, #tpu.memory_space<vmem_shared>> -> memref<64x128xf32, #tpu.memory_space<vmem_shared>>
      %dma_start3A_112 = arith.constant 0 : i32
      %dma_start3A_113 = tpu.memref_slice %arg21[%add3A_76, %dma_start3A_112] : memref<5128x128xf32, #tpu.memory_space<vmem_shared>> -> memref<64x128xf32, #tpu.memory_space<vmem_shared>>
      %dma_start3A_114 = arith.constant 0 : i32
      %dma_start3A_115 = arith.constant 0 : i32
      %dma_start3A_116 = tpu.memref_slice %arg19[%dma_start3A_114, %dma_start3A_115] : memref<128x128xf32, #tpu.memory_space<vmem>> -> memref<64x128xf32, #tpu.memory_space<vmem>>
      tpu.enqueue_dma source(%dma_start3A_116 : memref<64x128xf32, #tpu.memory_space<vmem>>) target(%dma_start3A_113 : memref<64x128xf32, #tpu.memory_space<vmem_shared>>) target_semaphore(%run_scoped3A : memref<!tpu.dma_semaphore, #tpu.memory_space<semaphore_mem>>)
      %dma_wait3A = arith.constant 0 : i32
      %dma_wait3A_117 = arith.constant 0 : i32
      %dma_wait3A_118 = tpu.memref_slice %arg19[%dma_wait3A, %dma_wait3A_117] : memref<128x128xf32, #tpu.memory_space<vmem>> -> memref<64x128xf32, #tpu.memory_space<vmem>>
      %dma_wait3A_119 = arith.constant 0 : i32
      %dma_wait3A_120 = tpu.memref_slice %arg21[%add3A_76, %dma_wait3A_119] : memref<5128x128xf32, #tpu.memory_space<vmem_shared>> -> memref<64x128xf32, #tpu.memory_space<vmem_shared>>
      %dma_wait3A_121 = arith.constant 0 : i32
      %dma_wait3A_122 = tpu.memref_slice %arg21[%add3A_76, %dma_wait3A_121] : memref<5128x128xf32, #tpu.memory_space<vmem_shared>> -> memref<64x128xf32, #tpu.memory_space<vmem_shared>>
      %dma_wait3A_123 = arith.constant 0 : i32
      %dma_wait3A_124 = arith.constant 0 : i32
      %dma_wait3A_125 = tpu.memref_slice %arg19[%dma_wait3A_123, %dma_wait3A_124] : memref<128x128xf32, #tpu.memory_space<vmem>> -> memref<64x128xf32, #tpu.memory_space<vmem>>
      tpu.wait_dma2 semaphore(%run_scoped3A : memref<!tpu.dma_semaphore, #tpu.memory_space<semaphore_mem>>) src(%dma_wait3A_125 : memref<64x128xf32, #tpu.memory_space<vmem>>) dst(%dma_wait3A_122 : memref<64x128xf32, #tpu.memory_space<vmem_shared>>)
      tpu.yield
    }) : () -> ()
    %eq3A_77 = arith.constant 0 : i32
    %eq3A_78 = arith.cmpi eq, %arg1, %eq3A_77 : i32
    %convert_element_type3A_79 = arith.extui %eq3A_78 : i1 to i32
    %cond3A_80 = arith.constant 0 : i32
    %cond3A_81 = arith.cmpi ne, %convert_element_type3A_79, %cond3A_80 : i32
    scf.if %cond3A_81 {
      "tpu.region"() ({
        %run_scoped3A = tpu.sem_alloc : memref<!tpu.dma_semaphore, #tpu.memory_space<semaphore_mem>>
        %dma_start3A = arith.constant 0 : i32
        %dma_start3A_108 = arith.constant 0 : i32
        %dma_start3A_109 = tpu.memref_slice %arg19[%dma_start3A, %dma_start3A_108] : memref<128x128xf32, #tpu.memory_space<vmem>> -> memref<8x128xf32, #tpu.memory_space<vmem>>
        %dma_start3A_110 = arith.constant 5120 : i32
        %dma_start3A_111 = arith.constant 0 : i32
        %dma_start3A_112 = tpu.memref_slice %arg21[%dma_start3A_110, %dma_start3A_111] : memref<5128x128xf32, #tpu.memory_space<vmem_shared>> -> memref<8x128xf32, #tpu.memory_space<vmem_shared>>
        %dma_start3A_113 = arith.constant 5120 : i32
        %dma_start3A_114 = arith.constant 0 : i32
        %dma_start3A_115 = tpu.memref_slice %arg21[%dma_start3A_113, %dma_start3A_114] : memref<5128x128xf32, #tpu.memory_space<vmem_shared>> -> memref<8x128xf32, #tpu.memory_space<vmem_shared>>
        %dma_start3A_116 = arith.constant 0 : i32
        %dma_start3A_117 = arith.constant 0 : i32
        %dma_start3A_118 = tpu.memref_slice %arg19[%dma_start3A_116, %dma_start3A_117] : memref<128x128xf32, #tpu.memory_space<vmem>> -> memref<8x128xf32, #tpu.memory_space<vmem>>
        tpu.enqueue_dma source(%dma_start3A_118 : memref<8x128xf32, #tpu.memory_space<vmem>>) target(%dma_start3A_115 : memref<8x128xf32, #tpu.memory_space<vmem_shared>>) target_semaphore(%run_scoped3A : memref<!tpu.dma_semaphore, #tpu.memory_space<semaphore_mem>>)
        %dma_wait3A = arith.constant 0 : i32
        %dma_wait3A_119 = arith.constant 0 : i32
        %dma_wait3A_120 = tpu.memref_slice %arg19[%dma_wait3A, %dma_wait3A_119] : memref<128x128xf32, #tpu.memory_space<vmem>> -> memref<8x128xf32, #tpu.memory_space<vmem>>
        %dma_wait3A_121 = arith.constant 5120 : i32
        %dma_wait3A_122 = arith.constant 0 : i32
        %dma_wait3A_123 = tpu.memref_slice %arg21[%dma_wait3A_121, %dma_wait3A_122] : memref<5128x128xf32, #tpu.memory_space<vmem_shared>> -> memref<8x128xf32, #tpu.memory_space<vmem_shared>>
        %dma_wait3A_124 = arith.constant 5120 : i32
        %dma_wait3A_125 = arith.constant 0 : i32
        %dma_wait3A_126 = tpu.memref_slice %arg21[%dma_wait3A_124, %dma_wait3A_125] : memref<5128x128xf32, #tpu.memory_space<vmem_shared>> -> memref<8x128xf32, #tpu.memory_space<vmem_shared>>
        %dma_wait3A_127 = arith.constant 0 : i32
        %dma_wait3A_128 = arith.constant 0 : i32
        %dma_wait3A_129 = tpu.memref_slice %arg19[%dma_wait3A_127, %dma_wait3A_128] : memref<128x128xf32, #tpu.memory_space<vmem>> -> memref<8x128xf32, #tpu.memory_space<vmem>>
        tpu.wait_dma2 semaphore(%run_scoped3A : memref<!tpu.dma_semaphore, #tpu.memory_space<semaphore_mem>>) src(%dma_wait3A_129 : memref<8x128xf32, #tpu.memory_space<vmem>>) dst(%dma_wait3A_126 : memref<8x128xf32, #tpu.memory_space<vmem_shared>>)
        tpu.yield
      }) : () -> ()
    } else {
    }
    %barrier3A_82 = arith.constant 0 : index
    tpu.barrier barrier_id(%barrier3A_82)
    %mul3A_83 = arith.constant 5120 : i32
    %mul3A_84 = arith.muli %arg0, %mul3A_83 : i32
    %mul3A_85 = arith.constant 160 : i32
    %mul3A_86 = arith.muli %arg1, %mul3A_85 : i32
    %add3A_87 = arith.constant 0 : i32
    %add3A_88 = arith.addi %mul3A_86, %add3A_87 : i32
    "tpu.region"() ({
      %run_scoped3A = tpu.sem_alloc : memref<!tpu.dma_semaphore, #tpu.memory_space<semaphore_mem>>
      %dma_start3A = arith.constant 0 : i32
      %dma_start3A_108 = tpu.memref_slice %arg2[%add3A_88, %dma_start3A] : memref<2560x128xi32, #tpu.memory_space<hbm>> -> memref<80x128xi32, #tpu.memory_space<hbm>>
      %dma_start3A_109 = arith.constant 0 : i32
      %dma_start3A_110 = tpu.memref_slice %arg2[%add3A_88, %dma_start3A_109] : memref<2560x128xi32, #tpu.memory_space<hbm>> -> memref<80x128xi32, #tpu.memory_space<hbm>>
      tpu.enqueue_dma source(%dma_start3A_110 : memref<80x128xi32, #tpu.memory_space<hbm>>) target(%arg13 : memref<80x128xi32, #tpu.memory_space<vmem>>) target_semaphore(%run_scoped3A : memref<!tpu.dma_semaphore, #tpu.memory_space<semaphore_mem>>)
      %dma_wait3A = arith.constant 0 : i32
      %dma_wait3A_111 = tpu.memref_slice %arg2[%add3A_88, %dma_wait3A] : memref<2560x128xi32, #tpu.memory_space<hbm>> -> memref<80x128xi32, #tpu.memory_space<hbm>>
      %dma_wait3A_112 = arith.constant 0 : i32
      %dma_wait3A_113 = tpu.memref_slice %arg2[%add3A_88, %dma_wait3A_112] : memref<2560x128xi32, #tpu.memory_space<hbm>> -> memref<80x128xi32, #tpu.memory_space<hbm>>
      tpu.wait_dma2 semaphore(%run_scoped3A : memref<!tpu.dma_semaphore, #tpu.memory_space<semaphore_mem>>) src(%dma_wait3A_113 : memref<80x128xi32, #tpu.memory_space<hbm>>) dst(%arg13 : memref<80x128xi32, #tpu.memory_space<vmem>>)
      tpu.yield
    }) : () -> ()
    "tpu.region"() ({
      %run_scoped3A = tpu.sem_alloc : memref<!tpu.dma_semaphore, #tpu.memory_space<semaphore_mem>>
      %dma_start3A = arith.constant 0 : i32
      %dma_start3A_108 = tpu.memref_slice %arg3[%add3A_88, %dma_start3A] : memref<2560x128xi32, #tpu.memory_space<hbm>> -> memref<80x128xi32, #tpu.memory_space<hbm>>
      %dma_start3A_109 = arith.constant 0 : i32
      %dma_start3A_110 = tpu.memref_slice %arg3[%add3A_88, %dma_start3A_109] : memref<2560x128xi32, #tpu.memory_space<hbm>> -> memref<80x128xi32, #tpu.memory_space<hbm>>
      tpu.enqueue_dma source(%dma_start3A_110 : memref<80x128xi32, #tpu.memory_space<hbm>>) target(%arg14 : memref<80x128xi32, #tpu.memory_space<vmem>>) target_semaphore(%run_scoped3A : memref<!tpu.dma_semaphore, #tpu.memory_space<semaphore_mem>>)
      %dma_wait3A = arith.constant 0 : i32
      %dma_wait3A_111 = tpu.memref_slice %arg3[%add3A_88, %dma_wait3A] : memref<2560x128xi32, #tpu.memory_space<hbm>> -> memref<80x128xi32, #tpu.memory_space<hbm>>
      %dma_wait3A_112 = arith.constant 0 : i32
      %dma_wait3A_113 = tpu.memref_slice %arg3[%add3A_88, %dma_wait3A_112] : memref<2560x128xi32, #tpu.memory_space<hbm>> -> memref<80x128xi32, #tpu.memory_space<hbm>>
      tpu.wait_dma2 semaphore(%run_scoped3A : memref<!tpu.dma_semaphore, #tpu.memory_space<semaphore_mem>>) src(%dma_wait3A_113 : memref<80x128xi32, #tpu.memory_space<hbm>>) dst(%arg14 : memref<80x128xi32, #tpu.memory_space<vmem>>)
      tpu.yield
    }) : () -> ()
    "tpu.region"() ({
      %run_scoped3A = tpu.sem_alloc : memref<!tpu.dma_semaphore, #tpu.memory_space<semaphore_mem>>
      %dma_start3A = arith.constant 0 : i32
      %dma_start3A_108 = tpu.memref_slice %arg4[%add3A_88, %dma_start3A] : memref<2560x128xf32, #tpu.memory_space<hbm>> -> memref<80x128xf32, #tpu.memory_space<hbm>>
      %dma_start3A_109 = arith.constant 0 : i32
      %dma_start3A_110 = tpu.memref_slice %arg4[%add3A_88, %dma_start3A_109] : memref<2560x128xf32, #tpu.memory_space<hbm>> -> memref<80x128xf32, #tpu.memory_space<hbm>>
      tpu.enqueue_dma source(%dma_start3A_110 : memref<80x128xf32, #tpu.memory_space<hbm>>) target(%arg15 : memref<80x128xf32, #tpu.memory_space<vmem>>) target_semaphore(%run_scoped3A : memref<!tpu.dma_semaphore, #tpu.memory_space<semaphore_mem>>)
      %dma_wait3A = arith.constant 0 : i32
      %dma_wait3A_111 = tpu.memref_slice %arg4[%add3A_88, %dma_wait3A] : memref<2560x128xf32, #tpu.memory_space<hbm>> -> memref<80x128xf32, #tpu.memory_space<hbm>>
      %dma_wait3A_112 = arith.constant 0 : i32
      %dma_wait3A_113 = tpu.memref_slice %arg4[%add3A_88, %dma_wait3A_112] : memref<2560x128xf32, #tpu.memory_space<hbm>> -> memref<80x128xf32, #tpu.memory_space<hbm>>
      tpu.wait_dma2 semaphore(%run_scoped3A : memref<!tpu.dma_semaphore, #tpu.memory_space<semaphore_mem>>) src(%dma_wait3A_113 : memref<80x128xf32, #tpu.memory_space<hbm>>) dst(%arg15 : memref<80x128xf32, #tpu.memory_space<vmem>>)
      tpu.yield
    }) : () -> ()
    %scan3A_89 = arith.constant 0 : i32
    %scan3A_90 = arith.constant 0 : i32
    %scan3A_91 = arith.constant 80 : i32
    %scan3A_92 = arith.addi %scan3A_90, %scan3A_91 : i32
    %scan3A_93 = arith.constant 1 : i32
    %scan3A_94 = scf.for %scan3A_108 = %scan3A_90 to %scan3A_92 step %scan3A_93 iter_args(%scan3A_109 = %scan3A_89) -> (i32)  : i32 {
      %add3A_110 = arith.addi %add3A_88, %scan3A_108 : i32
      "tpu.region"() ({
        %run_scoped3A = tpu.sem_alloc : memref<!tpu.dma_semaphore, #tpu.memory_space<semaphore_mem>>
        %dma_start3A = arith.constant 0 : i32
        %dma_start3A_126 = tpu.memref_slice %arg2[%add3A_110, %dma_start3A] : memref<2560x128xi32, #tpu.memory_space<hbm>> -> memref<1x128xi32, #tpu.memory_space<hbm>>
        %dma_start3A_127 = tpu.memref_squeeze %dma_start3A_126 : memref<1x128xi32, #tpu.memory_space<hbm>> -> memref<128xi32, #tpu.memory_space<hbm>>
        %dma_start3A_128 = arith.constant 0 : i32
        %dma_start3A_129 = tpu.memref_slice %arg2[%add3A_110, %dma_start3A_128] : memref<2560x128xi32, #tpu.memory_space<hbm>> -> memref<1x128xi32, #tpu.memory_space<hbm>>
        %dma_start3A_130 = tpu.memref_squeeze %dma_start3A_129 : memref<1x128xi32, #tpu.memory_space<hbm>> -> memref<128xi32, #tpu.memory_space<hbm>>
        tpu.enqueue_dma source(%dma_start3A_130 : memref<128xi32, #tpu.memory_space<hbm>>) target(%arg16 : memref<128xi32, #tpu.memory_space<vmem>>) target_semaphore(%run_scoped3A : memref<!tpu.dma_semaphore, #tpu.memory_space<semaphore_mem>>)
        %dma_wait3A = arith.constant 0 : i32
        %dma_wait3A_131 = tpu.memref_slice %arg2[%add3A_110, %dma_wait3A] : memref<2560x128xi32, #tpu.memory_space<hbm>> -> memref<1x128xi32, #tpu.memory_space<hbm>>
        %dma_wait3A_132 = tpu.memref_squeeze %dma_wait3A_131 : memref<1x128xi32, #tpu.memory_space<hbm>> -> memref<128xi32, #tpu.memory_space<hbm>>
        %dma_wait3A_133 = arith.constant 0 : i32
        %dma_wait3A_134 = tpu.memref_slice %arg2[%add3A_110, %dma_wait3A_133] : memref<2560x128xi32, #tpu.memory_space<hbm>> -> memref<1x128xi32, #tpu.memory_space<hbm>>
        %dma_wait3A_135 = tpu.memref_squeeze %dma_wait3A_134 : memref<1x128xi32, #tpu.memory_space<hbm>> -> memref<128xi32, #tpu.memory_space<hbm>>
        tpu.wait_dma2 semaphore(%run_scoped3A : memref<!tpu.dma_semaphore, #tpu.memory_space<semaphore_mem>>) src(%dma_wait3A_135 : memref<128xi32, #tpu.memory_space<hbm>>) dst(%arg16 : memref<128xi32, #tpu.memory_space<vmem>>)
        tpu.yield
      }) : () -> ()
      "tpu.region"() ({
        %run_scoped3A = tpu.sem_alloc : memref<!tpu.dma_semaphore, #tpu.memory_space<semaphore_mem>>
        %dma_start3A = arith.constant 0 : i32
        %dma_start3A_126 = arith.constant 0 : i32
        %dma_start3A_127 = tpu.memref_slice %arg7[%dma_start3A, %dma_start3A_126] : memref<10240x128xf32, #tpu.memory_space<hbm>> -> memref<10240x128xf32, #tpu.memory_space<hbm>>
        tpu.enqueue_indirect_dma source(%dma_start3A_127 : memref<10240x128xf32, #tpu.memory_space<hbm>>) target(%arg19 : memref<128x128xf32, #tpu.memory_space<vmem>>) offsets(%arg16 : memref<128xi32, #tpu.memory_space<vmem>>) semaphore(%run_scoped3A : memref<!tpu.dma_semaphore, #tpu.memory_space<semaphore_mem>>)
        %dma_wait3A = arith.constant 0 : i32
        %dma_wait3A_128 = arith.constant 0 : i32
        %dma_wait3A_129 = tpu.memref_slice %arg7[%dma_wait3A, %dma_wait3A_128] : memref<10240x128xf32, #tpu.memory_space<hbm>> -> memref<10240x128xf32, #tpu.memory_space<hbm>>
        tpu.wait_indirect_dma semaphore(%run_scoped3A : memref<!tpu.dma_semaphore, #tpu.memory_space<semaphore_mem>>) src(%dma_wait3A_129 : memref<10240x128xf32, #tpu.memory_space<hbm>>) dst(%arg19 : memref<128x128xf32, #tpu.memory_space<vmem>>)
        tpu.yield
      }) : () -> ()
      %scan3A_111 = arith.constant 0 : i32
      %scan3A_112 = arith.constant 0 : i32
      %scan3A_113 = arith.constant 8 : i32
      %scan3A_114 = arith.addi %scan3A_112, %scan3A_113 : i32
      %scan3A_115 = arith.constant 1 : i32
      %scan3A_116 = scf.for %scan3A_126 = %scan3A_112 to %scan3A_114 step %scan3A_115 iter_args(%scan3A_127 = %scan3A_111) -> (i32)  : i32 {
        %mul3A_128 = arith.constant 16 : i32
        %mul3A_129 = arith.muli %scan3A_126, %mul3A_128 : i32
        %get3A = arith.index_cast %scan3A_108 : i32 to index
        %get3A_130 = arith.index_cast %mul3A_129 : i32 to index
        %get3A_131 = tpu.vector_load %arg13[%get3A, %get3A_130] {strides = array<i32>} : memref<80x128xi32, #tpu.memory_space<vmem>>, vector<16xi32>,
        %get3A_132 = arith.index_cast %scan3A_108 : i32 to index
        %get3A_133 = arith.index_cast %mul3A_129 : i32 to index
        %get3A_134 = tpu.vector_load %arg14[%get3A_132, %get3A_133] {strides = array<i32>} : memref<80x128xi32, #tpu.memory_space<vmem>>, vector<16xi32>,
        %get3A_135 = arith.index_cast %scan3A_108 : i32 to index
        %get3A_136 = arith.index_cast %mul3A_129 : i32 to index
        %get3A_137 = tpu.vector_load %arg15[%get3A_135, %get3A_136] {strides = array<i32>} : memref<80x128xf32, #tpu.memory_space<vmem>>, vector<16xf32>,
        %gather3A = tpu.vector_load_idx %arg9[%get3A_131] : memref<10240xf32, #tpu.memory_space<vmem>>[vector<16xi32>], vector<16xf32>,
        %gather3A_138 = tpu.vector_load_idx %arg10[%get3A_134] : memref<10240xf32, #tpu.memory_space<vmem>>[vector<16xi32>], vector<16xf32>,
        %add3A_139 = arith.addf %gather3A, %gather3A_138 : vector<16xf32>
        %add3A_140 = arith.addf %add3A_139, %get3A_137 : vector<16xf32>
        %ge3A = arith.constant 0.000000e+00 : f32
        %ge3A_141 = vector.broadcast %ge3A : f32 to vector<16xf32>
        %ge3A_142 = arith.cmpf oge, %add3A_140, %ge3A_141 : vector<16xf32>
        %mul3A_143 = arith.constant 2.000000e-01 : f32
        %mul3A_144 = vector.broadcast %mul3A_143 : f32 to vector<16xf32>
        %mul3A_145 = arith.mulf %add3A_140, %mul3A_144 : vector<16xf32>
        %select_n3A = arith.select %ge3A_142, %add3A_140, %mul3A_145 : vector<16xi1>, vector<16xf32>
        %exp3A = math.exp %select_n3A : vector<16xf32>
        %shift_right_logical3A = arith.constant 7 : i32
        %shift_right_logical3A_146 = vector.broadcast %shift_right_logical3A : i32 to vector<16xi32>
        %shift_right_logical3A_147 = arith.shrui %get3A_134, %shift_right_logical3A_146 : vector<16xi32>
        %and3A = arith.constant 127 : i32
        %and3A_148 = vector.broadcast %and3A : i32 to vector<16xi32>
        %and3A_149 = arith.andi %get3A_134, %and3A_148 : vector<16xi32>
        %gather3A_150 = tpu.vector_load_idx %arg11[%shift_right_logical3A_147, %and3A_149] : memref<80x128xf32, #tpu.memory_space<vmem>>[vector<16xi32>, vector<16xi32>], vector<16xf32>,
        %add3A_151 = arith.constant 1.000000e-16 : f32
        %add3A_152 = vector.broadcast %add3A_151 : f32 to vector<16xf32>
        %add3A_153 = arith.addf %gather3A_150, %add3A_152 : vector<16xf32>
        %div3A = arith.divf %exp3A, %add3A_153 : vector<16xf32>
        %swap3A_154 = arith.index_cast %mul3A_129 : i32 to index
        %swap3A_155 = tpu.vector_load %arg18[%swap3A_154] {strides = array<i32>} : memref<128xf32, #tpu.memory_space<vmem>>, vector<16xf32>,
        tpu.vector_store %arg18[%swap3A_154], %div3A {strides = array<i32>} : memref<128xf32, #tpu.memory_space<vmem>>, vector<16xf32>,
        %sub3A = vector.broadcast %mul3A_84 : i32 to vector<16xi32>
        %sub3A_156 = arith.subi %get3A_134, %sub3A : vector<16xi32>
        %ge3A_157 = arith.constant 0 : i32
        %ge3A_158 = vector.broadcast %ge3A_157 : i32 to vector<16xi32>
        %ge3A_159 = arith.cmpi sge, %sub3A_156, %ge3A_158 : vector<16xi32>
        %lt3A = arith.constant 5120 : i32
        %lt3A_160 = vector.broadcast %lt3A : i32 to vector<16xi32>
        %lt3A_161 = arith.cmpi slt, %sub3A_156, %lt3A_160 : vector<16xi32>
        %and3A_162 = arith.andi %ge3A_159, %lt3A_161 : vector<16xi1>
        %jit3A = arith.constant 5120 : i32
        %broadcast_in_dim3A = vector.broadcast %jit3A : i32 to vector<16xi32>
        %select_n3A_163 = arith.select %and3A_162, %sub3A_156, %broadcast_in_dim3A : vector<16xi1>, vector<16xi32>
        %swap3A_164 = arith.index_cast %mul3A_129 : i32 to index
        %swap3A_165 = tpu.vector_load %arg17[%swap3A_164] {strides = array<i32>} : memref<128xi32, #tpu.memory_space<vmem>>, vector<16xi32>,
        tpu.vector_store %arg17[%swap3A_164], %select_n3A_163 {strides = array<i32>} : memref<128xi32, #tpu.memory_space<vmem>>, vector<16xi32>,
        %scan3A_166 = arith.constant 0 : i32
        scf.yield %scan3A_166 : i32
      }
      %scan3A_117 = arith.constant 8 : i32
      %scan3A_118 = arith.constant 0 : i32
      %scan3A_119 = arith.constant 0 : i32
      %scan3A_120 = arith.constant 128 : i32
      %scan3A_121 = arith.addi %scan3A_119, %scan3A_120 : i32
      %scan3A_122 = arith.constant 1 : i32
      %scan3A_123 = scf.for %scan3A_126 = %scan3A_119 to %scan3A_121 step %scan3A_122 iter_args(%scan3A_127 = %scan3A_118) -> (i32)  : i32 {
        %broadcast_in_dim3A = vector.broadcast %scan3A_126 : i32 to vector<16xi32>
        %gather3A = tpu.vector_load_idx %arg18[%broadcast_in_dim3A] : memref<128xf32, #tpu.memory_space<vmem>>[vector<16xi32>], vector<16xf32>,
        %get3A = arith.index_cast %scan3A_126 : i32 to index
        %get3A_128 = arith.constant 0 : index
        %get3A_129 = tpu.vector_load %arg19[%get3A, %get3A_128] {strides = array<i32>} : memref<128x128xf32, #tpu.memory_space<vmem>>, vector<16xf32>,
        %mul3A_130 = arith.mulf %get3A_129, %gather3A : vector<16xf32>
        %swap3A_131 = arith.index_cast %scan3A_126 : i32 to index
        %swap3A_132 = arith.constant 0 : index
        %swap3A_133 = tpu.vector_load %arg19[%swap3A_131, %swap3A_132] {strides = array<i32>} : memref<128x128xf32, #tpu.memory_space<vmem>>, vector<16xf32>,
        tpu.vector_store %arg19[%swap3A_131, %swap3A_132], %mul3A_130 {strides = array<i32>} : memref<128x128xf32, #tpu.memory_space<vmem>>, vector<16xf32>,
        %get3A_134 = arith.index_cast %scan3A_126 : i32 to index
        %get3A_135 = arith.constant 16 : index
        %get3A_136 = tpu.vector_load %arg19[%get3A_134, %get3A_135] {strides = array<i32>} : memref<128x128xf32, #tpu.memory_space<vmem>>, vector<16xf32>,
        %mul3A_137 = arith.mulf %get3A_136, %gather3A : vector<16xf32>
        %swap3A_138 = arith.index_cast %scan3A_126 : i32 to index
        %swap3A_139 = arith.constant 16 : index
        %swap3A_140 = tpu.vector_load %arg19[%swap3A_138, %swap3A_139] {strides = array<i32>} : memref<128x128xf32, #tpu.memory_space<vmem>>, vector<16xf32>,
        tpu.vector_store %arg19[%swap3A_138, %swap3A_139], %mul3A_137 {strides = array<i32>} : memref<128x128xf32, #tpu.memory_space<vmem>>, vector<16xf32>,
        %get3A_141 = arith.index_cast %scan3A_126 : i32 to index
        %get3A_142 = arith.constant 32 : index
        %get3A_143 = tpu.vector_load %arg19[%get3A_141, %get3A_142] {strides = array<i32>} : memref<128x128xf32, #tpu.memory_space<vmem>>, vector<16xf32>,
        %mul3A_144 = arith.mulf %get3A_143, %gather3A : vector<16xf32>
        %swap3A_145 = arith.index_cast %scan3A_126 : i32 to index
        %swap3A_146 = arith.constant 32 : index
        %swap3A_147 = tpu.vector_load %arg19[%swap3A_145, %swap3A_146] {strides = array<i32>} : memref<128x128xf32, #tpu.memory_space<vmem>>, vector<16xf32>,
        tpu.vector_store %arg19[%swap3A_145, %swap3A_146], %mul3A_144 {strides = array<i32>} : memref<128x128xf32, #tpu.memory_space<vmem>>, vector<16xf32>,
        %get3A_148 = arith.index_cast %scan3A_126 : i32 to index
        %get3A_149 = arith.constant 48 : index
        %get3A_150 = tpu.vector_load %arg19[%get3A_148, %get3A_149] {strides = array<i32>} : memref<128x128xf32, #tpu.memory_space<vmem>>, vector<16xf32>,
        %mul3A_151 = arith.mulf %get3A_150, %gather3A : vector<16xf32>
        %swap3A_152 = arith.index_cast %scan3A_126 : i32 to index
        %swap3A_153 = arith.constant 48 : index
        %swap3A_154 = tpu.vector_load %arg19[%swap3A_152, %swap3A_153] {strides = array<i32>} : memref<128x128xf32, #tpu.memory_space<vmem>>, vector<16xf32>,
        tpu.vector_store %arg19[%swap3A_152, %swap3A_153], %mul3A_151 {strides = array<i32>} : memref<128x128xf32, #tpu.memory_space<vmem>>, vector<16xf32>,
        %get3A_155 = arith.index_cast %scan3A_126 : i32 to index
        %get3A_156 = arith.constant 64 : index
        %get3A_157 = tpu.vector_load %arg19[%get3A_155, %get3A_156] {strides = array<i32>} : memref<128x128xf32, #tpu.memory_space<vmem>>, vector<16xf32>,
        %mul3A_158 = arith.mulf %get3A_157, %gather3A : vector<16xf32>
        %swap3A_159 = arith.index_cast %scan3A_126 : i32 to index
        %swap3A_160 = arith.constant 64 : index
        %swap3A_161 = tpu.vector_load %arg19[%swap3A_159, %swap3A_160] {strides = array<i32>} : memref<128x128xf32, #tpu.memory_space<vmem>>, vector<16xf32>,
        tpu.vector_store %arg19[%swap3A_159, %swap3A_160], %mul3A_158 {strides = array<i32>} : memref<128x128xf32, #tpu.memory_space<vmem>>, vector<16xf32>,
        %get3A_162 = arith.index_cast %scan3A_126 : i32 to index
        %get3A_163 = arith.constant 80 : index
        %get3A_164 = tpu.vector_load %arg19[%get3A_162, %get3A_163] {strides = array<i32>} : memref<128x128xf32, #tpu.memory_space<vmem>>, vector<16xf32>,
        %mul3A_165 = arith.mulf %get3A_164, %gather3A : vector<16xf32>
        %swap3A_166 = arith.index_cast %scan3A_126 : i32 to index
        %swap3A_167 = arith.constant 80 : index
        %swap3A_168 = tpu.vector_load %arg19[%swap3A_166, %swap3A_167] {strides = array<i32>} : memref<128x128xf32, #tpu.memory_space<vmem>>, vector<16xf32>,
        tpu.vector_store %arg19[%swap3A_166, %swap3A_167], %mul3A_165 {strides = array<i32>} : memref<128x128xf32, #tpu.memory_space<vmem>>, vector<16xf32>,
        %get3A_169 = arith.index_cast %scan3A_126 : i32 to index
        %get3A_170 = arith.constant 96 : index
        %get3A_171 = tpu.vector_load %arg19[%get3A_169, %get3A_170] {strides = array<i32>} : memref<128x128xf32, #tpu.memory_space<vmem>>, vector<16xf32>,
        %mul3A_172 = arith.mulf %get3A_171, %gather3A : vector<16xf32>
        %swap3A_173 = arith.index_cast %scan3A_126 : i32 to index
        %swap3A_174 = arith.constant 96 : index
        %swap3A_175 = tpu.vector_load %arg19[%swap3A_173, %swap3A_174] {strides = array<i32>} : memref<128x128xf32, #tpu.memory_space<vmem>>, vector<16xf32>,
        tpu.vector_store %arg19[%swap3A_173, %swap3A_174], %mul3A_172 {strides = array<i32>} : memref<128x128xf32, #tpu.memory_space<vmem>>, vector<16xf32>,
        %get3A_176 = arith.index_cast %scan3A_126 : i32 to index
        %get3A_177 = arith.constant 112 : index
        %get3A_178 = tpu.vector_load %arg19[%get3A_176, %get3A_177] {strides = array<i32>} : memref<128x128xf32, #tpu.memory_space<vmem>>, vector<16xf32>,
        %mul3A_179 = arith.mulf %get3A_178, %gather3A : vector<16xf32>
        %swap3A_180 = arith.index_cast %scan3A_126 : i32 to index
        %swap3A_181 = arith.constant 112 : index
        %swap3A_182 = tpu.vector_load %arg19[%swap3A_180, %swap3A_181] {strides = array<i32>} : memref<128x128xf32, #tpu.memory_space<vmem>>, vector<16xf32>,
        tpu.vector_store %arg19[%swap3A_180, %swap3A_181], %mul3A_179 {strides = array<i32>} : memref<128x128xf32, #tpu.memory_space<vmem>>, vector<16xf32>,
        %scan3A_183 = arith.constant 0 : i32
        scf.yield %scan3A_183 : i32
      }
      %scan3A_124 = arith.constant 128 : i32
      "tpu.region"() ({
        %run_scoped3A = tpu.sem_alloc : memref<!tpu.dma_semaphore, #tpu.memory_space<semaphore_mem>>
        %dma_start3A = arith.constant 0 : i32
        %dma_start3A_126 = arith.constant 0 : i32
        %dma_start3A_127 = tpu.memref_slice %arg21[%dma_start3A, %dma_start3A_126] : memref<5128x128xf32, #tpu.memory_space<vmem_shared>> -> memref<5128x128xf32, #tpu.memory_space<vmem_shared>>
        tpu.enqueue_indirect_dma source(%arg19 : memref<128x128xf32, #tpu.memory_space<vmem>>) target(%dma_start3A_127 : memref<5128x128xf32, #tpu.memory_space<vmem_shared>>) offsets(%arg17 : memref<128xi32, #tpu.memory_space<vmem>>) semaphore(%run_scoped3A : memref<!tpu.dma_semaphore, #tpu.memory_space<semaphore_mem>>) {add = true}
        %dma_wait3A = arith.constant 0 : i32
        %dma_wait3A_128 = arith.constant 0 : i32
        %dma_wait3A_129 = tpu.memref_slice %arg21[%dma_wait3A, %dma_wait3A_128] : memref<5128x128xf32, #tpu.memory_space<vmem_shared>> -> memref<5128x128xf32, #tpu.memory_space<vmem_shared>>
        tpu.wait_indirect_dma semaphore(%run_scoped3A : memref<!tpu.dma_semaphore, #tpu.memory_space<semaphore_mem>>) src(%arg19 : memref<128x128xf32, #tpu.memory_space<vmem>>) dst(%dma_wait3A_129 : memref<5128x128xf32, #tpu.memory_space<vmem_shared>>)
        tpu.yield
      }) : () -> ()
      %scan3A_125 = arith.constant 0 : i32
      scf.yield %scan3A_125 : i32
    }
    %scan3A_95 = arith.constant 80 : i32
    %mul3A_96 = arith.constant 160 : i32
    %mul3A_97 = arith.muli %arg1, %mul3A_96 : i32
    %add3A_98 = arith.constant 80 : i32
    %add3A_99 = arith.addi %mul3A_97, %add3A_98 : i32
    "tpu.region"() ({
      %run_scoped3A = tpu.sem_alloc : memref<!tpu.dma_semaphore, #tpu.memory_space<semaphore_mem>>
      %dma_start3A = arith.constant 0 : i32
      %dma_start3A_108 = tpu.memref_slice %arg2[%add3A_99, %dma_start3A] : memref<2560x128xi32, #tpu.memory_space<hbm>> -> memref<80x128xi32, #tpu.memory_space<hbm>>
      %dma_start3A_109 = arith.constant 0 : i32
      %dma_start3A_110 = tpu.memref_slice %arg2[%add3A_99, %dma_start3A_109] : memref<2560x128xi32, #tpu.memory_space<hbm>> -> memref<80x128xi32, #tpu.memory_space<hbm>>
      tpu.enqueue_dma source(%dma_start3A_110 : memref<80x128xi32, #tpu.memory_space<hbm>>) target(%arg13 : memref<80x128xi32, #tpu.memory_space<vmem>>) target_semaphore(%run_scoped3A : memref<!tpu.dma_semaphore, #tpu.memory_space<semaphore_mem>>)
      %dma_wait3A = arith.constant 0 : i32
      %dma_wait3A_111 = tpu.memref_slice %arg2[%add3A_99, %dma_wait3A] : memref<2560x128xi32, #tpu.memory_space<hbm>> -> memref<80x128xi32, #tpu.memory_space<hbm>>
      %dma_wait3A_112 = arith.constant 0 : i32
      %dma_wait3A_113 = tpu.memref_slice %arg2[%add3A_99, %dma_wait3A_112] : memref<2560x128xi32, #tpu.memory_space<hbm>> -> memref<80x128xi32, #tpu.memory_space<hbm>>
      tpu.wait_dma2 semaphore(%run_scoped3A : memref<!tpu.dma_semaphore, #tpu.memory_space<semaphore_mem>>) src(%dma_wait3A_113 : memref<80x128xi32, #tpu.memory_space<hbm>>) dst(%arg13 : memref<80x128xi32, #tpu.memory_space<vmem>>)
      tpu.yield
    }) : () -> ()
    "tpu.region"() ({
      %run_scoped3A = tpu.sem_alloc : memref<!tpu.dma_semaphore, #tpu.memory_space<semaphore_mem>>
      %dma_start3A = arith.constant 0 : i32
      %dma_start3A_108 = tpu.memref_slice %arg3[%add3A_99, %dma_start3A] : memref<2560x128xi32, #tpu.memory_space<hbm>> -> memref<80x128xi32, #tpu.memory_space<hbm>>
      %dma_start3A_109 = arith.constant 0 : i32
      %dma_start3A_110 = tpu.memref_slice %arg3[%add3A_99, %dma_start3A_109] : memref<2560x128xi32, #tpu.memory_space<hbm>> -> memref<80x128xi32, #tpu.memory_space<hbm>>
      tpu.enqueue_dma source(%dma_start3A_110 : memref<80x128xi32, #tpu.memory_space<hbm>>) target(%arg14 : memref<80x128xi32, #tpu.memory_space<vmem>>) target_semaphore(%run_scoped3A : memref<!tpu.dma_semaphore, #tpu.memory_space<semaphore_mem>>)
      %dma_wait3A = arith.constant 0 : i32
      %dma_wait3A_111 = tpu.memref_slice %arg3[%add3A_99, %dma_wait3A] : memref<2560x128xi32, #tpu.memory_space<hbm>> -> memref<80x128xi32, #tpu.memory_space<hbm>>
      %dma_wait3A_112 = arith.constant 0 : i32
      %dma_wait3A_113 = tpu.memref_slice %arg3[%add3A_99, %dma_wait3A_112] : memref<2560x128xi32, #tpu.memory_space<hbm>> -> memref<80x128xi32, #tpu.memory_space<hbm>>
      tpu.wait_dma2 semaphore(%run_scoped3A : memref<!tpu.dma_semaphore, #tpu.memory_space<semaphore_mem>>) src(%dma_wait3A_113 : memref<80x128xi32, #tpu.memory_space<hbm>>) dst(%arg14 : memref<80x128xi32, #tpu.memory_space<vmem>>)
      tpu.yield
    }) : () -> ()
    "tpu.region"() ({
      %run_scoped3A = tpu.sem_alloc : memref<!tpu.dma_semaphore, #tpu.memory_space<semaphore_mem>>
      %dma_start3A = arith.constant 0 : i32
      %dma_start3A_108 = tpu.memref_slice %arg4[%add3A_99, %dma_start3A] : memref<2560x128xf32, #tpu.memory_space<hbm>> -> memref<80x128xf32, #tpu.memory_space<hbm>>
      %dma_start3A_109 = arith.constant 0 : i32
      %dma_start3A_110 = tpu.memref_slice %arg4[%add3A_99, %dma_start3A_109] : memref<2560x128xf32, #tpu.memory_space<hbm>> -> memref<80x128xf32, #tpu.memory_space<hbm>>
      tpu.enqueue_dma source(%dma_start3A_110 : memref<80x128xf32, #tpu.memory_space<hbm>>) target(%arg15 : memref<80x128xf32, #tpu.memory_space<vmem>>) target_semaphore(%run_scoped3A : memref<!tpu.dma_semaphore, #tpu.memory_space<semaphore_mem>>)
      %dma_wait3A = arith.constant 0 : i32
      %dma_wait3A_111 = tpu.memref_slice %arg4[%add3A_99, %dma_wait3A] : memref<2560x128xf32, #tpu.memory_space<hbm>> -> memref<80x128xf32, #tpu.memory_space<hbm>>
      %dma_wait3A_112 = arith.constant 0 : i32
      %dma_wait3A_113 = tpu.memref_slice %arg4[%add3A_99, %dma_wait3A_112] : memref<2560x128xf32, #tpu.memory_space<hbm>> -> memref<80x128xf32, #tpu.memory_space<hbm>>
      tpu.wait_dma2 semaphore(%run_scoped3A : memref<!tpu.dma_semaphore, #tpu.memory_space<semaphore_mem>>) src(%dma_wait3A_113 : memref<80x128xf32, #tpu.memory_space<hbm>>) dst(%arg15 : memref<80x128xf32, #tpu.memory_space<vmem>>)
      tpu.yield
    }) : () -> ()
    %scan3A_100 = arith.constant 0 : i32
    %scan3A_101 = arith.constant 0 : i32
    %scan3A_102 = arith.constant 80 : i32
    %scan3A_103 = arith.addi %scan3A_101, %scan3A_102 : i32
    %scan3A_104 = arith.constant 1 : i32
    %scan3A_105 = scf.for %scan3A_108 = %scan3A_101 to %scan3A_103 step %scan3A_104 iter_args(%scan3A_109 = %scan3A_100) -> (i32)  : i32 {
      %add3A_110 = arith.addi %add3A_99, %scan3A_108 : i32
      "tpu.region"() ({
        %run_scoped3A = tpu.sem_alloc : memref<!tpu.dma_semaphore, #tpu.memory_space<semaphore_mem>>
        %dma_start3A = arith.constant 0 : i32
        %dma_start3A_126 = tpu.memref_slice %arg2[%add3A_110, %dma_start3A] : memref<2560x128xi32, #tpu.memory_space<hbm>> -> memref<1x128xi32, #tpu.memory_space<hbm>>
        %dma_start3A_127 = tpu.memref_squeeze %dma_start3A_126 : memref<1x128xi32, #tpu.memory_space<hbm>> -> memref<128xi32, #tpu.memory_space<hbm>>
        %dma_start3A_128 = arith.constant 0 : i32
        %dma_start3A_129 = tpu.memref_slice %arg2[%add3A_110, %dma_start3A_128] : memref<2560x128xi32, #tpu.memory_space<hbm>> -> memref<1x128xi32, #tpu.memory_space<hbm>>
        %dma_start3A_130 = tpu.memref_squeeze %dma_start3A_129 : memref<1x128xi32, #tpu.memory_space<hbm>> -> memref<128xi32, #tpu.memory_space<hbm>>
        tpu.enqueue_dma source(%dma_start3A_130 : memref<128xi32, #tpu.memory_space<hbm>>) target(%arg16 : memref<128xi32, #tpu.memory_space<vmem>>) target_semaphore(%run_scoped3A : memref<!tpu.dma_semaphore, #tpu.memory_space<semaphore_mem>>)
        %dma_wait3A = arith.constant 0 : i32
        %dma_wait3A_131 = tpu.memref_slice %arg2[%add3A_110, %dma_wait3A] : memref<2560x128xi32, #tpu.memory_space<hbm>> -> memref<1x128xi32, #tpu.memory_space<hbm>>
        %dma_wait3A_132 = tpu.memref_squeeze %dma_wait3A_131 : memref<1x128xi32, #tpu.memory_space<hbm>> -> memref<128xi32, #tpu.memory_space<hbm>>
        %dma_wait3A_133 = arith.constant 0 : i32
        %dma_wait3A_134 = tpu.memref_slice %arg2[%add3A_110, %dma_wait3A_133] : memref<2560x128xi32, #tpu.memory_space<hbm>> -> memref<1x128xi32, #tpu.memory_space<hbm>>
        %dma_wait3A_135 = tpu.memref_squeeze %dma_wait3A_134 : memref<1x128xi32, #tpu.memory_space<hbm>> -> memref<128xi32, #tpu.memory_space<hbm>>
        tpu.wait_dma2 semaphore(%run_scoped3A : memref<!tpu.dma_semaphore, #tpu.memory_space<semaphore_mem>>) src(%dma_wait3A_135 : memref<128xi32, #tpu.memory_space<hbm>>) dst(%arg16 : memref<128xi32, #tpu.memory_space<vmem>>)
        tpu.yield
      }) : () -> ()
      "tpu.region"() ({
        %run_scoped3A = tpu.sem_alloc : memref<!tpu.dma_semaphore, #tpu.memory_space<semaphore_mem>>
        %dma_start3A = arith.constant 0 : i32
        %dma_start3A_126 = arith.constant 0 : i32
        %dma_start3A_127 = tpu.memref_slice %arg7[%dma_start3A, %dma_start3A_126] : memref<10240x128xf32, #tpu.memory_space<hbm>> -> memref<10240x128xf32, #tpu.memory_space<hbm>>
        tpu.enqueue_indirect_dma source(%dma_start3A_127 : memref<10240x128xf32, #tpu.memory_space<hbm>>) target(%arg19 : memref<128x128xf32, #tpu.memory_space<vmem>>) offsets(%arg16 : memref<128xi32, #tpu.memory_space<vmem>>) semaphore(%run_scoped3A : memref<!tpu.dma_semaphore, #tpu.memory_space<semaphore_mem>>)
        %dma_wait3A = arith.constant 0 : i32
        %dma_wait3A_128 = arith.constant 0 : i32
        %dma_wait3A_129 = tpu.memref_slice %arg7[%dma_wait3A, %dma_wait3A_128] : memref<10240x128xf32, #tpu.memory_space<hbm>> -> memref<10240x128xf32, #tpu.memory_space<hbm>>
        tpu.wait_indirect_dma semaphore(%run_scoped3A : memref<!tpu.dma_semaphore, #tpu.memory_space<semaphore_mem>>) src(%dma_wait3A_129 : memref<10240x128xf32, #tpu.memory_space<hbm>>) dst(%arg19 : memref<128x128xf32, #tpu.memory_space<vmem>>)
        tpu.yield
      }) : () -> ()
      %scan3A_111 = arith.constant 0 : i32
      %scan3A_112 = arith.constant 0 : i32
      %scan3A_113 = arith.constant 8 : i32
      %scan3A_114 = arith.addi %scan3A_112, %scan3A_113 : i32
      %scan3A_115 = arith.constant 1 : i32
      %scan3A_116 = scf.for %scan3A_126 = %scan3A_112 to %scan3A_114 step %scan3A_115 iter_args(%scan3A_127 = %scan3A_111) -> (i32)  : i32 {
        %mul3A_128 = arith.constant 16 : i32
        %mul3A_129 = arith.muli %scan3A_126, %mul3A_128 : i32
        %get3A = arith.index_cast %scan3A_108 : i32 to index
        %get3A_130 = arith.index_cast %mul3A_129 : i32 to index
        %get3A_131 = tpu.vector_load %arg13[%get3A, %get3A_130] {strides = array<i32>} : memref<80x128xi32, #tpu.memory_space<vmem>>, vector<16xi32>,
        %get3A_132 = arith.index_cast %scan3A_108 : i32 to index
        %get3A_133 = arith.index_cast %mul3A_129 : i32 to index
        %get3A_134 = tpu.vector_load %arg14[%get3A_132, %get3A_133] {strides = array<i32>} : memref<80x128xi32, #tpu.memory_space<vmem>>, vector<16xi32>,
        %get3A_135 = arith.index_cast %scan3A_108 : i32 to index
        %get3A_136 = arith.index_cast %mul3A_129 : i32 to index
        %get3A_137 = tpu.vector_load %arg15[%get3A_135, %get3A_136] {strides = array<i32>} : memref<80x128xf32, #tpu.memory_space<vmem>>, vector<16xf32>,
        %gather3A = tpu.vector_load_idx %arg9[%get3A_131] : memref<10240xf32, #tpu.memory_space<vmem>>[vector<16xi32>], vector<16xf32>,
        %gather3A_138 = tpu.vector_load_idx %arg10[%get3A_134] : memref<10240xf32, #tpu.memory_space<vmem>>[vector<16xi32>], vector<16xf32>,
        %add3A_139 = arith.addf %gather3A, %gather3A_138 : vector<16xf32>
        %add3A_140 = arith.addf %add3A_139, %get3A_137 : vector<16xf32>
        %ge3A = arith.constant 0.000000e+00 : f32
        %ge3A_141 = vector.broadcast %ge3A : f32 to vector<16xf32>
        %ge3A_142 = arith.cmpf oge, %add3A_140, %ge3A_141 : vector<16xf32>
        %mul3A_143 = arith.constant 2.000000e-01 : f32
        %mul3A_144 = vector.broadcast %mul3A_143 : f32 to vector<16xf32>
        %mul3A_145 = arith.mulf %add3A_140, %mul3A_144 : vector<16xf32>
        %select_n3A = arith.select %ge3A_142, %add3A_140, %mul3A_145 : vector<16xi1>, vector<16xf32>
        %exp3A = math.exp %select_n3A : vector<16xf32>
        %shift_right_logical3A = arith.constant 7 : i32
        %shift_right_logical3A_146 = vector.broadcast %shift_right_logical3A : i32 to vector<16xi32>
        %shift_right_logical3A_147 = arith.shrui %get3A_134, %shift_right_logical3A_146 : vector<16xi32>
        %and3A = arith.constant 127 : i32
        %and3A_148 = vector.broadcast %and3A : i32 to vector<16xi32>
        %and3A_149 = arith.andi %get3A_134, %and3A_148 : vector<16xi32>
        %gather3A_150 = tpu.vector_load_idx %arg11[%shift_right_logical3A_147, %and3A_149] : memref<80x128xf32, #tpu.memory_space<vmem>>[vector<16xi32>, vector<16xi32>], vector<16xf32>,
        %add3A_151 = arith.constant 1.000000e-16 : f32
        %add3A_152 = vector.broadcast %add3A_151 : f32 to vector<16xf32>
        %add3A_153 = arith.addf %gather3A_150, %add3A_152 : vector<16xf32>
        %div3A = arith.divf %exp3A, %add3A_153 : vector<16xf32>
        %swap3A_154 = arith.index_cast %mul3A_129 : i32 to index
        %swap3A_155 = tpu.vector_load %arg18[%swap3A_154] {strides = array<i32>} : memref<128xf32, #tpu.memory_space<vmem>>, vector<16xf32>,
        tpu.vector_store %arg18[%swap3A_154], %div3A {strides = array<i32>} : memref<128xf32, #tpu.memory_space<vmem>>, vector<16xf32>,
        %sub3A = vector.broadcast %mul3A_84 : i32 to vector<16xi32>
        %sub3A_156 = arith.subi %get3A_134, %sub3A : vector<16xi32>
        %ge3A_157 = arith.constant 0 : i32
        %ge3A_158 = vector.broadcast %ge3A_157 : i32 to vector<16xi32>
        %ge3A_159 = arith.cmpi sge, %sub3A_156, %ge3A_158 : vector<16xi32>
        %lt3A = arith.constant 5120 : i32
        %lt3A_160 = vector.broadcast %lt3A : i32 to vector<16xi32>
        %lt3A_161 = arith.cmpi slt, %sub3A_156, %lt3A_160 : vector<16xi32>
        %and3A_162 = arith.andi %ge3A_159, %lt3A_161 : vector<16xi1>
        %jit3A = arith.constant 5120 : i32
        %broadcast_in_dim3A = vector.broadcast %jit3A : i32 to vector<16xi32>
        %select_n3A_163 = arith.select %and3A_162, %sub3A_156, %broadcast_in_dim3A : vector<16xi1>, vector<16xi32>
        %swap3A_164 = arith.index_cast %mul3A_129 : i32 to index
        %swap3A_165 = tpu.vector_load %arg17[%swap3A_164] {strides = array<i32>} : memref<128xi32, #tpu.memory_space<vmem>>, vector<16xi32>,
        tpu.vector_store %arg17[%swap3A_164], %select_n3A_163 {strides = array<i32>} : memref<128xi32, #tpu.memory_space<vmem>>, vector<16xi32>,
        %scan3A_166 = arith.constant 0 : i32
        scf.yield %scan3A_166 : i32
      }
      %scan3A_117 = arith.constant 8 : i32
      %scan3A_118 = arith.constant 0 : i32
      %scan3A_119 = arith.constant 0 : i32
      %scan3A_120 = arith.constant 128 : i32
      %scan3A_121 = arith.addi %scan3A_119, %scan3A_120 : i32
      %scan3A_122 = arith.constant 1 : i32
      %scan3A_123 = scf.for %scan3A_126 = %scan3A_119 to %scan3A_121 step %scan3A_122 iter_args(%scan3A_127 = %scan3A_118) -> (i32)  : i32 {
        %broadcast_in_dim3A = vector.broadcast %scan3A_126 : i32 to vector<16xi32>
        %gather3A = tpu.vector_load_idx %arg18[%broadcast_in_dim3A] : memref<128xf32, #tpu.memory_space<vmem>>[vector<16xi32>], vector<16xf32>,
        %get3A = arith.index_cast %scan3A_126 : i32 to index
        %get3A_128 = arith.constant 0 : index
        %get3A_129 = tpu.vector_load %arg19[%get3A, %get3A_128] {strides = array<i32>} : memref<128x128xf32, #tpu.memory_space<vmem>>, vector<16xf32>,
        %mul3A_130 = arith.mulf %get3A_129, %gather3A : vector<16xf32>
        %swap3A_131 = arith.index_cast %scan3A_126 : i32 to index
        %swap3A_132 = arith.constant 0 : index
        %swap3A_133 = tpu.vector_load %arg19[%swap3A_131, %swap3A_132] {strides = array<i32>} : memref<128x128xf32, #tpu.memory_space<vmem>>, vector<16xf32>,
        tpu.vector_store %arg19[%swap3A_131, %swap3A_132], %mul3A_130 {strides = array<i32>} : memref<128x128xf32, #tpu.memory_space<vmem>>, vector<16xf32>,
        %get3A_134 = arith.index_cast %scan3A_126 : i32 to index
        %get3A_135 = arith.constant 16 : index
        %get3A_136 = tpu.vector_load %arg19[%get3A_134, %get3A_135] {strides = array<i32>} : memref<128x128xf32, #tpu.memory_space<vmem>>, vector<16xf32>,
        %mul3A_137 = arith.mulf %get3A_136, %gather3A : vector<16xf32>
        %swap3A_138 = arith.index_cast %scan3A_126 : i32 to index
        %swap3A_139 = arith.constant 16 : index
        %swap3A_140 = tpu.vector_load %arg19[%swap3A_138, %swap3A_139] {strides = array<i32>} : memref<128x128xf32, #tpu.memory_space<vmem>>, vector<16xf32>,
        tpu.vector_store %arg19[%swap3A_138, %swap3A_139], %mul3A_137 {strides = array<i32>} : memref<128x128xf32, #tpu.memory_space<vmem>>, vector<16xf32>,
        %get3A_141 = arith.index_cast %scan3A_126 : i32 to index
        %get3A_142 = arith.constant 32 : index
        %get3A_143 = tpu.vector_load %arg19[%get3A_141, %get3A_142] {strides = array<i32>} : memref<128x128xf32, #tpu.memory_space<vmem>>, vector<16xf32>,
        %mul3A_144 = arith.mulf %get3A_143, %gather3A : vector<16xf32>
        %swap3A_145 = arith.index_cast %scan3A_126 : i32 to index
        %swap3A_146 = arith.constant 32 : index
        %swap3A_147 = tpu.vector_load %arg19[%swap3A_145, %swap3A_146] {strides = array<i32>} : memref<128x128xf32, #tpu.memory_space<vmem>>, vector<16xf32>,
        tpu.vector_store %arg19[%swap3A_145, %swap3A_146], %mul3A_144 {strides = array<i32>} : memref<128x128xf32, #tpu.memory_space<vmem>>, vector<16xf32>,
        %get3A_148 = arith.index_cast %scan3A_126 : i32 to index
        %get3A_149 = arith.constant 48 : index
        %get3A_150 = tpu.vector_load %arg19[%get3A_148, %get3A_149] {strides = array<i32>} : memref<128x128xf32, #tpu.memory_space<vmem>>, vector<16xf32>,
        %mul3A_151 = arith.mulf %get3A_150, %gather3A : vector<16xf32>
        %swap3A_152 = arith.index_cast %scan3A_126 : i32 to index
        %swap3A_153 = arith.constant 48 : index
        %swap3A_154 = tpu.vector_load %arg19[%swap3A_152, %swap3A_153] {strides = array<i32>} : memref<128x128xf32, #tpu.memory_space<vmem>>, vector<16xf32>,
        tpu.vector_store %arg19[%swap3A_152, %swap3A_153], %mul3A_151 {strides = array<i32>} : memref<128x128xf32, #tpu.memory_space<vmem>>, vector<16xf32>,
        %get3A_155 = arith.index_cast %scan3A_126 : i32 to index
        %get3A_156 = arith.constant 64 : index
        %get3A_157 = tpu.vector_load %arg19[%get3A_155, %get3A_156] {strides = array<i32>} : memref<128x128xf32, #tpu.memory_space<vmem>>, vector<16xf32>,
        %mul3A_158 = arith.mulf %get3A_157, %gather3A : vector<16xf32>
        %swap3A_159 = arith.index_cast %scan3A_126 : i32 to index
        %swap3A_160 = arith.constant 64 : index
        %swap3A_161 = tpu.vector_load %arg19[%swap3A_159, %swap3A_160] {strides = array<i32>} : memref<128x128xf32, #tpu.memory_space<vmem>>, vector<16xf32>,
        tpu.vector_store %arg19[%swap3A_159, %swap3A_160], %mul3A_158 {strides = array<i32>} : memref<128x128xf32, #tpu.memory_space<vmem>>, vector<16xf32>,
        %get3A_162 = arith.index_cast %scan3A_126 : i32 to index
        %get3A_163 = arith.constant 80 : index
        %get3A_164 = tpu.vector_load %arg19[%get3A_162, %get3A_163] {strides = array<i32>} : memref<128x128xf32, #tpu.memory_space<vmem>>, vector<16xf32>,
        %mul3A_165 = arith.mulf %get3A_164, %gather3A : vector<16xf32>
        %swap3A_166 = arith.index_cast %scan3A_126 : i32 to index
        %swap3A_167 = arith.constant 80 : index
        %swap3A_168 = tpu.vector_load %arg19[%swap3A_166, %swap3A_167] {strides = array<i32>} : memref<128x128xf32, #tpu.memory_space<vmem>>, vector<16xf32>,
        tpu.vector_store %arg19[%swap3A_166, %swap3A_167], %mul3A_165 {strides = array<i32>} : memref<128x128xf32, #tpu.memory_space<vmem>>, vector<16xf32>,
        %get3A_169 = arith.index_cast %scan3A_126 : i32 to index
        %get3A_170 = arith.constant 96 : index
        %get3A_171 = tpu.vector_load %arg19[%get3A_169, %get3A_170] {strides = array<i32>} : memref<128x128xf32, #tpu.memory_space<vmem>>, vector<16xf32>,
        %mul3A_172 = arith.mulf %get3A_171, %gather3A : vector<16xf32>
        %swap3A_173 = arith.index_cast %scan3A_126 : i32 to index
        %swap3A_174 = arith.constant 96 : index
        %swap3A_175 = tpu.vector_load %arg19[%swap3A_173, %swap3A_174] {strides = array<i32>} : memref<128x128xf32, #tpu.memory_space<vmem>>, vector<16xf32>,
        tpu.vector_store %arg19[%swap3A_173, %swap3A_174], %mul3A_172 {strides = array<i32>} : memref<128x128xf32, #tpu.memory_space<vmem>>, vector<16xf32>,
        %get3A_176 = arith.index_cast %scan3A_126 : i32 to index
        %get3A_177 = arith.constant 112 : index
        %get3A_178 = tpu.vector_load %arg19[%get3A_176, %get3A_177] {strides = array<i32>} : memref<128x128xf32, #tpu.memory_space<vmem>>, vector<16xf32>,
        %mul3A_179 = arith.mulf %get3A_178, %gather3A : vector<16xf32>
        %swap3A_180 = arith.index_cast %scan3A_126 : i32 to index
        %swap3A_181 = arith.constant 112 : index
        %swap3A_182 = tpu.vector_load %arg19[%swap3A_180, %swap3A_181] {strides = array<i32>} : memref<128x128xf32, #tpu.memory_space<vmem>>, vector<16xf32>,
        tpu.vector_store %arg19[%swap3A_180, %swap3A_181], %mul3A_179 {strides = array<i32>} : memref<128x128xf32, #tpu.memory_space<vmem>>, vector<16xf32>,
        %scan3A_183 = arith.constant 0 : i32
        scf.yield %scan3A_183 : i32
      }
      %scan3A_124 = arith.constant 128 : i32
      "tpu.region"() ({
        %run_scoped3A = tpu.sem_alloc : memref<!tpu.dma_semaphore, #tpu.memory_space<semaphore_mem>>
        %dma_start3A = arith.constant 0 : i32
        %dma_start3A_126 = arith.constant 0 : i32
        %dma_start3A_127 = tpu.memref_slice %arg21[%dma_start3A, %dma_start3A_126] : memref<5128x128xf32, #tpu.memory_space<vmem_shared>> -> memref<5128x128xf32, #tpu.memory_space<vmem_shared>>
        tpu.enqueue_indirect_dma source(%arg19 : memref<128x128xf32, #tpu.memory_space<vmem>>) target(%dma_start3A_127 : memref<5128x128xf32, #tpu.memory_space<vmem_shared>>) offsets(%arg17 : memref<128xi32, #tpu.memory_space<vmem>>) semaphore(%run_scoped3A : memref<!tpu.dma_semaphore, #tpu.memory_space<semaphore_mem>>) {add = true}
        %dma_wait3A = arith.constant 0 : i32
        %dma_wait3A_128 = arith.constant 0 : i32
        %dma_wait3A_129 = tpu.memref_slice %arg21[%dma_wait3A, %dma_wait3A_128] : memref<5128x128xf32, #tpu.memory_space<vmem_shared>> -> memref<5128x128xf32, #tpu.memory_space<vmem_shared>>
        tpu.wait_indirect_dma semaphore(%run_scoped3A : memref<!tpu.dma_semaphore, #tpu.memory_space<semaphore_mem>>) src(%arg19 : memref<128x128xf32, #tpu.memory_space<vmem>>) dst(%dma_wait3A_129 : memref<5128x128xf32, #tpu.memory_space<vmem_shared>>)
        tpu.yield
      }) : () -> ()
      %scan3A_125 = arith.constant 0 : i32
      scf.yield %scan3A_125 : i32
    }
    %scan3A_106 = arith.constant 80 : i32
    %barrier3A_107 = arith.constant 0 : index
    tpu.barrier barrier_id(%barrier3A_107)
    "tpu.region"() ({
      %run_scoped3A = tpu.sem_alloc : memref<!tpu.dma_semaphore, #tpu.memory_space<semaphore_mem>>
      %dma_start3A = arith.constant 0 : i32
      %dma_start3A_108 = tpu.memref_slice %arg8[%arg0, %mul3A_2, %dma_start3A] : memref<2x5120x128xf32, #tpu.memory_space<hbm>> -> memref<1x320x128xf32, #tpu.memory_space<hbm>>
      %dma_start3A_109 = tpu.memref_squeeze %dma_start3A_108 : memref<1x320x128xf32, #tpu.memory_space<hbm>> -> memref<320x128xf32, #tpu.memory_space<hbm>>
      %dma_start3A_110 = arith.constant 0 : i32
      %dma_start3A_111 = tpu.memref_slice %arg21[%mul3A_2, %dma_start3A_110] : memref<5128x128xf32, #tpu.memory_space<vmem_shared>> -> memref<320x128xf32, #tpu.memory_space<vmem_shared>>
      tpu.enqueue_dma source(%dma_start3A_111 : memref<320x128xf32, #tpu.memory_space<vmem_shared>>) target(%dma_start3A_109 : memref<320x128xf32, #tpu.memory_space<hbm>>) target_semaphore(%run_scoped3A : memref<!tpu.dma_semaphore, #tpu.memory_space<semaphore_mem>>)
      %dma_wait3A = arith.constant 0 : i32
      %dma_wait3A_112 = tpu.memref_slice %arg8[%arg0, %mul3A_2, %dma_wait3A] : memref<2x5120x128xf32, #tpu.memory_space<hbm>> -> memref<1x320x128xf32, #tpu.memory_space<hbm>>
      %dma_wait3A_113 = tpu.memref_squeeze %dma_wait3A_112 : memref<1x320x128xf32, #tpu.memory_space<hbm>> -> memref<320x128xf32, #tpu.memory_space<hbm>>
      %dma_wait3A_114 = arith.constant 0 : i32
      %dma_wait3A_115 = tpu.memref_slice %arg21[%mul3A_2, %dma_wait3A_114] : memref<5128x128xf32, #tpu.memory_space<vmem_shared>> -> memref<320x128xf32, #tpu.memory_space<vmem_shared>>
      tpu.wait_dma2 semaphore(%run_scoped3A : memref<!tpu.dma_semaphore, #tpu.memory_space<semaphore_mem>>) src(%dma_wait3A_115 : memref<320x128xf32, #tpu.memory_space<vmem_shared>>) dst(%dma_wait3A_113 : memref<320x128xf32, #tpu.memory_space<hbm>>)
      tpu.yield
    }) : () -> ()
    return
  }
}

module attributes {stable_mosaic.version = 14 : i64} {
  func.func @_ec_body(%arg0: i32, %arg1: memref<2048x16xf32, #tpu.memory_space<vmem>>, %arg2: memref<16x128xf32, #tpu.memory_space<vmem>>, %arg3: memref<1x128xf32, #tpu.memory_space<vmem>>, %arg4: memref<1x1x2048xf32, #tpu.memory_space<vmem>>) attributes {dimension_semantics = [#tpu.dimension_semantics<arbitrary>], iteration_bounds = array<i64: 160>, scalar_prefetch = 0 : i64, scratch_operands = 0 : i64, tpu.core_type = #tpu.core_type<tc>, window_params = [{transform_indices = @transform_0, window_bounds = array<i64: 2048, 16>}, {pipeline_mode = #tpu.pipeline_mode<synchronous>, transform_indices = @transform_1, window_bounds = array<i64: 16, 128>}, {pipeline_mode = #tpu.pipeline_mode<synchronous>, transform_indices = @transform_2, window_bounds = array<i64: 1, 128>}, {transform_indices = @transform_3, window_bounds = array<i64: 1, 1, 2048>}]} {
    %get3A = arith.constant 0 : index
    %get3A_0 = arith.constant 0 : index
    %get3A_1 = vector.load %arg2[%get3A, %get3A_0] : memref<16x128xf32, #tpu.memory_space<vmem>>, vector<16x128xf32>
    %get3A_2 = arith.constant 0 : index
    %get3A_3 = arith.constant 0 : index
    %get3A_4 = vector.load %arg3[%get3A_2, %get3A_3] : memref<1x128xf32, #tpu.memory_space<vmem>>, vector<1x128xf32>
    %mul3A = vector.broadcast %get3A_4 : vector<1x128xf32> to vector<16x128xf32>
    %mul3A_5 = arith.mulf %get3A_1, %mul3A : vector<16x128xf32>
    %reduce_sum3A = arith.constant dense<0.000000e+00> : vector<16xf32>
    %reduce_sum3A_6 = vector.multi_reduction <add>, %mul3A_5, %reduce_sum3A [1] : vector<16x128xf32> to vector<16xf32>
    %get3A_7 = arith.constant 0 : index
    %get3A_8 = arith.constant 0 : index
    %get3A_9 = vector.load %arg1[%get3A_7, %get3A_8] : memref<2048x16xf32, #tpu.memory_space<vmem>>, vector<2048x16xf32>
    %broadcast_in_dim3A = vector.shape_cast %reduce_sum3A_6 : vector<16xf32> to vector<1x16xf32>
    %mul3A_10 = vector.broadcast %broadcast_in_dim3A : vector<1x16xf32> to vector<2048x16xf32>
    %mul3A_11 = arith.mulf %get3A_9, %mul3A_10 : vector<2048x16xf32>
    %reduce_sum3A_12 = arith.constant dense<0.000000e+00> : vector<2048xf32>
    %reduce_sum3A_13 = vector.multi_reduction <add>, %mul3A_11, %reduce_sum3A_12 [1] : vector<2048x16xf32> to vector<2048xf32>
    %reshape3A = vector.shape_cast %reduce_sum3A_13 : vector<2048xf32> to vector<1x1x2048xf32>
    %swap3A = arith.constant 0 : index
    %swap3A_14 = arith.constant 0 : index
    %swap3A_15 = arith.constant 0 : index
    %swap3A_16 = vector.load %arg4[%swap3A, %swap3A_14, %swap3A_15] : memref<1x1x2048xf32, #tpu.memory_space<vmem>>, vector<1x1x2048xf32>
    tpu.vector_store %arg4[%swap3A, %swap3A_14, %swap3A_15], %reshape3A {strides = array<i32>} : memref<1x1x2048xf32, #tpu.memory_space<vmem>>, vector<1x1x2048xf32>,
    return
  }
  func.func @transform_0(%arg0: i32) -> (i32, i32) {
    %c0_i32 = arith.constant 0 : i32
    %c0_i32_0 = arith.constant 0 : i32
    return %arg0, %c0_i32 : i32, i32
  }
  func.func @transform_1(%arg0: i32) -> (i32, i32) {
    %c0_i32 = arith.constant 0 : i32
    %c0_i32_0 = arith.constant 0 : i32
    %c0_i32_1 = arith.constant 0 : i32
    return %c0_i32, %c0_i32_0 : i32, i32
  }
  func.func @transform_2(%arg0: i32) -> (i32, i32) {
    %c0_i32 = arith.constant 0 : i32
    %c0_i32_0 = arith.constant 0 : i32
    %c0_i32_1 = arith.constant 0 : i32
    return %c0_i32, %c0_i32_0 : i32, i32
  }
  func.func @transform_3(%arg0: i32) -> (i32, i32, i32) {
    %c0_i32 = arith.constant 0 : i32
    %c0_i32_0 = arith.constant 0 : i32
    %c0_i32_1 = arith.constant 0 : i32
    return %arg0, %c0_i32, %c0_i32_0 : i32, i32, i32
  }
}

module attributes {stable_mosaic.version = 14 : i64} {
  func.func @_nt1_body(%arg0: i32, %arg1: memref<1024x128xf32, #tpu.memory_space<vmem>>, %arg2: memref<128x128xf32, #tpu.memory_space<vmem>>, %arg3: memref<1x128xf32, #tpu.memory_space<vmem>>, %arg4: memref<1x128xf32, #tpu.memory_space<vmem>>, %arg5: memref<1024x128xf32, #tpu.memory_space<vmem>>, %arg6: memref<1x1x1024xf32, #tpu.memory_space<vmem>>, %arg7: memref<1x1x1024xf32, #tpu.memory_space<vmem>>) attributes {dimension_semantics = [#tpu.dimension_semantics<arbitrary>], iteration_bounds = array<i64: 10>, scalar_prefetch = 0 : i64, scratch_operands = 0 : i64, tpu.core_type = #tpu.core_type<tc>, window_params = [{transform_indices = @transform_0, window_bounds = array<i64: 1024, 128>}, {pipeline_mode = #tpu.pipeline_mode<synchronous>, transform_indices = @transform_1, window_bounds = array<i64: 128, 128>}, {pipeline_mode = #tpu.pipeline_mode<synchronous>, transform_indices = @transform_2, window_bounds = array<i64: 1, 128>}, {pipeline_mode = #tpu.pipeline_mode<synchronous>, transform_indices = @transform_3, window_bounds = array<i64: 1, 128>}, {transform_indices = @transform_4, window_bounds = array<i64: 1024, 128>}, {transform_indices = @transform_5, window_bounds = array<i64: 1, 1, 1024>}, {transform_indices = @transform_6, window_bounds = array<i64: 1, 1, 1024>}]} {
    %get3A = arith.constant 0 : index
    %get3A_0 = arith.constant 0 : index
    %get3A_1 = vector.load %arg1[%get3A, %get3A_0] : memref<1024x128xf32, #tpu.memory_space<vmem>>, vector<1024x128xf32>
    %get3A_2 = arith.constant 0 : index
    %get3A_3 = arith.constant 0 : index
    %get3A_4 = vector.load %arg2[%get3A_2, %get3A_3] : memref<128x128xf32, #tpu.memory_space<vmem>>, vector<128x128xf32>
    %dot_general3A = arith.constant dense<0.000000e+00> : vector<1024x128xf32>
    %dot_general3A_5 = tpu.matmul %get3A_1, %get3A_4, %dot_general3A {dimension_numbers = #tpu.dot_dimension_numbers<[1], [0], [0], [1], [0, 0, 1, 1], [], []>, transpose_lhs_hint = false} : vector<1024x128xf32>, vector<128x128xf32>, vector<1024x128xf32> -> vector<1024x128xf32>
    %swap3A = arith.constant 0 : index
    %swap3A_6 = arith.constant 0 : index
    %swap3A_7 = vector.load %arg5[%swap3A, %swap3A_6] : memref<1024x128xf32, #tpu.memory_space<vmem>>, vector<1024x128xf32>
    tpu.vector_store %arg5[%swap3A, %swap3A_6], %dot_general3A_5 {strides = array<i32>} : memref<1024x128xf32, #tpu.memory_space<vmem>>, vector<1024x128xf32>,
    %get3A_8 = arith.constant 0 : index
    %get3A_9 = arith.constant 0 : index
    %get3A_10 = vector.load %arg3[%get3A_8, %get3A_9] : memref<1x128xf32, #tpu.memory_space<vmem>>, vector<1x128xf32>
    %mul3A = vector.broadcast %get3A_10 : vector<1x128xf32> to vector<1024x128xf32>
    %mul3A_11 = arith.mulf %dot_general3A_5, %mul3A : vector<1024x128xf32>
    %reduce_sum3A = arith.constant dense<0.000000e+00> : vector<1024xf32>
    %reduce_sum3A_12 = vector.multi_reduction <add>, %mul3A_11, %reduce_sum3A [1] : vector<1024x128xf32> to vector<1024xf32>
    %reshape3A = vector.shape_cast %reduce_sum3A_12 : vector<1024xf32> to vector<1x1x1024xf32>
    %swap3A_13 = arith.constant 0 : index
    %swap3A_14 = arith.constant 0 : index
    %swap3A_15 = arith.constant 0 : index
    %swap3A_16 = vector.load %arg6[%swap3A_13, %swap3A_14, %swap3A_15] : memref<1x1x1024xf32, #tpu.memory_space<vmem>>, vector<1x1x1024xf32>
    tpu.vector_store %arg6[%swap3A_13, %swap3A_14, %swap3A_15], %reshape3A {strides = array<i32>} : memref<1x1x1024xf32, #tpu.memory_space<vmem>>, vector<1x1x1024xf32>,
    %get3A_17 = arith.constant 0 : index
    %get3A_18 = arith.constant 0 : index
    %get3A_19 = vector.load %arg4[%get3A_17, %get3A_18] : memref<1x128xf32, #tpu.memory_space<vmem>>, vector<1x128xf32>
    %mul3A_20 = vector.broadcast %get3A_19 : vector<1x128xf32> to vector<1024x128xf32>
    %mul3A_21 = arith.mulf %dot_general3A_5, %mul3A_20 : vector<1024x128xf32>
    %reduce_sum3A_22 = arith.constant dense<0.000000e+00> : vector<1024xf32>
    %reduce_sum3A_23 = vector.multi_reduction <add>, %mul3A_21, %reduce_sum3A_22 [1] : vector<1024x128xf32> to vector<1024xf32>
    %reshape3A_24 = vector.shape_cast %reduce_sum3A_23 : vector<1024xf32> to vector<1x1x1024xf32>
    %swap3A_25 = arith.constant 0 : index
    %swap3A_26 = arith.constant 0 : index
    %swap3A_27 = arith.constant 0 : index
    %swap3A_28 = vector.load %arg7[%swap3A_25, %swap3A_26, %swap3A_27] : memref<1x1x1024xf32, #tpu.memory_space<vmem>>, vector<1x1x1024xf32>
    tpu.vector_store %arg7[%swap3A_25, %swap3A_26, %swap3A_27], %reshape3A_24 {strides = array<i32>} : memref<1x1x1024xf32, #tpu.memory_space<vmem>>, vector<1x1x1024xf32>,
    return
  }
  func.func @transform_0(%arg0: i32) -> (i32, i32) {
    %c0_i32 = arith.constant 0 : i32
    %c0_i32_0 = arith.constant 0 : i32
    return %arg0, %c0_i32 : i32, i32
  }
  func.func @transform_1(%arg0: i32) -> (i32, i32) {
    %c0_i32 = arith.constant 0 : i32
    %c0_i32_0 = arith.constant 0 : i32
    %c0_i32_1 = arith.constant 0 : i32
    return %c0_i32, %c0_i32_0 : i32, i32
  }
  func.func @transform_2(%arg0: i32) -> (i32, i32) {
    %c0_i32 = arith.constant 0 : i32
    %c0_i32_0 = arith.constant 0 : i32
    %c0_i32_1 = arith.constant 0 : i32
    return %c0_i32, %c0_i32_0 : i32, i32
  }
  func.func @transform_3(%arg0: i32) -> (i32, i32) {
    %c0_i32 = arith.constant 0 : i32
    %c0_i32_0 = arith.constant 0 : i32
    %c0_i32_1 = arith.constant 0 : i32
    return %c0_i32, %c0_i32_0 : i32, i32
  }
  func.func @transform_4(%arg0: i32) -> (i32, i32) {
    %c0_i32 = arith.constant 0 : i32
    %c0_i32_0 = arith.constant 0 : i32
    return %arg0, %c0_i32 : i32, i32
  }
  func.func @transform_5(%arg0: i32) -> (i32, i32, i32) {
    %c0_i32 = arith.constant 0 : i32
    %c0_i32_0 = arith.constant 0 : i32
    %c0_i32_1 = arith.constant 0 : i32
    return %arg0, %c0_i32, %c0_i32_0 : i32, i32, i32
  }
  func.func @transform_6(%arg0: i32) -> (i32, i32, i32) {
    %c0_i32 = arith.constant 0 : i32
    %c0_i32_0 = arith.constant 0 : i32
    %c0_i32_1 = arith.constant 0 : i32
    return %arg0, %c0_i32, %c0_i32_0 : i32, i32, i32
  }
}

module attributes {stable_mosaic.version = 14 : i64} {
  func.func @_nt2_body(%arg0: i32, %arg1: memref<1024x128xf32, #tpu.memory_space<vmem>>, %arg2: memref<1x128xf32, #tpu.memory_space<vmem>>, %arg3: memref<128x128xf32, #tpu.memory_space<vmem>>, %arg4: memref<1x128xf32, #tpu.memory_space<vmem>>, %arg5: memref<1x128xf32, #tpu.memory_space<vmem>>, %arg6: memref<1024x128xf32, #tpu.memory_space<vmem>>, %arg7: memref<1x1x1024xf32, #tpu.memory_space<vmem>>, %arg8: memref<1x1x1024xf32, #tpu.memory_space<vmem>>) attributes {dimension_semantics = [#tpu.dimension_semantics<arbitrary>], iteration_bounds = array<i64: 10>, scalar_prefetch = 0 : i64, scratch_operands = 0 : i64, tpu.core_type = #tpu.core_type<tc>, window_params = [{transform_indices = @transform_0, window_bounds = array<i64: 1024, 128>}, {pipeline_mode = #tpu.pipeline_mode<synchronous>, transform_indices = @transform_1, window_bounds = array<i64: 1, 128>}, {pipeline_mode = #tpu.pipeline_mode<synchronous>, transform_indices = @transform_2, window_bounds = array<i64: 128, 128>}, {pipeline_mode = #tpu.pipeline_mode<synchronous>, transform_indices = @transform_3, window_bounds = array<i64: 1, 128>}, {pipeline_mode = #tpu.pipeline_mode<synchronous>, transform_indices = @transform_4, window_bounds = array<i64: 1, 128>}, {transform_indices = @transform_5, window_bounds = array<i64: 1024, 128>}, {transform_indices = @transform_6, window_bounds = array<i64: 1, 1, 1024>}, {transform_indices = @transform_7, window_bounds = array<i64: 1, 1, 1024>}]} {
    %get3A = arith.constant 0 : index
    %get3A_0 = arith.constant 0 : index
    %get3A_1 = vector.load %arg1[%get3A, %get3A_0] : memref<1024x128xf32, #tpu.memory_space<vmem>>, vector<1024x128xf32>
    %get3A_2 = arith.constant 0 : index
    %get3A_3 = arith.constant 0 : index
    %get3A_4 = vector.load %arg2[%get3A_2, %get3A_3] : memref<1x128xf32, #tpu.memory_space<vmem>>, vector<1x128xf32>
    %add3A = vector.broadcast %get3A_4 : vector<1x128xf32> to vector<1024x128xf32>
    %add3A_5 = arith.addf %get3A_1, %add3A : vector<1024x128xf32>
    %max3A = arith.constant 0.000000e+00 : f32
    %max3A_6 = vector.broadcast %max3A : f32 to vector<1024x128xf32>
    %max3A_7 = arith.maximumf %add3A_5, %max3A_6 : vector<1024x128xf32>
    %get3A_8 = arith.constant 0 : index
    %get3A_9 = arith.constant 0 : index
    %get3A_10 = vector.load %arg3[%get3A_8, %get3A_9] : memref<128x128xf32, #tpu.memory_space<vmem>>, vector<128x128xf32>
    %dot_general3A = arith.constant dense<0.000000e+00> : vector<1024x128xf32>
    %dot_general3A_11 = tpu.matmul %max3A_7, %get3A_10, %dot_general3A {dimension_numbers = #tpu.dot_dimension_numbers<[1], [0], [0], [1], [0, 0, 1, 1], [], []>, transpose_lhs_hint = false} : vector<1024x128xf32>, vector<128x128xf32>, vector<1024x128xf32> -> vector<1024x128xf32>
    %swap3A = arith.constant 0 : index
    %swap3A_12 = arith.constant 0 : index
    %swap3A_13 = vector.load %arg6[%swap3A, %swap3A_12] : memref<1024x128xf32, #tpu.memory_space<vmem>>, vector<1024x128xf32>
    tpu.vector_store %arg6[%swap3A, %swap3A_12], %dot_general3A_11 {strides = array<i32>} : memref<1024x128xf32, #tpu.memory_space<vmem>>, vector<1024x128xf32>,
    %get3A_14 = arith.constant 0 : index
    %get3A_15 = arith.constant 0 : index
    %get3A_16 = vector.load %arg4[%get3A_14, %get3A_15] : memref<1x128xf32, #tpu.memory_space<vmem>>, vector<1x128xf32>
    %mul3A = vector.broadcast %get3A_16 : vector<1x128xf32> to vector<1024x128xf32>
    %mul3A_17 = arith.mulf %dot_general3A_11, %mul3A : vector<1024x128xf32>
    %reduce_sum3A = arith.constant dense<0.000000e+00> : vector<1024xf32>
    %reduce_sum3A_18 = vector.multi_reduction <add>, %mul3A_17, %reduce_sum3A [1] : vector<1024x128xf32> to vector<1024xf32>
    %reshape3A = vector.shape_cast %reduce_sum3A_18 : vector<1024xf32> to vector<1x1x1024xf32>
    %swap3A_19 = arith.constant 0 : index
    %swap3A_20 = arith.constant 0 : index
    %swap3A_21 = arith.constant 0 : index
    %swap3A_22 = vector.load %arg7[%swap3A_19, %swap3A_20, %swap3A_21] : memref<1x1x1024xf32, #tpu.memory_space<vmem>>, vector<1x1x1024xf32>
    tpu.vector_store %arg7[%swap3A_19, %swap3A_20, %swap3A_21], %reshape3A {strides = array<i32>} : memref<1x1x1024xf32, #tpu.memory_space<vmem>>, vector<1x1x1024xf32>,
    %get3A_23 = arith.constant 0 : index
    %get3A_24 = arith.constant 0 : index
    %get3A_25 = vector.load %arg5[%get3A_23, %get3A_24] : memref<1x128xf32, #tpu.memory_space<vmem>>, vector<1x128xf32>
    %mul3A_26 = vector.broadcast %get3A_25 : vector<1x128xf32> to vector<1024x128xf32>
    %mul3A_27 = arith.mulf %dot_general3A_11, %mul3A_26 : vector<1024x128xf32>
    %reduce_sum3A_28 = arith.constant dense<0.000000e+00> : vector<1024xf32>
    %reduce_sum3A_29 = vector.multi_reduction <add>, %mul3A_27, %reduce_sum3A_28 [1] : vector<1024x128xf32> to vector<1024xf32>
    %reshape3A_30 = vector.shape_cast %reduce_sum3A_29 : vector<1024xf32> to vector<1x1x1024xf32>
    %swap3A_31 = arith.constant 0 : index
    %swap3A_32 = arith.constant 0 : index
    %swap3A_33 = arith.constant 0 : index
    %swap3A_34 = vector.load %arg8[%swap3A_31, %swap3A_32, %swap3A_33] : memref<1x1x1024xf32, #tpu.memory_space<vmem>>, vector<1x1x1024xf32>
    tpu.vector_store %arg8[%swap3A_31, %swap3A_32, %swap3A_33], %reshape3A_30 {strides = array<i32>} : memref<1x1x1024xf32, #tpu.memory_space<vmem>>, vector<1x1x1024xf32>,
    return
  }
  func.func @transform_0(%arg0: i32) -> (i32, i32) {
    %c0_i32 = arith.constant 0 : i32
    %c0_i32_0 = arith.constant 0 : i32
    return %arg0, %c0_i32 : i32, i32
  }
  func.func @transform_1(%arg0: i32) -> (i32, i32) {
    %c0_i32 = arith.constant 0 : i32
    %c0_i32_0 = arith.constant 0 : i32
    %c0_i32_1 = arith.constant 0 : i32
    return %c0_i32, %c0_i32_0 : i32, i32
  }
  func.func @transform_2(%arg0: i32) -> (i32, i32) {
    %c0_i32 = arith.constant 0 : i32
    %c0_i32_0 = arith.constant 0 : i32
    %c0_i32_1 = arith.constant 0 : i32
    return %c0_i32, %c0_i32_0 : i32, i32
  }
  func.func @transform_3(%arg0: i32) -> (i32, i32) {
    %c0_i32 = arith.constant 0 : i32
    %c0_i32_0 = arith.constant 0 : i32
    %c0_i32_1 = arith.constant 0 : i32
    return %c0_i32, %c0_i32_0 : i32, i32
  }
  func.func @transform_4(%arg0: i32) -> (i32, i32) {
    %c0_i32 = arith.constant 0 : i32
    %c0_i32_0 = arith.constant 0 : i32
    %c0_i32_1 = arith.constant 0 : i32
    return %c0_i32, %c0_i32_0 : i32, i32
  }
  func.func @transform_5(%arg0: i32) -> (i32, i32) {
    %c0_i32 = arith.constant 0 : i32
    %c0_i32_0 = arith.constant 0 : i32
    return %arg0, %c0_i32 : i32, i32
  }
  func.func @transform_6(%arg0: i32) -> (i32, i32, i32) {
    %c0_i32 = arith.constant 0 : i32
    %c0_i32_0 = arith.constant 0 : i32
    %c0_i32_1 = arith.constant 0 : i32
    return %arg0, %c0_i32, %c0_i32_0 : i32, i32, i32
  }
  func.func @transform_7(%arg0: i32) -> (i32, i32, i32) {
    %c0_i32 = arith.constant 0 : i32
    %c0_i32_0 = arith.constant 0 : i32
    %c0_i32_1 = arith.constant 0 : i32
    return %arg0, %c0_i32, %c0_i32_0 : i32, i32, i32
  }
}

module attributes {stable_mosaic.version = 14 : i64} {
  func.func @_comb_body(%arg0: i32, %arg1: memref<1024x128xf32, #tpu.memory_space<vmem>>, %arg2: memref<1x128xf32, #tpu.memory_space<vmem>>, %arg3: memref<1024x128xf32, #tpu.memory_space<vmem>>) attributes {dimension_semantics = [#tpu.dimension_semantics<arbitrary>], iteration_bounds = array<i64: 10>, scalar_prefetch = 0 : i64, scratch_operands = 0 : i64, tpu.core_type = #tpu.core_type<tc>, window_params = [{transform_indices = @transform_0, window_bounds = array<i64: 1024, 128>}, {pipeline_mode = #tpu.pipeline_mode<synchronous>, transform_indices = @transform_1, window_bounds = array<i64: 1, 128>}, {transform_indices = @transform_2, window_bounds = array<i64: 1024, 128>}]} {
    %get3A = arith.constant 0 : index
    %get3A_0 = arith.constant 0 : index
    %get3A_1 = vector.load %arg1[%get3A, %get3A_0] : memref<1024x128xf32, #tpu.memory_space<vmem>>, vector<1024x128xf32>
    %get3A_2 = arith.constant 0 : index
    %get3A_3 = arith.constant 0 : index
    %get3A_4 = vector.load %arg2[%get3A_2, %get3A_3] : memref<1x128xf32, #tpu.memory_space<vmem>>, vector<1x128xf32>
    %add3A = vector.broadcast %get3A_4 : vector<1x128xf32> to vector<1024x128xf32>
    %add3A_5 = arith.addf %get3A_1, %add3A : vector<1024x128xf32>
    %swap3A = arith.constant 0 : index
    %swap3A_6 = arith.constant 0 : index
    %swap3A_7 = vector.load %arg3[%swap3A, %swap3A_6] : memref<1024x128xf32, #tpu.memory_space<vmem>>, vector<1024x128xf32>
    tpu.vector_store %arg3[%swap3A, %swap3A_6], %add3A_5 {strides = array<i32>} : memref<1024x128xf32, #tpu.memory_space<vmem>>, vector<1024x128xf32>,
    return
  }
  func.func @transform_0(%arg0: i32) -> (i32, i32) {
    %c0_i32 = arith.constant 0 : i32
    %c0_i32_0 = arith.constant 0 : i32
    return %arg0, %c0_i32 : i32, i32
  }
  func.func @transform_1(%arg0: i32) -> (i32, i32) {
    %c0_i32 = arith.constant 0 : i32
    %c0_i32_0 = arith.constant 0 : i32
    %c0_i32_1 = arith.constant 0 : i32
    return %c0_i32, %c0_i32_0 : i32, i32
  }
  func.func @transform_2(%arg0: i32) -> (i32, i32) {
    %c0_i32 = arith.constant 0 : i32
    %c0_i32_0 = arith.constant 0 : i32
    return %arg0, %c0_i32 : i32, i32
  }
}

</mosaic_0001>

<sc_bundles>
// kernel: kernel.12.cloned.1.call-start
scs
__scs_entry_jumppad:
0x0: {  	(pc) =	sbr.rel $0x88, $3  }
0x1: {  	(tag) =	ssettag $0x0;
	lr =	simm.s32 $0x1  }
0x2: {  	[smem:$0x3F92] =	sst lr;
	_ =	strace $0xD0000000  }
0x3: {  	_ = 	snop  }
0x4: {  	_ = 	snop  }
0x5: {  	_ = 	snop  }
0x6: {  	_ = 	snop  }
0x7: {  	_ = 	snop  }
__scs_overlays_trampoline_lowered:
0x8: {  	[smem:$0x3FA1] =	sst s0  }
0x9: {  	[smem:$0x3FA2] =	sst s1  }
0xa: {  	[smem:$0x3FA3] =	sst s2  }
0xb: {  	[smem:$0x3FA4] =	sst s3  }
0xc: {  	[smem:$0x3FA5] =	sst s4  }
0xd: {  	[smem:$0x3FA6] =	sst s5  }
0xe: {  	[smem:$0x3FA7] =	sst s6  }
0xf: {  	[smem:$0x3FA8] =	sst s7  }
0x10: {  	[smem:$0x3FA9] =	sst s8  }
0x11: {  	[smem:$0x3FAA] =	sst s9;
	s0 =	simm.s32 @!p0 $0x0  }
0x12: {  	s1 =	sld [smem:$0x3F90];
	s0 =	simm.s32 @p0 $0x1  }
0x13: {  	[smem:$0x3FAB] =	sst s0;
	s0 =	simm.s32 @!p1 $0x0  }
0x14: {  	s2 =	sld [smem:$0x3F8F];
	s0 =	simm.s32 @p1 $0x1  }
0x15: {  	[smem:$0x3FAC] =	sst s0;
	s0 =	simm.s32 @!p2 $0x0  }
0x16: {  	s3 =	sld [smem:$0x3FDB];
	s0 =	simm.s32 @p2 $0x1  }
0x17: {  	s4 =	simm.s32 $0x1BF5;
	[smem:$0x3FAE] =	sst s0  }
0x18: {  	s0 =	sld [smem:$0x3F91];
	_ =	swait.ge [sflag:s4], $0x0  }
0x19: {  	s7 =	sld [smem:$0x3F92]  }
0x1a: {  	s8 =	sadd.s32 $0xFFFFE003, lr  }
0x1b: {  	s9 =	sadd.s32 $0xFFFFFEF7, lr;
	s5 =	simm.s32 $0xFFFFFFFF;
	p2 =	slt.u32 s8, $0xFFFFF086  }
0x1c: {  	p1 =	slt.u32 s9, $0xF7A;
	s5 =	simm.s32 @!p2 $0x0  }
0x1d: {  	s5 =	simm.s32 @p1 $0x1;
	p0 =	seq.s32 s7, s2  }
0x1e: {  	s7 =	smul.u32 @!p0 $0xF7A, s2;
	p2 =	seq.s32 @!p0 s5, $0x0  }
0x1f: {  	s9 =	smul.u32 $0xF7A, s1;
	s8 =	simm.s32 @!p0 $0x1BF5;
	p2 =	por !p2, p0  }
0x20: {  	[sflag:s8] =	ssyncset.s32 @!p0 $0xFFFFF086;
	s6 =	sadd.s32 @!p0 s3, s7;
	s7 =	simm.s32 @!p0 $0x108  }
0x21: {  	s3 =	sadd.s32 s3, s9;
	s6 =	sadd.s32 @!p0 $0x88, s6;
	s7 =	simm.s32 @p2 $0x1082  }
0x22: {  	[simem:s7], [sflag:s8] =	dma.local @!p0 [hbm:s6], $0xF7A  }
0x23: {  	s9 =	sor.u32 $0xD0000000, s2;
	s6 =	simm.s32 $0x108;
	_ =	swait.ge @!p0 [sflag:s8], $0x0  }
0x24: {  	s3 =	sadd.s32 $0x88, s3;
	s6 =	simm.s32 @!p1 $0x1082;
	[sflag:s4] =	ssyncset.s32 $0xFFFFF086  }
0x25: {  	[simem:s6], [sflag:s4] =	dma.local [hbm:s3], $0xF7A  }
0x26: {  	[smem:$0x3F92] =	sst s1;
	(tag) =	ssettag s2;
	_ =	strace s9  }
0x27: {  	s1 =	sld [smem:$0x3FA2]  }
0x28: {  	s2 =	sld [smem:$0x3FA3]  }
0x29: {  	s4 =	sld [smem:$0x3FA5]  }
0x2a: {  	p0 =	seq.s32 s5, $0x0;
	s5 =	sld [smem:$0x3FA6]  }
0x2b: {  	s6 =	sld [smem:$0x3FA7]  }
0x2c: {  	s7 =	sld [smem:$0x3FA8]  }
0x2d: {  	s3 =	simm.s32 $0x108;
	s8 =	sld [smem:$0x3FA9]  }
0x2e: {  	s3 =	simm.s32 @!p0 $0x1082;
	s9 =	sld [smem:$0x3FAA]  }
0x2f: {  	lr =	sadd.s32 s0, s3;
	s0 =	sld [smem:$0x3FA1]  }
0x30: {  	s3 =	sld [smem:$0x3FA4]  }
0x31: {  	[smem:$0x3FAD] =	sst s10  }
0x32: {  	s10 =	sld [smem:$0x3FAB];
	_ =	sdelay $0x3  }
0x33: {  	p0 =	seq.s32 s10, $0x1;
	s10 =	sld [smem:$0x3FAD];
	_ =	sdelay $0x3  }
0x34: {  	[smem:$0x3FAD] =	sst s10  }
0x35: {  	s10 =	sld [smem:$0x3FAC];
	_ =	sdelay $0x3  }
0x36: {  	p1 =	seq.s32 s10, $0x1;
	s10 =	sld [smem:$0x3FAD];
	_ =	sdelay $0x3  }
0x37: {  	[smem:$0x3FAD] =	sst s10  }
0x38: {  	s10 =	sld [smem:$0x3FAE]  }
0x39: {  	_ = 	snop;
	(pc) =	sbr.ind lr, $3  }
0x3a: {  	_ = 	snop  }
0x3b: {  	_ = 	snop  }
0x3c: {  	p2 =	seq.s32 s10, $0x1;
	s10 =	sld [smem:$0x3FAD]  }
0x3d: {  	_ =	shalt  }
0x3e: {  	_ =	shalt  }
0x3f: {  	_ =	shalt  }
0x40: {  	_ =	shalt  }
0x41: {  	_ =	shalt  }
0x42: {  	_ =	shalt  }
0x43: {  	_ =	shalt  }
0x44: {  	_ =	shalt  }
0x45: {  	_ =	shalt  }
0x46: {  	_ =	shalt  }
0x47: {  	_ =	shalt  }
0x48: {  	_ =	shalt  }
0x49: {  	_ =	shalt  }
0x4a: {  	_ =	shalt  }
0x4b: {  	_ =	shalt  }
0x4c: {  	_ =	shalt  }
0x4d: {  	_ =	shalt  }
0x4e: {  	_ =	shalt  }
0x4f: {  	_ =	shalt  }
0x50: {  	_ =	shalt  }
0x51: {  	_ =	shalt  }
0x52: {  	_ =	shalt  }
0x53: {  	_ =	shalt  }
0x54: {  	_ =	shalt  }
0x55: {  	_ =	shalt  }
0x56: {  	_ =	shalt  }
0x57: {  	_ =	shalt  }
0x58: {  	_ =	shalt  }
0x59: {  	_ =	shalt  }
0x5a: {  	_ =	shalt  }
0x5b: {  	_ =	shalt  }
0x5c: {  	_ =	shalt  }
0x5d: {  	_ =	shalt  }
0x5e: {  	_ =	shalt  }
0x5f: {  	_ =	shalt  }
0x60: {  	_ =	shalt  }
0x61: {  	_ =	shalt  }
0x62: {  	_ =	shalt  }
0x63: {  	_ =	shalt  }
0x64: {  	_ =	shalt  }
0x65: {  	_ =	shalt  }
0x66: {  	_ =	shalt  }
0x67: {  	_ =	shalt  }
0x68: {  	_ =	shalt  }
0x69: {  	_ =	shalt  }
0x6a: {  	_ =	shalt  }
0x6b: {  	_ =	shalt  }
0x6c: {  	_ =	shalt  }
0x6d: {  	_ =	shalt  }
0x6e: {  	_ =	shalt  }
0x6f: {  	_ =	shalt  }
0x70: {  	_ =	shalt  }
0x71: {  	_ =	shalt  }
0x72: {  	_ =	shalt  }
0x73: {  	_ =	shalt  }
0x74: {  	_ =	shalt  }
0x75: {  	_ =	shalt  }
0x76: {  	_ =	shalt  }
0x77: {  	_ =	shalt  }
0x78: {  	_ =	shalt  }
0x79: {  	_ =	shalt  }
0x7a: {  	_ =	shalt  }
0x7b: {  	_ =	shalt  }
0x7c: {  	_ =	shalt  }
0x7d: {  	_ =	shalt  }
0x7e: {  	_ =	shalt  }
0x7f: {  	_ =	shalt  }
0x80: {  	_ =	shalt  }
0x81: {  	_ =	shalt  }
0x82: {  	_ =	shalt  }
0x83: {  	_ =	shalt  }
0x84: {  	_ =	shalt  }
0x85: {  	_ =	shalt  }
0x86: {  	_ =	shalt  }
0x87: {  	_ =	shalt  }
.Lfunc_end0:
.L_simem_size_0:
called_computation.1_lowered:
.L_overlay_start_0:
0x88: {  	s2 =	sld [smem:$0x3FD9]  }
0x89: {  	s3 =	sld [smem:$0x3FFE];
	_ =	sdelay $0x1  }
0x8a: {  	s1 =	srdreg.scid  }
0x8b: {  	s0 =	sand.u32 $0x1, s1  }
0x8c: {  	s17 =	sshll.u32 s0, $0xA;
	s2 =	sadd.s32 s3, s2  }
0x8d: {  	s2 =	sadd.s32 s2, s17  }
0x8e: {  	[smem:$0x3FB9] =	sst s2  }
0x8f: {  	_ = 	snop  }
0x90: {  	s2 =	sld [smem:$0x3FD0];
	(tm) =	ssettm $0x1  }
0x91: {  	s18 =	sld [smem:$0x3FFB];
	_ =	sdelay $0x3  }
0x92: {  	_ =	strace s18  }
0x93: {  	s3 =	sld [smem:$0x3FFC];
	_ =	sdelay $0x3  }
0x94: {  	_ =	strace s3  }
0x95: {  	s3 =	sld [smem:$0x3FFD];
	_ =	sdelay $0x3  }
0x96: {  	_ =	strace s3  }
0x97: {  	_ =	strace $0x8FFFFFFF  }
0x98: {  	s19 =	sld [smem:$0x3FDB];
	_ =	sdelay $0x1  }
0x99: {  	s4 =	simm.s32 $_scs_section_size  }
0x9a: {  	s5 =	simm.s32 $_size__tile_overlayer_lowered;
	s6 =	simm.s32 $_tile_overlayer_lowered  }
0x9b: {  	s22 =	simm.s32 $0x1BFF;
	s21 =	sshll.u32 s6, $0x1;
	s3 =	sadd.s32 s4, s19  }
0x9c: {  	s7 =	simm.s32 $0x0;
	s20 =	sshll.u32 s5, $0x1;
	s5 =	sadd.s32 s21, s3  }
0x9d: {  	[timem:s7], [sflag:s22] =	dma.local [hbm:s5], s20  }
0x9e: {  	_ =	swait.ge [sflag:s22], s20  }
0x9f: {  	s4 =	ssub.s32 $0x0, s20;
	[sflag:s22] =	ssyncset.done $0x0  }
0xa0: {  	[sflag:s22] =	ssyncadd.s32 s4;
	_ =	sdelay $0x1  }
0xa1: {  	s23 =	simm.s32 $0x1B8B  }
0xa2: {  	_ =	swait.ge [sflag:s23], $0x1  }
0xa3: {  	[sflag:s23] =	ssyncset.done $0x0  }
0xa4: {  	s25 =	simm.s32 $0x1B8E;
	s24 =	sld [smem:$0x3FFE];
	[sflag:s23] =	ssyncadd.s32 $0xFFFFFFFF  }
0xa5: {  	s26 =	simm.s32 $execute0_lowered;
	[smem:$0x3FD2] =	sst s25  }
0xa6: {  	s5 =	sshll.u32 s26, $0x1;
	_ =	strace $0x80000049;
	[dreg:$0x1] =	wrdreg $0xFFFFFFFF  }
0xa7: {  	s28 =	simm.s32 $_size_execute0_lowered;
	s3 =	sadd.s32 s3, s5;
	[dreg:$0x0] =	wrdreg $0x0  }
0xa8: {  	s5 =	sshll.u32 s28, $0x1;
	[dreg:$0x2] =	wrdreg s3  }
0xa9: {  	[dreg:$0x3] =	wrdreg s5  }
0xaa: {  	[dreg:$0x4] =	wrdreg $0xC0  }
0xab: {  	_ =	task [dreg:s7], $0x5FFFF  }
0xac: {  	[dreg:$0x1] =	wrdreg $0xFFFFFFFF  }
0xad: {  	[dreg:$0x0] =	wrdreg $0x60  }
0xae: {  	[dreg:$0x2] =	wrdreg s24  }
0xaf: {  	[dreg:$0x3] =	wrdreg s2  }
0xb0: {  	[dreg:$0x4] =	wrdreg $0x132000  }
0xb1: {  	[dreg:$0x5] =	wrdreg $0x9  }
0xb2: {  	_ =	task.clear_ibuf [dreg:s7], $0x6FFFF;
	_ =	strace $0x90000049  }
0xb3: {  	s29 =	simm.s32 $0x9;
	_ =	strace $0x8000004B  }
0xb4: {  	_ =	swait.ge [sflag:s29], $0x1  }
0xb5: {  	[sflag:s29] =	ssyncadd.s32 $0xFFFFFFFF  }
0xb6: {  	_ =	strace $0x9000004B  }
0xb7: {  	_ =	sfence  }
0xb8: {  	s30 =	sld [smem:$0x0];
	_ =	sdelay $0x2  }
0xb9: {  	s31 =	sshll.u32 s1, $0xD;
	s1 =	sshrl.u32 s1, $0x2  }
0xba: {  	s3 =	sand.u32 $0x4000, s31;
	s1 =	sadd.s32 s1, s30  }
0xbb: {  	s0 =	sor.u32 s3, s0;
	s1 =	sshll.u32 s1, $0x11  }
0xbc: {  	s0 =	sor.u32 s1, s0  }
0xbd: {  	s0 =	sadd.s32 $0x8F2B, s0  }
0xbe: {  	[sflag:s0] =	ssyncadd.remote.s32 $0x1  }
0xbf: {  	_ =	sfence.sel $0xFFFF  }
0xc0: {  	[dreg:$0x0] =	wrdreg $0xFFFFFFFF;
	(pc) =	sbr.abs _section_cstart, $3  }
0xc1: {  	[dreg:$0x1] =	wrdreg $0xFFFFFFFF  }
0xc2: {  	_ =	task.clear_ibuf [dreg:s7], $0x2FFFF;
	_ =	strace $0x9FFFFFFF  }
0xc3: {  	(tm) =	ssettm $0x7FFFFFFF  }
tec
execute0_lowered:
.L_overlay_start_1:
0x0: {  	(tag) =	ssettag $0x1  }
0x1: {  	s0 =	rddreg [dreg:$0x0]  }
0x2: {  	s3 =	rddreg [dreg:$0x1]  }
0x3: {  	s1 =	rddreg [dreg:$0x2];
	s2 =	simm.s32 $0x0  }
0x4: {  	s4 =	srdreg.scid;
	s18 =	stileid.u32;
	s28 =	simm.s32 $0x5000  }
0x5: {  	s29 =	simm.s32 $0xF200;
	s30 =	simm.s32 $0xF080;
	s31 =	simm.s32 $0x80  }
0x6: {  	[smem:$0x7FF] =	sst s2;
	s5 =	sand.u32 $0x1, s4;
	s8 =	smul.u32 $0xA000, s18  }
0x7: {  	s4 =	sadd.s32 $0x3A00, s0;
	s16 =	sadd.s32 $0x68600, s0;
	s12 =	smul.u32 $0xA00, s18  }
0x8: {  	s7 =	sadd.s32 $0x35A00, s0;
	s20 =	sadd.s32 $0x36000, s0;
	s13 =	smul.u32 $0x28000, s18  }
0x9: {  	s24 =	sadd.s32 $0xA0000, s1;
	_ =	strace $0x8000004A;
	[dreg:$0x4] =	wrdreg s7  }
0xa: {  	p0 =	sne.s32 s18, $0x0;
	s6 =	smul.u32 $0xA0000, s5;
	[dreg:$0x5] =	wrdreg s20  }
0xb: {  	s7 =	sadd.s32 $0xDA00, s0;
	s9 =	ssub.s32 $0x2, s5;
	[dreg:$0x8] =	wrdreg s24  }
0xc: {  	s25 =	smul.u32 $0x1400, s5;
	s20 =	simm.s32 $0x7880;
	s24 =	simm.s32 $0xC880  }
0xd: {  	s5 =	simm.s32 $0x0;
	s21 =	sshrl.u32 s9, $0x1;
	s14 =	sshrl.u32 s13, $0x2  }
0xe: {  	s11 =	sadd.s32 s3, s12;
	s6 =	sadd.s32 s8, s6;
	s14 =	sadd.s32 s14, s1  }
0xf: {  	s8 =	smul.u32 $0xA0, s18;
	s6 =	sshrl.u32 s6, $0x3;
	s22 =	sadd.s32 $0x4000, s14  }
0x10: {  	s23 =	sadd.s32 $0x8000, s14;
	s0 =	sadd.s32 s6, s0;
	s6 =	ssub.s32 s9, s21  }
0x11: {  	s9 =	sadd.s32 s4, s12;
	s10 =	sadd.s32 $0x50, s8;
	[dreg:$0x6] =	wrdreg s22  }
0x12: {  	s12 =	sadd.s32 s16, s12;
	[dreg:$0x7] =	wrdreg s23;
	s22 =	simm.s32 $0x1  }
0x13: {  	s23 =	simm.s32 $0x2800;
	s21 =	simm.s32 $0xA080;
	s17 =	sshll.u32 s10, $0x4  }
0x14: {  	v0 =	vlaneseq.u32;
	s0 =	sadd.s32 $0x36600, s0;
	s26 =	smax.u32 s6, $0x1;
	s13 =	sadd.s32 s4, s17  }
0x15: {  	v2 =	vimm.f32 $0.0e+00;
	v3 =	vor.u32 $0x10, v0;
	v4 =	vor.u32 $0x20, v0;
	s15 =	sadd.s32 s3, s17;
	s16 =	sadd.s32 s16, s17;
	[dreg:$0x9] =	wrdreg s0  }
0x16: {  	v5 =	vor.u32 $0x30, v0;
	v6 =	vor.u32 $0x40, v0;
	v1 =	vmov s25;
	[dreg:$0xa] =	wrdreg s26;
	s0 =	simm.s32 $0xF180;
	s3 =	simm.s32 $0xF100  }
.LBB2_1:
0x17: {  	s6 =	rddreg [dreg:$0x4]  }
0x18: {  	[tilespmem:s2], [sflag:$0x1] =	stream.linear.gather [hbm4b:s6+s2], $0x2800, $0x38;
	[tilespmem:$0x1D240] =	vst v63  }
0x19: {  	_ =	swait.ge [sflag:s22], $0x2800  }
0x1a: {  	[sflag:s22] =	ssyncset.done $0x0  }
0x1b: {  	s25 =	rddreg [dreg:$0x5];
	[sflag:s22] =	ssyncadd.s32 $0xFFFFD800  }
0x1c: {  	[tilespmem:s23], [sflag:$0x1] =	stream.linear.gather [hbm4b:s25+s2], $0x2800, $0x38;
	[tilespmem:$0x1D240] =	vst v63  }
0x1d: {  	s26 =	sand.u32 $0xFE00, s2;
	s17 =	sand.u32 $0x70, s2;
	_ =	swait.ge [sflag:s22], $0x2800  }
0x1e: {  	s18 =	sshrl.u32 s26, $0x2;
	s6 =	simm.s32 $0x40;
	[sflag:s22] =	ssyncset.done $0x0  }
0x1f: {  	s18 =	sor.u32 s17, s18;
	s17 =	simm.s32 $0x0;
	[sflag:s22] =	ssyncadd.s32 $0xFFFFD800  }
.LBB2_2:
0x20: {  	p1 =	sne.s32 s6, $0x9FC0  }
0x21: {  	[tilespmem:s18+$0x5000] =	vst v2;
	s17 =	sadd.s32 $0x10, s17;
	s18 =	smov.u32 s6;
	s6 =	sadd.s32 $0x40, s6  }
.Ltmp0:
0x22: {  	(pc) =	sbr.rel @p1 .LBB2_2-.Ltmp0, $4  }
0x23: {  	_ = 	snop  }
0x24: {  	s18 =	sand.u32 $0xFE00, s18  }
0x25: {  	s19 =	sand.u32 $0x70, s17;
	s18 =	sshrl.u32 s18, $0x2  }
0x26: {  	s18 =	sor.u32 s19, s18  }
0x27: {  	[tilespmem:s18+$0x5000] =	vst v2  }
0x28: {  	[tilespmem:$0x7800] =	vst v0  }
0x29: {  	s6 =	simm.s32 $0x0;
	[tilespmem:$0x7810] =	vst v3  }
0x2a: {  	[tilespmem:$0x7820] =	vst v4;
	s17 =	sand.u32 $0xFE00, s6  }
0x2b: {  	[tilespmem:$0x7830] =	vst v5;
	s26 =	sand.u32 $0x70, s6;
	s19 =	sshrl.u32 s17, $0x2  }
0x2c: {  	[tilespmem:$0x7840] =	vst v6;
	s17 =	simm.s32 $0x40;
	s18 =	sor.u32 s26, s19  }
.LBB2_4:
0x2d: {  	p1 =	sne.s32 s17, $0xFFC0  }
0x2e: {  	[tilespmem:s18+$0xF200] =	vst v2;
	s6 =	sadd.s32 $0x10, s6;
	s18 =	smov.u32 s17;
	s17 =	sadd.s32 $0x40, s17  }
.Ltmp1:
0x2f: {  	(pc) =	sbr.rel @p1 .LBB2_4-.Ltmp1, $4  }
0x30: {  	_ = 	snop  }
0x31: {  	s18 =	sand.u32 $0xFE00, s18  }
0x32: {  	s19 =	sand.u32 $0x70, s6;
	s18 =	sshrl.u32 s18, $0x2  }
0x33: {  	s18 =	sor.u32 s19, s18  }
0x34: {  	[tilespmem:s18+$0xF200] =	vst v2;
	s6 =	simm.s32 $0x0  }
0x35: {  	[tilespmem:s20], [sflag:$0x1] =	stream.linear.gather [hbm4b:s9+s6], $0x2800, $0x38;
	[tilespmem:$0x1D240] =	vst v63  }
0x36: {  	_ =	swait.ge [sflag:s22], $0x2800  }
0x37: {  	[sflag:s22] =	ssyncset.done $0x0  }
0x38: {  	[sflag:s22] =	ssyncadd.s32 $0xFFFFD800  }
0x39: {  	[tilespmem:s21], [sflag:$0x1] =	stream.linear.gather [hbm4b:s11+s6], $0x2800, $0x38;
	[tilespmem:$0x1D240] =	vst v63  }
0x3a: {  	_ =	swait.ge [sflag:s22], $0x2800  }
0x3b: {  	[sflag:s22] =	ssyncset.done $0x0  }
0x3c: {  	[sflag:s22] =	ssyncadd.s32 $0xFFFFD800  }
0x3d: {  	[tilespmem:s24], [sflag:$0x1] =	stream.linear.gather [hbm4b:s12+s6], $0x2800, $0x38;
	[tilespmem:$0x1D240] =	vst v63  }
0x3e: {  	_ =	swait.ge [sflag:s22], $0x2800  }
0x3f: {  	[sflag:s22] =	ssyncset.done $0x0  }
0x40: {  	[sflag:s22] =	ssyncadd.s32 $0xFFFFD800  }
.LBB2_6:
0x41: {  	s17 =	sshra.s32 s6, $0x2  }
0x42: {  	v7 =	vld [tilespmem:s17+$0x7880]  }
0x43: {  	v8 =	vld [tilespmem:s17+$0xA080];
	_ =	sdelay $0x6  }
0x44: {  	v7 =	vld.idx.msk [tilespmem:v7+s2+$0x0], $0xffff  }
0x45: {  	v9 =	vld.idx.msk [tilespmem:v8+s23+$0x0], $0xffff;
	_ =	sdelay $0x1  }
0x46: {  	v10 =	vld [tilespmem:s17+$0xC880];
	_ =	sdelay $0x2  }
0x47: {  	v7 =	vadd.f32 v9, v7;
	_ =	sdelay $0x1  }
0x48: {  	v7 =	vadd.f32 v7, v10;
	_ =	sdelay $0x1  }
0x49: {  	v42 =	vmul.f32 $2.000000030e-01, v7  }
0x4a: {  	vm0 =	vge.f32 v7, $0.0e+00  }
0x4b: {  	v7 =	vsel vm0, v7, v42  }
0x4c: {  	v7 =	vmul.f32 $1.442695020e+00, v7;
	_ =	sdelay $0x1  }
0x4d: {  	(erf) = vpow2.f32 v7;
	_ =	sdelay $0x8  }
0x4e: {  	v7 =	vpop (erf)  }
0x4f: {  	[tilespmem:v8+s28+$0x0] =	vst.idx.add.f32.msk $0xffff, v7  }
0x50: {  	v7 =	vld [tilespmem:s17+$0x7890]  }
0x51: {  	v8 =	vld [tilespmem:s17+$0xA090];
	_ =	sdelay $0x6  }
0x52: {  	v7 =	vld.idx.msk [tilespmem:v7+s2+$0x0], $0xffff  }
0x53: {  	v43 =	vld.idx.msk [tilespmem:v8+s23+$0x0], $0xffff;
	_ =	sdelay $0x1  }
0x54: {  	v44 =	vld [tilespmem:s17+$0xC890];
	_ =	sdelay $0x2  }
0x55: {  	v7 =	vadd.f32 v43, v7;
	_ =	sdelay $0x1  }
0x56: {  	v7 =	vadd.f32 v7, v44;
	_ =	sdelay $0x1  }
0x57: {  	v45 =	vmul.f32 $2.000000030e-01, v7  }
0x58: {  	vm9 =	vge.f32 v7, $0.0e+00  }
0x59: {  	v7 =	vsel vm9, v7, v45  }
0x5a: {  	v7 =	vmul.f32 $1.442695020e+00, v7;
	_ =	sdelay $0x1  }
0x5b: {  	(erf) = vpow2.f32 v7;
	_ =	sdelay $0x8  }
0x5c: {  	v7 =	vpop (erf)  }
0x5d: {  	[tilespmem:v8+s28+$0x0] =	vst.idx.add.f32.msk $0xffff, v7  }
0x5e: {  	v7 =	vld [tilespmem:s17+$0x78A0]  }
0x5f: {  	v8 =	vld [tilespmem:s17+$0xA0A0];
	_ =	sdelay $0x6  }
0x60: {  	v7 =	vld.idx.msk [tilespmem:v7+s2+$0x0], $0xffff  }
0x61: {  	v46 =	vld.idx.msk [tilespmem:v8+s23+$0x0], $0xffff;
	_ =	sdelay $0x1  }
0x62: {  	v47 =	vld [tilespmem:s17+$0xC8A0];
	_ =	sdelay $0x2  }
0x63: {  	v7 =	vadd.f32 v46, v7;
	_ =	sdelay $0x1  }
0x64: {  	v7 =	vadd.f32 v7, v47;
	_ =	sdelay $0x1  }
0x65: {  	v48 =	vmul.f32 $2.000000030e-01, v7  }
0x66: {  	vm10 =	vge.f32 v7, $0.0e+00  }
0x67: {  	v7 =	vsel vm10, v7, v48  }
0x68: {  	v7 =	vmul.f32 $1.442695020e+00, v7;
	_ =	sdelay $0x1  }
0x69: {  	(erf) = vpow2.f32 v7;
	_ =	sdelay $0x8  }
0x6a: {  	v7 =	vpop (erf)  }
0x6b: {  	[tilespmem:v8+s28+$0x0] =	vst.idx.add.f32.msk $0xffff, v7  }
0x6c: {  	v7 =	vld [tilespmem:s17+$0x78B0]  }
0x6d: {  	v8 =	vld [tilespmem:s17+$0xA0B0];
	_ =	sdelay $0x6  }
0x6e: {  	v7 =	vld.idx.msk [tilespmem:v7+s2+$0x0], $0xffff  }
0x6f: {  	v49 =	vld.idx.msk [tilespmem:v8+s23+$0x0], $0xffff;
	_ =	sdelay $0x1  }
0x70: {  	v50 =	vld [tilespmem:s17+$0xC8B0];
	_ =	sdelay $0x2  }
0x71: {  	v7 =	vadd.f32 v49, v7;
	_ =	sdelay $0x1  }
0x72: {  	v7 =	vadd.f32 v7, v50;
	_ =	sdelay $0x1  }
0x73: {  	v51 =	vmul.f32 $2.000000030e-01, v7  }
0x74: {  	vm11 =	vge.f32 v7, $0.0e+00  }
0x75: {  	v7 =	vsel vm11, v7, v51  }
0x76: {  	v7 =	vmul.f32 $1.442695020e+00, v7;
	_ =	sdelay $0x1  }
0x77: {  	(erf) = vpow2.f32 v7;
	_ =	sdelay $0x8  }
0x78: {  	v7 =	vpop (erf)  }
0x79: {  	[tilespmem:v8+s28+$0x0] =	vst.idx.add.f32.msk $0xffff, v7  }
0x7a: {  	v7 =	vld [tilespmem:s17+$0x78C0]  }
0x7b: {  	v8 =	vld [tilespmem:s17+$0xA0C0];
	_ =	sdelay $0x6  }
0x7c: {  	v7 =	vld.idx.msk [tilespmem:v7+s2+$0x0], $0xffff  }
0x7d: {  	v52 =	vld.idx.msk [tilespmem:v8+s23+$0x0], $0xffff;
	_ =	sdelay $0x1  }
0x7e: {  	v53 =	vld [tilespmem:s17+$0xC8C0];
	_ =	sdelay $0x2  }
0x7f: {  	v7 =	vadd.f32 v52, v7;
	_ =	sdelay $0x1  }
0x80: {  	v7 =	vadd.f32 v7, v53;
	_ =	sdelay $0x1  }
0x81: {  	v54 =	vmul.f32 $2.000000030e-01, v7  }
0x82: {  	vm12 =	vge.f32 v7, $0.0e+00  }
0x83: {  	v7 =	vsel vm12, v7, v54  }
0x84: {  	v7 =	vmul.f32 $1.442695020e+00, v7;
	_ =	sdelay $0x1  }
0x85: {  	(erf) = vpow2.f32 v7;
	_ =	sdelay $0x8  }
0x86: {  	v7 =	vpop (erf)  }
0x87: {  	[tilespmem:v8+s28+$0x0] =	vst.idx.add.f32.msk $0xffff, v7  }
0x88: {  	v7 =	vld [tilespmem:s17+$0x78D0]  }
0x89: {  	v8 =	vld [tilespmem:s17+$0xA0D0];
	_ =	sdelay $0x6  }
0x8a: {  	v7 =	vld.idx.msk [tilespmem:v7+s2+$0x0], $0xffff  }
0x8b: {  	v55 =	vld.idx.msk [tilespmem:v8+s23+$0x0], $0xffff;
	_ =	sdelay $0x1  }
0x8c: {  	v56 =	vld [tilespmem:s17+$0xC8D0];
	_ =	sdelay $0x2  }
0x8d: {  	v7 =	vadd.f32 v55, v7;
	_ =	sdelay $0x1  }
0x8e: {  	v7 =	vadd.f32 v7, v56;
	_ =	sdelay $0x1  }
0x8f: {  	v57 =	vmul.f32 $2.000000030e-01, v7  }
0x90: {  	vm13 =	vge.f32 v7, $0.0e+00  }
0x91: {  	v7 =	vsel vm13, v7, v57  }
0x92: {  	v7 =	vmul.f32 $1.442695020e+00, v7;
	_ =	sdelay $0x1  }
0x93: {  	(erf) = vpow2.f32 v7;
	_ =	sdelay $0x8  }
0x94: {  	v7 =	vpop (erf)  }
0x95: {  	[tilespmem:v8+s28+$0x0] =	vst.idx.add.f32.msk $0xffff, v7  }
0x96: {  	v7 =	vld [tilespmem:s17+$0x78E0]  }
0x97: {  	v8 =	vld [tilespmem:s17+$0xA0E0];
	_ =	sdelay $0x6  }
0x98: {  	v7 =	vld.idx.msk [tilespmem:v7+s2+$0x0], $0xffff  }
0x99: {  	v58 =	vld.idx.msk [tilespmem:v8+s23+$0x0], $0xffff;
	_ =	sdelay $0x1  }
0x9a: {  	v59 =	vld [tilespmem:s17+$0xC8E0];
	_ =	sdelay $0x2  }
0x9b: {  	v7 =	vadd.f32 v58, v7;
	_ =	sdelay $0x1  }
0x9c: {  	v7 =	vadd.f32 v7, v59;
	_ =	sdelay $0x1  }
0x9d: {  	v60 =	vmul.f32 $2.000000030e-01, v7  }
0x9e: {  	vm14 =	vge.f32 v7, $0.0e+00  }
0x9f: {  	v7 =	vsel vm14, v7, v60  }
0xa0: {  	v7 =	vmul.f32 $1.442695020e+00, v7;
	_ =	sdelay $0x1  }
0xa1: {  	(erf) = vpow2.f32 v7;
	_ =	sdelay $0x8  }
0xa2: {  	v7 =	vpop (erf)  }
0xa3: {  	[tilespmem:v8+s28+$0x0] =	vst.idx.add.f32.msk $0xffff, v7  }
0xa4: {  	v7 =	vld [tilespmem:s17+$0x78F0]  }
0xa5: {  	v8 =	vld [tilespmem:s17+$0xA0F0];
	_ =	sdelay $0x6  }
0xa6: {  	v7 =	vld.idx.msk [tilespmem:v7+s2+$0x0], $0xffff  }
0xa7: {  	v61 =	vld.idx.msk [tilespmem:v8+s23+$0x0], $0xffff;
	_ =	sdelay $0x1  }
0xa8: {  	v62 =	vld [tilespmem:s17+$0xC8F0];
	_ =	sdelay $0x2  }
0xa9: {  	v7 =	vadd.f32 v61, v7;
	_ =	sdelay $0x1  }
0xaa: {  	v7 =	vadd.f32 v7, v62;
	_ =	sdelay $0x1  }
0xab: {  	v63 =	vmul.f32 $2.000000030e-01, v7  }
0xac: {  	vm15 =	vge.f32 v7, $0.0e+00  }
0xad: {  	v7 =	vsel vm15, v7, v63  }
0xae: {  	v7 =	vmul.f32 $1.442695020e+00, v7;
	_ =	sdelay $0x1  }
0xaf: {  	(erf) = vpow2.f32 v7;
	_ =	sdelay $0x4  }
0xb0: {  	p1 =	sne.s32 s6, $0x9E00  }
.Ltmp2:
0xb1: {  	_ = 	snop;
	(pc) =	sbr.rel @p1 .LBB2_6-.Ltmp2, $3  }
0xb2: {  	_ =	sdelay $0x1  }
0xb3: {  	v7 =	vpop (erf)  }
0xb4: {  	s6 =	sadd.s32 $0x200, s6;
	[tilespmem:v8+s28+$0x0] =	vst.idx.add.f32.msk $0xffff, v7  }
0xb5: {  	s6 =	simm.s32 $0x0  }
0xb6: {  	[tilespmem:s20], [sflag:$0x1] =	stream.linear.gather [hbm4b:s13+s6], $0x2800, $0x38;
	[tilespmem:$0x1D240] =	vst v63  }
0xb7: {  	_ =	swait.ge [sflag:s22], $0x2800  }
0xb8: {  	[sflag:s22] =	ssyncset.done $0x0  }
0xb9: {  	[sflag:s22] =	ssyncadd.s32 $0xFFFFD800  }
0xba: {  	[tilespmem:s21], [sflag:$0x1] =	stream.linear.gather [hbm4b:s15+s6], $0x2800, $0x38;
	[tilespmem:$0x1D240] =	vst v63  }
0xbb: {  	_ =	swait.ge [sflag:s22], $0x2800  }
0xbc: {  	[sflag:s22] =	ssyncset.done $0x0  }
0xbd: {  	[sflag:s22] =	ssyncadd.s32 $0xFFFFD800  }
0xbe: {  	[tilespmem:s24], [sflag:$0x1] =	stream.linear.gather [hbm4b:s16+s6], $0x2800, $0x38;
	[tilespmem:$0x1D240] =	vst v63  }
0xbf: {  	_ =	swait.ge [sflag:s22], $0x2800  }
0xc0: {  	[sflag:s22] =	ssyncset.done $0x0  }
0xc1: {  	[sflag:s22] =	ssyncadd.s32 $0xFFFFD800  }
.LBB2_8:
0xc2: {  	s17 =	sshra.s32 s6, $0x2  }
0xc3: {  	v7 =	vld [tilespmem:s17+$0x7880]  }
0xc4: {  	v8 =	vld [tilespmem:s17+$0xA080];
	_ =	sdelay $0x6  }
0xc5: {  	v7 =	vld.idx.msk [tilespmem:v7+s2+$0x0], $0xffff  }
0xc6: {  	v9 =	vld.idx.msk [tilespmem:v8+s23+$0x0], $0xffff;
	_ =	sdelay $0x1  }
0xc7: {  	v10 =	vld [tilespmem:s17+$0xC880];
	_ =	sdelay $0x2  }
0xc8: {  	v7 =	vadd.f32 v9, v7;
	_ =	sdelay $0x1  }
0xc9: {  	v7 =	vadd.f32 v7, v10;
	_ =	sdelay $0x1  }
0xca: {  	v42 =	vmul.f32 $2.000000030e-01, v7  }
0xcb: {  	vm0 =	vge.f32 v7, $0.0e+00  }
0xcc: {  	v7 =	vsel vm0, v7, v42  }
0xcd: {  	v7 =	vmul.f32 $1.442695020e+00, v7;
	_ =	sdelay $0x1  }
0xce: {  	(erf) = vpow2.f32 v7;
	_ =	sdelay $0x8  }
0xcf: {  	v7 =	vpop (erf)  }
0xd0: {  	[tilespmem:v8+s28+$0x0] =	vst.idx.add.f32.msk $0xffff, v7  }
0xd1: {  	v7 =	vld [tilespmem:s17+$0x7890]  }
0xd2: {  	v8 =	vld [tilespmem:s17+$0xA090];
	_ =	sdelay $0x6  }
0xd3: {  	v7 =	vld.idx.msk [tilespmem:v7+s2+$0x0], $0xffff  }
0xd4: {  	v43 =	vld.idx.msk [tilespmem:v8+s23+$0x0], $0xffff;
	_ =	sdelay $0x1  }
0xd5: {  	v44 =	vld [tilespmem:s17+$0xC890];
	_ =	sdelay $0x2  }
0xd6: {  	v7 =	vadd.f32 v43, v7;
	_ =	sdelay $0x1  }
0xd7: {  	v7 =	vadd.f32 v7, v44;
	_ =	sdelay $0x1  }
0xd8: {  	v45 =	vmul.f32 $2.000000030e-01, v7  }
0xd9: {  	vm9 =	vge.f32 v7, $0.0e+00  }
0xda: {  	v7 =	vsel vm9, v7, v45  }
0xdb: {  	v7 =	vmul.f32 $1.442695020e+00, v7;
	_ =	sdelay $0x1  }
0xdc: {  	(erf) = vpow2.f32 v7;
	_ =	sdelay $0x8  }
0xdd: {  	v7 =	vpop (erf)  }
0xde: {  	[tilespmem:v8+s28+$0x0] =	vst.idx.add.f32.msk $0xffff, v7  }
0xdf: {  	v7 =	vld [tilespmem:s17+$0x78A0]  }
0xe0: {  	v8 =	vld [tilespmem:s17+$0xA0A0];
	_ =	sdelay $0x6  }
0xe1: {  	v7 =	vld.idx.msk [tilespmem:v7+s2+$0x0], $0xffff  }
0xe2: {  	v46 =	vld.idx.msk [tilespmem:v8+s23+$0x0], $0xffff;
	_ =	sdelay $0x1  }
0xe3: {  	v47 =	vld [tilespmem:s17+$0xC8A0];
	_ =	sdelay $0x2  }
0xe4: {  	v7 =	vadd.f32 v46, v7;
	_ =	sdelay $0x1  }
0xe5: {  	v7 =	vadd.f32 v7, v47;
	_ =	sdelay $0x1  }
0xe6: {  	v48 =	vmul.f32 $2.000000030e-01, v7  }
0xe7: {  	vm10 =	vge.f32 v7, $0.0e+00  }
0xe8: {  	v7 =	vsel vm10, v7, v48  }
0xe9: {  	v7 =	vmul.f32 $1.442695020e+00, v7;
	_ =	sdelay $0x1  }
0xea: {  	(erf) = vpow2.f32 v7;
	_ =	sdelay $0x8  }
0xeb: {  	v7 =	vpop (erf)  }
0xec: {  	[tilespmem:v8+s28+$0x0] =	vst.idx.add.f32.msk $0xffff, v7  }
0xed: {  	v7 =	vld [tilespmem:s17+$0x78B0]  }
0xee: {  	v8 =	vld [tilespmem:s17+$0xA0B0];
	_ =	sdelay $0x6  }
0xef: {  	v7 =	vld.idx.msk [tilespmem:v7+s2+$0x0], $0xffff  }
0xf0: {  	v49 =	vld.idx.msk [tilespmem:v8+s23+$0x0], $0xffff;
	_ =	sdelay $0x1  }
0xf1: {  	v50 =	vld [tilespmem:s17+$0xC8B0];
	_ =	sdelay $0x2  }
0xf2: {  	v7 =	vadd.f32 v49, v7;
	_ =	sdelay $0x1  }
0xf3: {  	v7 =	vadd.f32 v7, v50;
	_ =	sdelay $0x1  }
0xf4: {  	v51 =	vmul.f32 $2.000000030e-01, v7  }
0xf5: {  	vm11 =	vge.f32 v7, $0.0e+00  }
0xf6: {  	v7 =	vsel vm11, v7, v51  }
0xf7: {  	v7 =	vmul.f32 $1.442695020e+00, v7;
	_ =	sdelay $0x1  }
0xf8: {  	(erf) = vpow2.f32 v7;
	_ =	sdelay $0x8  }
0xf9: {  	v7 =	vpop (erf)  }
0xfa: {  	[tilespmem:v8+s28+$0x0] =	vst.idx.add.f32.msk $0xffff, v7  }
0xfb: {  	v7 =	vld [tilespmem:s17+$0x78C0]  }
0xfc: {  	v8 =	vld [tilespmem:s17+$0xA0C0];
	_ =	sdelay $0x6  }
0xfd: {  	v7 =	vld.idx.msk [tilespmem:v7+s2+$0x0], $0xffff  }
0xfe: {  	v52 =	vld.idx.msk [tilespmem:v8+s23+$0x0], $0xffff;
	_ =	sdelay $0x1  }
0xff: {  	v53 =	vld [tilespmem:s17+$0xC8C0];
	_ =	sdelay $0x2  }
0x100: {  	v7 =	vadd.f32 v52, v7;
	_ =	sdelay $0x1  }
0x101: {  	v7 =	vadd.f32 v7, v53;
	_ =	sdelay $0x1  }
0x102: {  	v54 =	vmul.f32 $2.000000030e-01, v7  }
0x103: {  	vm12 =	vge.f32 v7, $0.0e+00  }
0x104: {  	v7 =	vsel vm12, v7, v54  }
0x105: {  	v7 =	vmul.f32 $1.442695020e+00, v7;
	_ =	sdelay $0x1  }
0x106: {  	(erf) = vpow2.f32 v7;
	_ =	sdelay $0x8  }
0x107: {  	v7 =	vpop (erf)  }
0x108: {  	[tilespmem:v8+s28+$0x0] =	vst.idx.add.f32.msk $0xffff, v7  }
0x109: {  	v7 =	vld [tilespmem:s17+$0x78D0]  }
0x10a: {  	v8 =	vld [tilespmem:s17+$0xA0D0];
	_ =	sdelay $0x6  }
0x10b: {  	v7 =	vld.idx.msk [tilespmem:v7+s2+$0x0], $0xffff  }
0x10c: {  	v55 =	vld.idx.msk [tilespmem:v8+s23+$0x0], $0xffff;
	_ =	sdelay $0x1  }
0x10d: {  	v56 =	vld [tilespmem:s17+$0xC8D0];
	_ =	sdelay $0x2  }
0x10e: {  	v7 =	vadd.f32 v55, v7;
	_ =	sdelay $0x1  }
0x10f: {  	v7 =	vadd.f32 v7, v56;
	_ =	sdelay $0x1  }
0x110: {  	v57 =	vmul.f32 $2.000000030e-01, v7  }
0x111: {  	vm13 =	vge.f32 v7, $0.0e+00  }
0x112: {  	v7 =	vsel vm13, v7, v57  }
0x113: {  	v7 =	vmul.f32 $1.442695020e+00, v7;
	_ =	sdelay $0x1  }
0x114: {  	(erf) = vpow2.f32 v7;
	_ =	sdelay $0x8  }
0x115: {  	v7 =	vpop (erf)  }
0x116: {  	[tilespmem:v8+s28+$0x0] =	vst.idx.add.f32.msk $0xffff, v7  }
0x117: {  	v7 =	vld [tilespmem:s17+$0x78E0]  }
0x118: {  	v8 =	vld [tilespmem:s17+$0xA0E0];
	_ =	sdelay $0x6  }
0x119: {  	v7 =	vld.idx.msk [tilespmem:v7+s2+$0x0], $0xffff  }
0x11a: {  	v58 =	vld.idx.msk [tilespmem:v8+s23+$0x0], $0xffff;
	_ =	sdelay $0x1  }
0x11b: {  	v59 =	vld [tilespmem:s17+$0xC8E0];
	_ =	sdelay $0x2  }
0x11c: {  	v7 =	vadd.f32 v58, v7;
	_ =	sdelay $0x1  }
0x11d: {  	v7 =	vadd.f32 v7, v59;
	_ =	sdelay $0x1  }
0x11e: {  	v60 =	vmul.f32 $2.000000030e-01, v7  }
0x11f: {  	vm14 =	vge.f32 v7, $0.0e+00  }
0x120: {  	v7 =	vsel vm14, v7, v60  }
0x121: {  	v7 =	vmul.f32 $1.442695020e+00, v7;
	_ =	sdelay $0x1  }
0x122: {  	(erf) = vpow2.f32 v7;
	_ =	sdelay $0x8  }
0x123: {  	v7 =	vpop (erf)  }
0x124: {  	[tilespmem:v8+s28+$0x0] =	vst.idx.add.f32.msk $0xffff, v7  }
0x125: {  	v7 =	vld [tilespmem:s17+$0x78F0]  }
0x126: {  	v8 =	vld [tilespmem:s17+$0xA0F0];
	_ =	sdelay $0x6  }
0x127: {  	v7 =	vld.idx.msk [tilespmem:v7+s2+$0x0], $0xffff  }
0x128: {  	v61 =	vld.idx.msk [tilespmem:v8+s23+$0x0], $0xffff;
	_ =	sdelay $0x1  }
0x129: {  	v62 =	vld [tilespmem:s17+$0xC8F0];
	_ =	sdelay $0x2  }
0x12a: {  	v7 =	vadd.f32 v61, v7;
	_ =	sdelay $0x1  }
0x12b: {  	v7 =	vadd.f32 v7, v62;
	_ =	sdelay $0x1  }
0x12c: {  	v63 =	vmul.f32 $2.000000030e-01, v7  }
0x12d: {  	vm15 =	vge.f32 v7, $0.0e+00  }
0x12e: {  	v7 =	vsel vm15, v7, v63  }
0x12f: {  	v7 =	vmul.f32 $1.442695020e+00, v7;
	_ =	sdelay $0x1  }
0x130: {  	(erf) = vpow2.f32 v7;
	_ =	sdelay $0x4  }
0x131: {  	p1 =	sne.s32 s6, $0x9E00  }
.Ltmp3:
0x132: {  	_ = 	snop;
	(pc) =	sbr.rel @p1 .LBB2_8-.Ltmp3, $3  }
0x133: {  	_ =	sdelay $0x1  }
0x134: {  	v7 =	vpop (erf)  }
0x135: {  	s6 =	sadd.s32 $0x200, s6;
	[tilespmem:v8+s28+$0x0] =	vst.idx.add.f32.msk $0xffff, v7  }
0x136: {  	[bflag:$0x0] =	sbarrier.arrive @p0 $0xFFFF  }
0x137: {  	s6 =	simm.s32 @p0 $0x50;
	s17 =	simm.s32 @p0 $0x7800;
	s18 =	simm.s32 @p0 $0x5000  }
0x138: {  	[spmem:s1] =	stream.indirect.scatter.add.f32 @p0 [tilespmem:s18], [sflag:$0x1], $0x80, s17, s6, $0xb8;
	[tilespmem:$0x1D240] =	vst v63  }
0x139: {  	s6 =	simm.s32 @p0 $0x1  }
0x13a: {  	_ =	swait.ge @p0 [sflag:s6], $0x2800  }
0x13b: {  	[sflag:s6] =	ssyncset.done @p0 $0x0  }
0x13c: {  	[sflag:s6] =	ssyncadd.s32 @p0 $0xFFFFD800;
	s6 =	simm.s32 @!p0 $0x5000  }
0x13d: {  	[spmem:s1] =	stream.linear.scatter @!p0 [tilespmem:s6], [sflag:$0x1], $0x2800, $0x38;
	[tilespmem:$0x1D240] =	vst v63  }
0x13e: {  	s6 =	simm.s32 @!p0 $0x1  }
0x13f: {  	_ =	swait.ge @!p0 [sflag:s6], $0x2800  }
0x140: {  	[sflag:s6] =	ssyncset.done @!p0 $0x0  }
0x141: {  	[sflag:s6] =	ssyncadd.s32 @!p0 $0xFFFFD800  }
0x142: {  	[bflag:$0x0] =	sbarrier.arrive @!p0 $0xFFFF  }
0x143: {  	[bflag:$0x0] =	sbarrier.arrive $0xFFFF  }
0x144: {  	[tilespmem:s28], [sflag:$0x1] =	stream.linear.gather [spmem:s1], $0x2800, $0x38;
	[tilespmem:$0x1D240] =	vst v63  }
0x145: {  	_ =	swait.ge [sflag:s22], $0x2800  }
0x146: {  	[sflag:s22] =	ssyncset.done $0x0  }
0x147: {  	[sflag:s22] =	ssyncadd.s32 $0xFFFFD800  }
0x148: {  	[bflag:$0x0] =	sbarrier.arrive $0xFFFF  }
0x149: {  	[spmem:s14] =	stream.linear.scatter [tilespmem:s29], [sflag:$0x1], $0x4000, $0x38;
	[tilespmem:$0x1D240] =	vst v63  }
0x14a: {  	_ =	swait.ge [sflag:s22], $0x4000  }
0x14b: {  	[sflag:s22] =	ssyncset.done $0x0  }
0x14c: {  	s25 =	rddreg [dreg:$0x6];
	[sflag:s22] =	ssyncadd.s32 $0xFFFFC000  }
0x14d: {  	[spmem:s25] =	stream.linear.scatter [tilespmem:s29], [sflag:$0x1], $0x4000, $0x38;
	[tilespmem:$0x1D240] =	vst v63  }
0x14e: {  	_ =	swait.ge [sflag:s22], $0x4000  }
0x14f: {  	[sflag:s22] =	ssyncset.done $0x0  }
0x150: {  	s26 =	rddreg [dreg:$0x7];
	[sflag:s22] =	ssyncadd.s32 $0xFFFFC000  }
0x151: {  	[spmem:s26] =	stream.linear.scatter [tilespmem:s29], [sflag:$0x1], $0x2000, $0x38;
	[tilespmem:$0x1D240] =	vst v63  }
0x152: {  	_ =	swait.ge [sflag:s22], $0x2000  }
0x153: {  	[sflag:s22] =	ssyncset.done $0x0  }
0x154: {  	s17 =	simm.s32 @!p0 $0xF200;
	s18 =	rddreg [dreg:$0x8];
	[sflag:s22] =	ssyncadd.s32 $0xFFFFE000  }
0x155: {  	[spmem:s18] =	stream.linear.scatter @!p0 [tilespmem:s17], [sflag:$0x1], $0x400, $0x38;
	[tilespmem:$0x1D240] =	vst v63  }
0x156: {  	_ =	swait.ge @!p0 [sflag:s6], $0x400  }
0x157: {  	[sflag:s6] =	ssyncset.done @!p0 $0x0  }
0x158: {  	[sflag:s6] =	ssyncadd.s32 @!p0 $0xFFFFFC00  }
0x159: {  	s24 =	simm.s32 $0x7880;
	s6 =	simm.s32 $0x0;
	[bflag:$0x0] =	sbarrier.arrive $0xFFFF  }
0x15a: {  	[tilespmem:s24], [sflag:$0x1] =	stream.linear.gather [hbm4b:s9+s6], $0x2800, $0x38;
	[tilespmem:$0x1D240] =	vst v63  }
0x15b: {  	_ =	swait.ge [sflag:s22], $0x2800  }
0x15c: {  	[sflag:s22] =	ssyncset.done $0x0  }
0x15d: {  	s25 =	simm.s32 $0xA080;
	[sflag:s22] =	ssyncadd.s32 $0xFFFFD800  }
0x15e: {  	[tilespmem:s25], [sflag:$0x1] =	stream.linear.gather [hbm4b:s11+s6], $0x2800, $0x38;
	[tilespmem:$0x1D240] =	vst v63  }
0x15f: {  	_ =	swait.ge [sflag:s22], $0x2800  }
0x160: {  	[sflag:s22] =	ssyncset.done $0x0  }
0x161: {  	s26 =	simm.s32 $0xC880;
	[sflag:s22] =	ssyncadd.s32 $0xFFFFD800  }
0x162: {  	[tilespmem:s26], [sflag:$0x1] =	stream.linear.gather [hbm4b:s12+s6], $0x2800, $0x38;
	[tilespmem:$0x1D240] =	vst v63  }
0x163: {  	_ =	swait.ge [sflag:s22], $0x2800  }
0x164: {  	[sflag:s22] =	ssyncset.done $0x0  }
0x165: {  	s17 =	simm.s32 $0x0;
	[sflag:s22] =	ssyncadd.s32 $0xFFFFD800  }
.LBB2_10:
0x166: {  	s18 =	sadd.s32 s8, s17;
	s19 =	sshll.u32 s17, $0x4  }
0x167: {  	s18 =	sshll.u32 s18, $0x4;
	s19 =	sand.u32 $0x70, s19  }
0x168: {  	s18 =	sand.u32 $0x1FF80, s18;
	s19 =	sadd.s32 s4, s19  }
0x169: {  	s18 =	sadd.s32 s18, s19  }
0x16a: {  	[tilespmem:s30], [sflag:$0x1] =	stream.linear.gather [hbm4b:s18+s6], $0x80, $0x38;
	[tilespmem:$0x1D240] =	vst v63  }
0x16b: {  	_ =	swait.ge [sflag:s22], $0x80  }
0x16c: {  	[sflag:s22] =	ssyncset.done $0x0  }
0x16d: {  	v7 =	vmov s24;
	[sflag:s22] =	ssyncadd.s32 $0xFFFFFF80  }
0x16e: {  	v9 =	vmov s25;
	[tilespmem:s29], [sflag:$0x1] =	stream.indirect.gather [hbm4b:s7+s31], $0x80, s30, s31, $0xb8;
	[tilespmem:$0x1D240] =	vst v63  }
0x16f: {  	v8 =	vmov s26;
	_ =	swait.ge [sflag:s22], $0x4000  }
0x170: {  	[sflag:s22] =	ssyncset.done $0x0  }
0x171: {  	s18 =	simm.s32 $0x0;
	[sflag:s22] =	ssyncadd.s32 $0xFFFFC000  }
0x172: {  	s20 =	simm.s32 $0x40;
	v10 =	vld.idx.msk [tilespmem:v7+s18+$0x0 ss:$0x1], $0xffff  }
.LBB2_11:
0x173: {  	p1 =	sne.s32 s20, $0x1C0;
	v11 =	vld.idx.msk [tilespmem:v9+s18+$0x0 ss:$0x1], $0xffff  }
0x174: {  	v12 =	vld.idx.msk [tilespmem:v8+s18+$0x0 ss:$0x1], $0xffff;
	_ =	sdelay $0x4  }
0x175: {  	s19 =	simm.s32 $0x0;
	v13 =	vsub.s32 v11, v1  }
0x176: {  	v13 =	vmin.u32 v13, $0x1400;
	v10 =	vld.idx.msk [tilespmem:v10+s19+$0x0], $0xffff  }
0x177: {  	v14 =	vld.idx.msk [tilespmem:v11+s23+$0x0], $0xffff;
	_ =	sdelay $0x5  }
0x178: {  	v10 =	vadd.f32 v14, v10;
	v11 =	vld.idx.msk [tilespmem:v11+s28+$0x0], $0xffff;
	[tilespmem:s18+$0xF100] =	vst v13;
	_ =	sdelay $0x1  }
0x179: {  	v10 =	vadd.f32 v10, v12;
	_ =	sdelay $0x1  }
0x17a: {  	v12 =	vmul.f32 $2.000000030e-01, v10  }
0x17b: {  	vm0 =	vge.f32 v10, $0.0e+00  }
0x17c: {  	v10 =	vsel vm0, v10, v12;
	v11 =	vadd.f32 $1.000000020e-16, v11  }
0x17d: {  	v10 =	vmul.f32 $1.442695020e+00, v10  }
0x17e: {  	(erf) = vrcp.f32 v11  }
0x17f: {  	(erf) = vpow2.f32 v10;
	_ =	sdelay $0x7  }
0x180: {  	v10 =	vpop (erf)  }
.Ltmp4:
0x181: {  	v11 =	vpop (erf);
	(pc) =	sbr.rel @p1 .LBB2_11-.Ltmp4, $3  }
0x182: {  	v10 =	vmul.f32 v11, v10;
	_ =	sdelay $0x1  }
0x183: {  	[tilespmem:s18+$0xF180] =	vst v10;
	s18 =	sshra.s32 s20, $0x2  }
0x184: {  	s20 =	sadd.s32 $0x40, s20;
	v10 =	vld.idx.msk [tilespmem:v7+s18+$0x0 ss:$0x1], $0xffff  }
0x185: {  	_ =	sdelay $0x3  }
0x186: {  	v7 =	vld.idx.msk [tilespmem:v9+s18+$0x0 ss:$0x1], $0xffff;
	_ =	sdelay $0x6  }
0x187: {  	v9 =	vld.idx.msk [tilespmem:v10+s19+$0x0], $0xffff  }
0x188: {  	v10 =	vld.idx.msk [tilespmem:v7+s23+$0x0], $0xffff;
	_ =	sdelay $0x1  }
0x189: {  	v8 =	vld.idx.msk [tilespmem:v8+s18+$0x0 ss:$0x1], $0xffff;
	_ =	sdelay $0x2  }
0x18a: {  	v9 =	vadd.f32 v10, v9  }
0x18b: {  	v10 =	vld.idx.msk [tilespmem:v7+s28+$0x0], $0xffff  }
0x18c: {  	v8 =	vadd.f32 v9, v8;
	_ =	sdelay $0x1  }
0x18d: {  	v9 =	vmul.f32 $2.000000030e-01, v8  }
0x18e: {  	vm0 =	vge.f32 v8, $0.0e+00  }
0x18f: {  	v8 =	vsel vm0, v8, v9;
	v9 =	vadd.f32 $1.000000020e-16, v10  }
0x190: {  	v8 =	vmul.f32 $1.442695020e+00, v8  }
0x191: {  	(erf) = vrcp.f32 v9  }
0x192: {  	(erf) = vpow2.f32 v8;
	_ =	sdelay $0x7  }
0x193: {  	v8 =	vpop (erf)  }
0x194: {  	v7 =	vsub.s32 v7, v1;
	v9 =	vpop (erf)  }
0x195: {  	v7 =	vmin.u32 v7, $0x1400;
	v8 =	vmul.f32 v9, v8  }
0x196: {  	[tilespmem:s18+$0xF100] =	vst v7;
	v7 =	vmov s19  }
0x197: {  	[tilespmem:s18+$0xF180] =	vst v8;
	s18 =	simm.s32 $0xF240  }
0x198: {  	v11 =	vld [tilespmem:s18+$0x30]  }
0x199: {  	v14 =	vld [tilespmem:s18+$0x10]  }
0x19a: {  	v12 =	vld [tilespmem:s18+$0xFFFFFFC0]  }
0x19b: {  	v8 =	vld.idx.msk [tilespmem:v7+s0+$0x0], $0xffff  }
0x19c: {  	v16 =	vld [tilespmem:s18+$0xFFFFFFE0]  }
0x19d: {  	v7 =	vld [tilespmem:s18+$0xFFFFFFF0]  }
0x19e: {  	v9 =	vld [tilespmem:s18+$0x20]  }
0x19f: {  	v10 =	vld [tilespmem:s18+$0xFFFFFFD0]  }
0x1a0: {  	v15 =	vmul.f32 v11, v8;
	v11 =	vld [tilespmem:s18+$0x0]  }
0x1a1: {  	v13 =	vmul.f32 v12, v8  }
0x1a2: {  	s20 =	simm.s32 $0xF240;
	s19 =	simm.s32 $0x1;
	v12 =	vmul.f32 v16, v8;
	v14 =	vmul.f32 v14, v8  }
.LBB2_13:
0x1a3: {  	p1 =	sne.s32 s19, $0x7F  }
0x1a4: {  	v10 =	vmul.f32 v10, v8;
	v9 =	vmul.f32 v9, v8;
	[tilespmem:s18+$0x30] =	vst v15;
	s20 =	sadd.s32 $0x80, s20;
	s21 =	smov.u32 s19;
	s19 =	sadd.s32 $0x1, s19  }
0x1a5: {  	[tilespmem:s18+$0xFFFFFFC0] =	vst v13;
	v13 =	vmul.f32 v7, v8;
	v8 =	vmul.f32 v11, v8  }
0x1a6: {  	[tilespmem:s18+$0x10] =	vst v14  }
0x1a7: {  	v11 =	vmov s21;
	[tilespmem:s18+$0xFFFFFFE0] =	vst v12  }
0x1a8: {  	v7 =	vld [tilespmem:s20+$0xFFFFFFF0];
	[tilespmem:s18+$0xFFFFFFF0] =	vst v13  }
0x1a9: {  	v12 =	vld [tilespmem:s20+$0x30];
	[tilespmem:s18+$0x0] =	vst v8  }
0x1aa: {  	v14 =	vld [tilespmem:s20+$0x10];
	[tilespmem:s18+$0x20] =	vst v9  }
0x1ab: {  	v13 =	vld [tilespmem:s20+$0xFFFFFFC0];
	[tilespmem:s18+$0xFFFFFFD0] =	vst v10;
	s18 =	smov.u32 s20  }
0x1ac: {  	v8 =	vld.idx.msk [tilespmem:v11+s0+$0x0], $0xffff  }
0x1ad: {  	v16 =	vld [tilespmem:s20+$0xFFFFFFE0]  }
0x1ae: {  	v9 =	vld [tilespmem:s20+$0x20]  }
.Ltmp5:
0x1af: {  	v10 =	vld [tilespmem:s20+$0xFFFFFFD0];
	(pc) =	sbr.rel @p1 .LBB2_13-.Ltmp5, $3  }
0x1b0: {  	v11 =	vld [tilespmem:s20+$0x0];
	_ =	sdelay $0x1  }
0x1b1: {  	v13 =	vmul.f32 v13, v8;
	v15 =	vmul.f32 v12, v8  }
0x1b2: {  	v14 =	vmul.f32 v14, v8;
	v12 =	vmul.f32 v16, v8  }
0x1b3: {  	[tilespmem:s18+$0x30] =	vst v15  }
0x1b4: {  	[tilespmem:s18+$0xFFFFFFC0] =	vst v13  }
0x1b5: {  	v7 =	vmul.f32 v7, v8;
	[tilespmem:s18+$0x10] =	vst v14  }
0x1b6: {  	v9 =	vmul.f32 v9, v8;
	[tilespmem:s18+$0xFFFFFFE0] =	vst v12  }
0x1b7: {  	v11 =	vmul.f32 v11, v8;
	[tilespmem:s18+$0xFFFFFFF0] =	vst v7  }
0x1b8: {  	s17 =	sadd.s32 $0x1, s17;
	v7 =	vmul.f32 v10, v8;
	[tilespmem:s18+$0x20] =	vst v9  }
0x1b9: {  	p1 =	sne.s32 s17, $0x50;
	[tilespmem:s18+$0x0] =	vst v11  }
.Ltmp6:
0x1ba: {  	[tilespmem:s18+$0xFFFFFFD0] =	vst v7;
	(pc) =	sbr.rel @p1 .LBB2_10-.Ltmp6, $4  }
0x1bb: {  	[spmem:s1] =	stream.indirect.scatter.add.f32 [tilespmem:s29], [sflag:$0x1], $0x80, s3, s31, $0xb8;
	[tilespmem:$0x1D240] =	vst v63  }
0x1bc: {  	_ =	swait.ge [sflag:s22], $0x4000  }
0x1bd: {  	s26 =	sadd.s32 $0x80, s26;
	[sflag:s22] =	ssyncset.done $0x0  }
0x1be: {  	s25 =	sadd.s32 $0x80, s25;
	s24 =	sadd.s32 $0x80, s24;
	[sflag:s22] =	ssyncadd.s32 $0xFFFFC000  }
0x1bf: {  	s6 =	simm.s32 $0x0;
	s24 =	simm.s32 $0x7880  }
0x1c0: {  	[tilespmem:s24], [sflag:$0x1] =	stream.linear.gather [hbm4b:s13+s6], $0x2800, $0x38;
	[tilespmem:$0x1D240] =	vst v63  }
0x1c1: {  	_ =	swait.ge [sflag:s22], $0x2800  }
0x1c2: {  	[sflag:s22] =	ssyncset.done $0x0  }
0x1c3: {  	s25 =	simm.s32 $0xA080;
	[sflag:s22] =	ssyncadd.s32 $0xFFFFD800  }
0x1c4: {  	[tilespmem:s25], [sflag:$0x1] =	stream.linear.gather [hbm4b:s15+s6], $0x2800, $0x38;
	[tilespmem:$0x1D240] =	vst v63  }
0x1c5: {  	_ =	swait.ge [sflag:s22], $0x2800  }
0x1c6: {  	[sflag:s22] =	ssyncset.done $0x0  }
0x1c7: {  	s26 =	simm.s32 $0xC880;
	[sflag:s22] =	ssyncadd.s32 $0xFFFFD800  }
0x1c8: {  	[tilespmem:s26], [sflag:$0x1] =	stream.linear.gather [hbm4b:s16+s6], $0x2800, $0x38;
	[tilespmem:$0x1D240] =	vst v63  }
0x1c9: {  	_ =	swait.ge [sflag:s22], $0x2800  }
0x1ca: {  	[sflag:s22] =	ssyncset.done $0x0  }
0x1cb: {  	s17 =	simm.s32 $0x0;
	[sflag:s22] =	ssyncadd.s32 $0xFFFFD800  }
.LBB2_16:
0x1cc: {  	s18 =	sadd.s32 s10, s17;
	s19 =	sshll.u32 s17, $0x4  }
0x1cd: {  	s18 =	sshll.u32 s18, $0x4;
	s19 =	sand.u32 $0x70, s19  }
0x1ce: {  	s18 =	sand.u32 $0x3FF80, s18;
	s19 =	sadd.s32 s4, s19  }
0x1cf: {  	s18 =	sadd.s32 s18, s19  }
0x1d0: {  	[tilespmem:s30], [sflag:$0x1] =	stream.linear.gather [hbm4b:s18+s6], $0x80, $0x38;
	[tilespmem:$0x1D240] =	vst v63  }
0x1d1: {  	_ =	swait.ge [sflag:s22], $0x80  }
0x1d2: {  	[sflag:s22] =	ssyncset.done $0x0  }
0x1d3: {  	v7 =	vmov s24;
	[sflag:s22] =	ssyncadd.s32 $0xFFFFFF80  }
0x1d4: {  	v9 =	vmov s25;
	[tilespmem:s29], [sflag:$0x1] =	stream.indirect.gather [hbm4b:s7+s31], $0x80, s30, s31, $0xb8;
	[tilespmem:$0x1D240] =	vst v63  }
0x1d5: {  	v8 =	vmov s26;
	_ =	swait.ge [sflag:s22], $0x4000  }
0x1d6: {  	[sflag:s22] =	ssyncset.done $0x0  }
0x1d7: {  	s18 =	simm.s32 $0x0;
	[sflag:s22] =	ssyncadd.s32 $0xFFFFC000  }
0x1d8: {  	s20 =	simm.s32 $0x40;
	v10 =	vld.idx.msk [tilespmem:v7+s18+$0x0 ss:$0x1], $0xffff  }
.LBB2_17:
0x1d9: {  	p1 =	sne.s32 s20, $0x1C0;
	v11 =	vld.idx.msk [tilespmem:v9+s18+$0x0 ss:$0x1], $0xffff  }
0x1da: {  	v12 =	vld.idx.msk [tilespmem:v8+s18+$0x0 ss:$0x1], $0xffff;
	_ =	sdelay $0x4  }
0x1db: {  	s19 =	simm.s32 $0x0;
	v13 =	vsub.s32 v11, v1  }
0x1dc: {  	v13 =	vmin.u32 v13, $0x1400;
	v10 =	vld.idx.msk [tilespmem:v10+s19+$0x0], $0xffff  }
0x1dd: {  	v14 =	vld.idx.msk [tilespmem:v11+s23+$0x0], $0xffff;
	_ =	sdelay $0x5  }
0x1de: {  	v10 =	vadd.f32 v14, v10;
	v11 =	vld.idx.msk [tilespmem:v11+s28+$0x0], $0xffff;
	[tilespmem:s18+$0xF100] =	vst v13;
	_ =	sdelay $0x1  }
0x1df: {  	v10 =	vadd.f32 v10, v12;
	_ =	sdelay $0x1  }
0x1e0: {  	v12 =	vmul.f32 $2.000000030e-01, v10  }
0x1e1: {  	vm0 =	vge.f32 v10, $0.0e+00  }
0x1e2: {  	v10 =	vsel vm0, v10, v12;
	v11 =	vadd.f32 $1.000000020e-16, v11  }
0x1e3: {  	v10 =	vmul.f32 $1.442695020e+00, v10  }
0x1e4: {  	(erf) = vrcp.f32 v11  }
0x1e5: {  	(erf) = vpow2.f32 v10;
	_ =	sdelay $0x7  }
0x1e6: {  	v10 =	vpop (erf)  }
.Ltmp7:
0x1e7: {  	v11 =	vpop (erf);
	(pc) =	sbr.rel @p1 .LBB2_17-.Ltmp7, $3  }
0x1e8: {  	v10 =	vmul.f32 v11, v10;
	_ =	sdelay $0x1  }
0x1e9: {  	[tilespmem:s18+$0xF180] =	vst v10;
	s18 =	sshra.s32 s20, $0x2  }
0x1ea: {  	s20 =	sadd.s32 $0x40, s20;
	v10 =	vld.idx.msk [tilespmem:v7+s18+$0x0 ss:$0x1], $0xffff  }
0x1eb: {  	_ =	sdelay $0x3  }
0x1ec: {  	v7 =	vld.idx.msk [tilespmem:v9+s18+$0x0 ss:$0x1], $0xffff;
	_ =	sdelay $0x6  }
0x1ed: {  	v9 =	vld.idx.msk [tilespmem:v10+s19+$0x0], $0xffff  }
0x1ee: {  	v10 =	vld.idx.msk [tilespmem:v7+s23+$0x0], $0xffff;
	_ =	sdelay $0x1  }
0x1ef: {  	v8 =	vld.idx.msk [tilespmem:v8+s18+$0x0 ss:$0x1], $0xffff;
	_ =	sdelay $0x2  }
0x1f0: {  	v9 =	vadd.f32 v10, v9  }
0x1f1: {  	v10 =	vld.idx.msk [tilespmem:v7+s28+$0x0], $0xffff  }
0x1f2: {  	v8 =	vadd.f32 v9, v8;
	_ =	sdelay $0x1  }
0x1f3: {  	v9 =	vmul.f32 $2.000000030e-01, v8  }
0x1f4: {  	vm0 =	vge.f32 v8, $0.0e+00  }
0x1f5: {  	v8 =	vsel vm0, v8, v9;
	v9 =	vadd.f32 $1.000000020e-16, v10  }
0x1f6: {  	v8 =	vmul.f32 $1.442695020e+00, v8  }
0x1f7: {  	(erf) = vrcp.f32 v9  }
0x1f8: {  	(erf) = vpow2.f32 v8;
	_ =	sdelay $0x7  }
0x1f9: {  	v8 =	vpop (erf)  }
0x1fa: {  	v7 =	vsub.s32 v7, v1;
	v9 =	vpop (erf)  }
0x1fb: {  	v7 =	vmin.u32 v7, $0x1400;
	v8 =	vmul.f32 v9, v8  }
0x1fc: {  	[tilespmem:s18+$0xF100] =	vst v7;
	v7 =	vmov s19  }
0x1fd: {  	[tilespmem:s18+$0xF180] =	vst v8;
	s18 =	simm.s32 $0xF240  }
0x1fe: {  	v11 =	vld [tilespmem:s18+$0x30]  }
0x1ff: {  	v14 =	vld [tilespmem:s18+$0x10]  }
0x200: {  	v12 =	vld [tilespmem:s18+$0xFFFFFFC0]  }
0x201: {  	v8 =	vld.idx.msk [tilespmem:v7+s0+$0x0], $0xffff  }
0x202: {  	v16 =	vld [tilespmem:s18+$0xFFFFFFE0]  }
0x203: {  	v7 =	vld [tilespmem:s18+$0xFFFFFFF0]  }
0x204: {  	v9 =	vld [tilespmem:s18+$0x20]  }
0x205: {  	v10 =	vld [tilespmem:s18+$0xFFFFFFD0]  }
0x206: {  	v15 =	vmul.f32 v11, v8;
	v11 =	vld [tilespmem:s18+$0x0]  }
0x207: {  	v13 =	vmul.f32 v12, v8  }
0x208: {  	s20 =	simm.s32 $0xF240;
	s19 =	simm.s32 $0x1;
	v12 =	vmul.f32 v16, v8;
	v14 =	vmul.f32 v14, v8  }
.LBB2_19:
0x209: {  	p1 =	sne.s32 s19, $0x7F  }
0x20a: {  	v10 =	vmul.f32 v10, v8;
	v9 =	vmul.f32 v9, v8;
	[tilespmem:s18+$0x30] =	vst v15;
	s20 =	sadd.s32 $0x80, s20;
	s21 =	smov.u32 s19;
	s19 =	sadd.s32 $0x1, s19  }
0x20b: {  	[tilespmem:s18+$0xFFFFFFC0] =	vst v13;
	v13 =	vmul.f32 v7, v8;
	v8 =	vmul.f32 v11, v8  }
0x20c: {  	[tilespmem:s18+$0x10] =	vst v14  }
0x20d: {  	v11 =	vmov s21;
	[tilespmem:s18+$0xFFFFFFE0] =	vst v12  }
0x20e: {  	v7 =	vld [tilespmem:s20+$0xFFFFFFF0];
	[tilespmem:s18+$0xFFFFFFF0] =	vst v13  }
0x20f: {  	v12 =	vld [tilespmem:s20+$0x30];
	[tilespmem:s18+$0x0] =	vst v8  }
0x210: {  	v14 =	vld [tilespmem:s20+$0x10];
	[tilespmem:s18+$0x20] =	vst v9  }
0x211: {  	v13 =	vld [tilespmem:s20+$0xFFFFFFC0];
	[tilespmem:s18+$0xFFFFFFD0] =	vst v10;
	s18 =	smov.u32 s20  }
0x212: {  	v8 =	vld.idx.msk [tilespmem:v11+s0+$0x0], $0xffff  }
0x213: {  	v16 =	vld [tilespmem:s20+$0xFFFFFFE0]  }
0x214: {  	v9 =	vld [tilespmem:s20+$0x20]  }
.Ltmp8:
0x215: {  	v10 =	vld [tilespmem:s20+$0xFFFFFFD0];
	(pc) =	sbr.rel @p1 .LBB2_19-.Ltmp8, $3  }
0x216: {  	v11 =	vld [tilespmem:s20+$0x0];
	_ =	sdelay $0x1  }
0x217: {  	v13 =	vmul.f32 v13, v8;
	v15 =	vmul.f32 v12, v8  }
0x218: {  	v14 =	vmul.f32 v14, v8;
	v12 =	vmul.f32 v16, v8  }
0x219: {  	[tilespmem:s18+$0x30] =	vst v15  }
0x21a: {  	[tilespmem:s18+$0xFFFFFFC0] =	vst v13  }
0x21b: {  	v7 =	vmul.f32 v7, v8;
	[tilespmem:s18+$0x10] =	vst v14  }
0x21c: {  	v9 =	vmul.f32 v9, v8;
	[tilespmem:s18+$0xFFFFFFE0] =	vst v12  }
0x21d: {  	v11 =	vmul.f32 v11, v8;
	[tilespmem:s18+$0xFFFFFFF0] =	vst v7  }
0x21e: {  	s17 =	sadd.s32 $0x1, s17;
	v7 =	vmul.f32 v10, v8;
	[tilespmem:s18+$0x20] =	vst v9  }
0x21f: {  	p1 =	sne.s32 s17, $0x50;
	[tilespmem:s18+$0x0] =	vst v11  }
.Ltmp9:
0x220: {  	[tilespmem:s18+$0xFFFFFFD0] =	vst v7;
	(pc) =	sbr.rel @p1 .LBB2_16-.Ltmp9, $4  }
0x221: {  	[spmem:s1] =	stream.indirect.scatter.add.f32 [tilespmem:s29], [sflag:$0x1], $0x80, s3, s31, $0xb8;
	[tilespmem:$0x1D240] =	vst v63  }
0x222: {  	_ =	swait.ge [sflag:s22], $0x4000  }
0x223: {  	s26 =	sadd.s32 $0x80, s26;
	[sflag:s22] =	ssyncset.done $0x0  }
0x224: {  	s25 =	sadd.s32 $0x80, s25;
	s24 =	sadd.s32 $0x80, s24;
	[sflag:s22] =	ssyncadd.s32 $0xFFFFC000  }
0x225: {  	s6 =	stileid.u32  }
0x226: {  	[bflag:$0x0] =	sbarrier.arrive $0xFFFF;
	s6 =	sshll.u32 s6, $0x6  }
0x227: {  	s17 =	sshrl.u32 s14, $0x3;
	s18 =	rddreg [dreg:$0x9];
	s6 =	sor.u32 $0x1C01, s6  }
0x228: {  	[hbm:s18], [sflag:s6] =	dma.local [spmem:s17], $0x1400  }
0x229: {  	_ =	swait.ge [sflag:s22], $0x1400  }
0x22a: {  	s5 =	sadd.s32 $0x1, s5;
	s26 =	rddreg [dreg:$0xa]  }
0x22b: {  	p1 =	sne.s32 s5, s26  }
.Ltmp10:
0x22c: {  	_ = 	snop;
	(pc) =	sbr.rel @p1 .LBB2_1-.Ltmp10, $3  }
0x22d: {  	_ =	sdelay $0x1  }
0x22e: {  	s20 =	simm.s32 $0x7880;
	[sflag:s22] =	ssyncset.done $0x0  }
0x22f: {  	s21 =	simm.s32 $0xA080;
	s24 =	simm.s32 $0xC880;
	[sflag:s22] =	ssyncadd.s32 $0xFFFFEC00  }
0x230: {  	_ =	sfence.sel $0x180000  }
0x231: {  	[bflag:$0x0] =	sbarrier.arrive $0xFFFF  }
0x232: {  	_ =	strace $0x9000004A  }
0x233: {  	[bflag:$0x2] =	sbarrier.arrive $0xFFFF  }
0x234: {  	s0 =	rddreg [dreg:$0x3]  }
0x235: {  	s0 =	sadd.s32 @!p0 $0x100000, s0  }
0x236: {  	[sflag:s0] =	ssyncadd.tile.s32 @!p0 $0x1;
	_ =	shalt  }
.Lfunc_end2:
_tile_overlayer_lowered:
.L_overlay_start_2:
0x237: {  	(tag) =	ssettag $0x2  }
0x238: {  	s0 =	rddreg [dreg:$0x0];
	s2 =	stileid.u32  }
0x239: {  	s1 =	rddreg [dreg:$0x1];
	p0 =	sne.s32 s2, $0x0  }
0x23a: {  	s3 =	rddreg [dreg:$0x2];
	[bflag:$0x3] =	sbarrier.arrive $0xFFFF;
	s2 =	simm.s32 @!p0 $0x1C01  }
0x23b: {  	[timem:s3], [sflag:s2] =	dma.local @!p0 [hbm:s0], s1  }
0x23c: {  	s0 =	simm.s32 @!p0 $0x1  }
0x23d: {  	_ =	swait.ge @!p0 [sflag:s0], s1  }
0x23e: {  	s1 =	ssub.s32 @!p0 $0x0, s1;
	[sflag:s0] =	ssyncset.done @!p0 $0x0  }
0x23f: {  	[sflag:s0] =	ssyncadd.s32 @!p0 s1  }
0x240: {  	[bflag:$0x3] =	sbarrier.arrive $0xFFFF  }
0x241: {  	_ =	shalt  }

// kernel: kernel.9.cloned.1.call-start
scs
__scs_entry_jumppad:
0x0: {  	(pc) =	sbr.rel $0x88, $3  }
0x1: {  	(tag) =	ssettag $0x0;
	lr =	simm.s32 $0x1  }
0x2: {  	[smem:$0x3F92] =	sst lr;
	_ =	strace $0xD0000000  }
0x3: {  	_ = 	snop  }
0x4: {  	_ = 	snop  }
0x5: {  	_ = 	snop  }
0x6: {  	_ = 	snop  }
0x7: {  	_ = 	snop  }
__scs_overlays_trampoline_lowered:
0x8: {  	[smem:$0x3FA1] =	sst s0  }
0x9: {  	[smem:$0x3FA2] =	sst s1  }
0xa: {  	[smem:$0x3FA3] =	sst s2  }
0xb: {  	[smem:$0x3FA4] =	sst s3  }
0xc: {  	[smem:$0x3FA5] =	sst s4  }
0xd: {  	[smem:$0x3FA6] =	sst s5  }
0xe: {  	[smem:$0x3FA7] =	sst s6  }
0xf: {  	[smem:$0x3FA8] =	sst s7  }
0x10: {  	[smem:$0x3FA9] =	sst s8  }
0x11: {  	[smem:$0x3FAA] =	sst s9;
	s0 =	simm.s32 @!p0 $0x0  }
0x12: {  	s1 =	sld [smem:$0x3F90];
	s0 =	simm.s32 @p0 $0x1  }
0x13: {  	[smem:$0x3FAB] =	sst s0;
	s0 =	simm.s32 @!p1 $0x0  }
0x14: {  	s2 =	sld [smem:$0x3F8F];
	s0 =	simm.s32 @p1 $0x1  }
0x15: {  	[smem:$0x3FAC] =	sst s0;
	s0 =	simm.s32 @!p2 $0x0  }
0x16: {  	s3 =	sld [smem:$0x3FDB];
	s0 =	simm.s32 @p2 $0x1  }
0x17: {  	s4 =	simm.s32 $0x1BF5;
	[smem:$0x3FAE] =	sst s0  }
0x18: {  	s0 =	sld [smem:$0x3F91];
	_ =	swait.ge [sflag:s4], $0x0  }
0x19: {  	s7 =	sld [smem:$0x3F92]  }
0x1a: {  	s8 =	sadd.s32 $0xFFFFE003, lr  }
0x1b: {  	s9 =	sadd.s32 $0xFFFFFEF7, lr;
	s5 =	simm.s32 $0xFFFFFFFF;
	p2 =	slt.u32 s8, $0xFFFFF086  }
0x1c: {  	p1 =	slt.u32 s9, $0xF7A;
	s5 =	simm.s32 @!p2 $0x0  }
0x1d: {  	s5 =	simm.s32 @p1 $0x1;
	p0 =	seq.s32 s7, s2  }
0x1e: {  	s7 =	smul.u32 @!p0 $0xF7A, s2;
	p2 =	seq.s32 @!p0 s5, $0x0  }
0x1f: {  	s9 =	smul.u32 $0xF7A, s1;
	s8 =	simm.s32 @!p0 $0x1BF5;
	p2 =	por !p2, p0  }
0x20: {  	[sflag:s8] =	ssyncset.s32 @!p0 $0xFFFFF086;
	s6 =	sadd.s32 @!p0 s3, s7;
	s7 =	simm.s32 @!p0 $0x108  }
0x21: {  	s3 =	sadd.s32 s3, s9;
	s6 =	sadd.s32 @!p0 $0x88, s6;
	s7 =	simm.s32 @p2 $0x1082  }
0x22: {  	[simem:s7], [sflag:s8] =	dma.local @!p0 [hbm:s6], $0xF7A  }
0x23: {  	s9 =	sor.u32 $0xD0000000, s2;
	s6 =	simm.s32 $0x108;
	_ =	swait.ge @!p0 [sflag:s8], $0x0  }
0x24: {  	s3 =	sadd.s32 $0x88, s3;
	s6 =	simm.s32 @!p1 $0x1082;
	[sflag:s4] =	ssyncset.s32 $0xFFFFF086  }
0x25: {  	[simem:s6], [sflag:s4] =	dma.local [hbm:s3], $0xF7A  }
0x26: {  	[smem:$0x3F92] =	sst s1;
	(tag) =	ssettag s2;
	_ =	strace s9  }
0x27: {  	s1 =	sld [smem:$0x3FA2]  }
0x28: {  	s2 =	sld [smem:$0x3FA3]  }
0x29: {  	s4 =	sld [smem:$0x3FA5]  }
0x2a: {  	p0 =	seq.s32 s5, $0x0;
	s5 =	sld [smem:$0x3FA6]  }
0x2b: {  	s6 =	sld [smem:$0x3FA7]  }
0x2c: {  	s7 =	sld [smem:$0x3FA8]  }
0x2d: {  	s3 =	simm.s32 $0x108;
	s8 =	sld [smem:$0x3FA9]  }
0x2e: {  	s3 =	simm.s32 @!p0 $0x1082;
	s9 =	sld [smem:$0x3FAA]  }
0x2f: {  	lr =	sadd.s32 s0, s3;
	s0 =	sld [smem:$0x3FA1]  }
0x30: {  	s3 =	sld [smem:$0x3FA4]  }
0x31: {  	[smem:$0x3FAD] =	sst s10  }
0x32: {  	s10 =	sld [smem:$0x3FAB];
	_ =	sdelay $0x3  }
0x33: {  	p0 =	seq.s32 s10, $0x1;
	s10 =	sld [smem:$0x3FAD];
	_ =	sdelay $0x3  }
0x34: {  	[smem:$0x3FAD] =	sst s10  }
0x35: {  	s10 =	sld [smem:$0x3FAC];
	_ =	sdelay $0x3  }
0x36: {  	p1 =	seq.s32 s10, $0x1;
	s10 =	sld [smem:$0x3FAD];
	_ =	sdelay $0x3  }
0x37: {  	[smem:$0x3FAD] =	sst s10  }
0x38: {  	s10 =	sld [smem:$0x3FAE]  }
0x39: {  	_ = 	snop;
	(pc) =	sbr.ind lr, $3  }
0x3a: {  	_ = 	snop  }
0x3b: {  	_ = 	snop  }
0x3c: {  	p2 =	seq.s32 s10, $0x1;
	s10 =	sld [smem:$0x3FAD]  }
0x3d: {  	_ =	shalt  }
0x3e: {  	_ =	shalt  }
0x3f: {  	_ =	shalt  }
0x40: {  	_ =	shalt  }
0x41: {  	_ =	shalt  }
0x42: {  	_ =	shalt  }
0x43: {  	_ =	shalt  }
0x44: {  	_ =	shalt  }
0x45: {  	_ =	shalt  }
0x46: {  	_ =	shalt  }
0x47: {  	_ =	shalt  }
0x48: {  	_ =	shalt  }
0x49: {  	_ =	shalt  }
0x4a: {  	_ =	shalt  }
0x4b: {  	_ =	shalt  }
0x4c: {  	_ =	shalt  }
0x4d: {  	_ =	shalt  }
0x4e: {  	_ =	shalt  }
0x4f: {  	_ =	shalt  }
0x50: {  	_ =	shalt  }
0x51: {  	_ =	shalt  }
0x52: {  	_ =	shalt  }
0x53: {  	_ =	shalt  }
0x54: {  	_ =	shalt  }
0x55: {  	_ =	shalt  }
0x56: {  	_ =	shalt  }
0x57: {  	_ =	shalt  }
0x58: {  	_ =	shalt  }
0x59: {  	_ =	shalt  }
0x5a: {  	_ =	shalt  }
0x5b: {  	_ =	shalt  }
0x5c: {  	_ =	shalt  }
0x5d: {  	_ =	shalt  }
0x5e: {  	_ =	shalt  }
0x5f: {  	_ =	shalt  }
0x60: {  	_ =	shalt  }
0x61: {  	_ =	shalt  }
0x62: {  	_ =	shalt  }
0x63: {  	_ =	shalt  }
0x64: {  	_ =	shalt  }
0x65: {  	_ =	shalt  }
0x66: {  	_ =	shalt  }
0x67: {  	_ =	shalt  }
0x68: {  	_ =	shalt  }
0x69: {  	_ =	shalt  }
0x6a: {  	_ =	shalt  }
0x6b: {  	_ =	shalt  }
0x6c: {  	_ =	shalt  }
0x6d: {  	_ =	shalt  }
0x6e: {  	_ =	shalt  }
0x6f: {  	_ =	shalt  }
0x70: {  	_ =	shalt  }
0x71: {  	_ =	shalt  }
0x72: {  	_ =	shalt  }
0x73: {  	_ =	shalt  }
0x74: {  	_ =	shalt  }
0x75: {  	_ =	shalt  }
0x76: {  	_ =	shalt  }
0x77: {  	_ =	shalt  }
0x78: {  	_ =	shalt  }
0x79: {  	_ =	shalt  }
0x7a: {  	_ =	shalt  }
0x7b: {  	_ =	shalt  }
0x7c: {  	_ =	shalt  }
0x7d: {  	_ =	shalt  }
0x7e: {  	_ =	shalt  }
0x7f: {  	_ =	shalt  }
0x80: {  	_ =	shalt  }
0x81: {  	_ =	shalt  }
0x82: {  	_ =	shalt  }
0x83: {  	_ =	shalt  }
0x84: {  	_ =	shalt  }
0x85: {  	_ =	shalt  }
0x86: {  	_ =	shalt  }
0x87: {  	_ =	shalt  }
.Lfunc_end0:
.L_simem_size_0:
called_computation_lowered:
.L_overlay_start_0:
0x88: {  	s2 =	sld [smem:$0x3FD9]  }
0x89: {  	s3 =	sld [smem:$0x3FFE];
	_ =	sdelay $0x1  }
0x8a: {  	s1 =	srdreg.scid  }
0x8b: {  	s0 =	sand.u32 $0x1, s1  }
0x8c: {  	s17 =	sshll.u32 s0, $0xA;
	s2 =	sadd.s32 s3, s2  }
0x8d: {  	s2 =	sadd.s32 s2, s17  }
0x8e: {  	[smem:$0x3FB9] =	sst s2  }
0x8f: {  	_ = 	snop  }
0x90: {  	s2 =	sld [smem:$0x3FD0];
	(tm) =	ssettm $0x1  }
0x91: {  	s18 =	sld [smem:$0x3FFB];
	_ =	sdelay $0x3  }
0x92: {  	_ =	strace s18  }
0x93: {  	s3 =	sld [smem:$0x3FFC];
	_ =	sdelay $0x3  }
0x94: {  	_ =	strace s3  }
0x95: {  	s3 =	sld [smem:$0x3FFD];
	_ =	sdelay $0x3  }
0x96: {  	_ =	strace s3  }
0x97: {  	_ =	strace $0x8FFFFFFF  }
0x98: {  	s19 =	sld [smem:$0x3FDB];
	_ =	sdelay $0x1  }
0x99: {  	s4 =	simm.s32 $_scs_section_size  }
0x9a: {  	s5 =	simm.s32 $_size__tile_overlayer_lowered;
	s6 =	simm.s32 $_tile_overlayer_lowered  }
0x9b: {  	s22 =	simm.s32 $0x1BFF;
	s21 =	sshll.u32 s6, $0x1;
	s3 =	sadd.s32 s4, s19  }
0x9c: {  	s7 =	simm.s32 $0x0;
	s20 =	sshll.u32 s5, $0x1;
	s5 =	sadd.s32 s21, s3  }
0x9d: {  	[timem:s7], [sflag:s22] =	dma.local [hbm:s5], s20  }
0x9e: {  	_ =	swait.ge [sflag:s22], s20  }
0x9f: {  	s4 =	ssub.s32 $0x0, s20;
	[sflag:s22] =	ssyncset.done $0x0  }
0xa0: {  	[sflag:s22] =	ssyncadd.s32 s4;
	_ =	sdelay $0x1  }
0xa1: {  	s23 =	simm.s32 $0x1B8B  }
0xa2: {  	_ =	swait.ge [sflag:s23], $0x1  }
0xa3: {  	[sflag:s23] =	ssyncset.done $0x0  }
0xa4: {  	s25 =	simm.s32 $0x1B8E;
	s24 =	sld [smem:$0x3FFE];
	[sflag:s23] =	ssyncadd.s32 $0xFFFFFFFF  }
0xa5: {  	s26 =	simm.s32 $execute0_lowered;
	[smem:$0x3FD2] =	sst s25  }
0xa6: {  	s5 =	sshll.u32 s26, $0x1;
	_ =	strace $0x80000046;
	[dreg:$0x1] =	wrdreg $0xFFFFFFFF  }
0xa7: {  	s28 =	simm.s32 $_size_execute0_lowered;
	s3 =	sadd.s32 s3, s5;
	[dreg:$0x0] =	wrdreg $0x0  }
0xa8: {  	s5 =	sshll.u32 s28, $0x1;
	[dreg:$0x2] =	wrdreg s3  }
0xa9: {  	[dreg:$0x3] =	wrdreg s5  }
0xaa: {  	[dreg:$0x4] =	wrdreg $0xC0  }
0xab: {  	_ =	task [dreg:s7], $0x5FFFF  }
0xac: {  	[dreg:$0x1] =	wrdreg $0xFFFFFFFF  }
0xad: {  	[dreg:$0x0] =	wrdreg $0x60  }
0xae: {  	[dreg:$0x2] =	wrdreg s24  }
0xaf: {  	[dreg:$0x3] =	wrdreg s2  }
0xb0: {  	[dreg:$0x4] =	wrdreg $0x132000  }
0xb1: {  	[dreg:$0x5] =	wrdreg $0x9  }
0xb2: {  	_ =	task.clear_ibuf [dreg:s7], $0x6FFFF;
	_ =	strace $0x90000046  }
0xb3: {  	s29 =	simm.s32 $0x9;
	_ =	strace $0x80000048  }
0xb4: {  	_ =	swait.ge [sflag:s29], $0x1  }
0xb5: {  	[sflag:s29] =	ssyncadd.s32 $0xFFFFFFFF  }
0xb6: {  	_ =	strace $0x90000048  }
0xb7: {  	_ =	sfence  }
0xb8: {  	s30 =	sld [smem:$0x0];
	_ =	sdelay $0x2  }
0xb9: {  	s31 =	sshll.u32 s1, $0xD;
	s1 =	sshrl.u32 s1, $0x2  }
0xba: {  	s3 =	sand.u32 $0x4000, s31;
	s1 =	sadd.s32 s1, s30  }
0xbb: {  	s0 =	sor.u32 s3, s0;
	s1 =	sshll.u32 s1, $0x11  }
0xbc: {  	s0 =	sor.u32 s1, s0  }
0xbd: {  	s0 =	sadd.s32 $0x8F2B, s0  }
0xbe: {  	[sflag:s0] =	ssyncadd.remote.s32 $0x1  }
0xbf: {  	_ =	sfence.sel $0xFFFF  }
0xc0: {  	[dreg:$0x0] =	wrdreg $0xFFFFFFFF;
	(pc) =	sbr.abs _section_cstart, $3  }
0xc1: {  	[dreg:$0x1] =	wrdreg $0xFFFFFFFF  }
0xc2: {  	_ =	task.clear_ibuf [dreg:s7], $0x2FFFF;
	_ =	strace $0x9FFFFFFF  }
0xc3: {  	(tm) =	ssettm $0x7FFFFFFF  }
tec
execute0_lowered:
.L_overlay_start_1:
0x0: {  	(tag) =	ssettag $0x1  }
0x1: {  	s0 =	rddreg [dreg:$0x0]  }
0x2: {  	s3 =	rddreg [dreg:$0x1]  }
0x3: {  	s1 =	rddreg [dreg:$0x2];
	s2 =	simm.s32 $0x0  }
0x4: {  	s4 =	srdreg.scid;
	s18 =	stileid.u32;
	s28 =	simm.s32 $0x5000  }
0x5: {  	s29 =	simm.s32 $0xF200;
	s30 =	simm.s32 $0xF080;
	s31 =	simm.s32 $0x80  }
0x6: {  	[smem:$0x7FF] =	sst s2;
	s5 =	sand.u32 $0x1, s4;
	s8 =	smul.u32 $0xA000, s18  }
0x7: {  	s4 =	sadd.s32 $0x3A00, s0;
	s16 =	sadd.s32 $0xDA00, s0;
	s12 =	smul.u32 $0xA00, s18  }
0x8: {  	s7 =	sadd.s32 $0x3FA00, s0;
	s20 =	sadd.s32 $0x40000, s0;
	s13 =	smul.u32 $0x28000, s18  }
0x9: {  	s24 =	sadd.s32 $0xA0000, s1;
	_ =	strace $0x80000047;
	[dreg:$0x4] =	wrdreg s7  }
0xa: {  	p0 =	sne.s32 s18, $0x0;
	s6 =	smul.u32 $0xA0000, s5;
	[dreg:$0x5] =	wrdreg s20  }
0xb: {  	s7 =	sadd.s32 $0x17A00, s0;
	s9 =	ssub.s32 $0x2, s5;
	[dreg:$0x8] =	wrdreg s24  }
0xc: {  	s25 =	smul.u32 $0x1400, s5;
	s20 =	simm.s32 $0x7880;
	s24 =	simm.s32 $0xC880  }
0xd: {  	s5 =	simm.s32 $0x0;
	s21 =	sshrl.u32 s9, $0x1;
	s14 =	sshrl.u32 s13, $0x2  }
0xe: {  	s11 =	sadd.s32 s3, s12;
	s6 =	sadd.s32 s8, s6;
	s14 =	sadd.s32 s14, s1  }
0xf: {  	s8 =	smul.u32 $0xA0, s18;
	s6 =	sshrl.u32 s6, $0x3;
	s22 =	sadd.s32 $0x4000, s14  }
0x10: {  	s23 =	sadd.s32 $0x8000, s14;
	s0 =	sadd.s32 s6, s0;
	s6 =	ssub.s32 s9, s21  }
0x11: {  	s9 =	sadd.s32 s4, s12;
	s10 =	sadd.s32 $0x50, s8;
	[dreg:$0x6] =	wrdreg s22  }
0x12: {  	s12 =	sadd.s32 s16, s12;
	[dreg:$0x7] =	wrdreg s23;
	s22 =	simm.s32 $0x1  }
0x13: {  	s23 =	simm.s32 $0x2800;
	s21 =	simm.s32 $0xA080;
	s17 =	sshll.u32 s10, $0x4  }
0x14: {  	v0 =	vlaneseq.u32;
	s0 =	sadd.s32 $0x40600, s0;
	s26 =	smax.u32 s6, $0x1;
	s13 =	sadd.s32 s4, s17  }
0x15: {  	v2 =	vimm.f32 $0.0e+00;
	v3 =	vor.u32 $0x10, v0;
	v4 =	vor.u32 $0x20, v0;
	s15 =	sadd.s32 s3, s17;
	s16 =	sadd.s32 s16, s17;
	[dreg:$0x9] =	wrdreg s0  }
0x16: {  	v5 =	vor.u32 $0x30, v0;
	v6 =	vor.u32 $0x40, v0;
	v1 =	vmov s25;
	[dreg:$0xa] =	wrdreg s26;
	s0 =	simm.s32 $0xF180;
	s3 =	simm.s32 $0xF100  }
.LBB2_1:
0x17: {  	s6 =	rddreg [dreg:$0x4]  }
0x18: {  	[tilespmem:s2], [sflag:$0x1] =	stream.linear.gather [hbm4b:s6+s2], $0x2800, $0x38;
	[tilespmem:$0x1D240] =	vst v63  }
0x19: {  	_ =	swait.ge [sflag:s22], $0x2800  }
0x1a: {  	[sflag:s22] =	ssyncset.done $0x0  }
0x1b: {  	s25 =	rddreg [dreg:$0x5];
	[sflag:s22] =	ssyncadd.s32 $0xFFFFD800  }
0x1c: {  	[tilespmem:s23], [sflag:$0x1] =	stream.linear.gather [hbm4b:s25+s2], $0x2800, $0x38;
	[tilespmem:$0x1D240] =	vst v63  }
0x1d: {  	s26 =	sand.u32 $0xFE00, s2;
	s17 =	sand.u32 $0x70, s2;
	_ =	swait.ge [sflag:s22], $0x2800  }
0x1e: {  	s18 =	sshrl.u32 s26, $0x2;
	s6 =	simm.s32 $0x40;
	[sflag:s22] =	ssyncset.done $0x0  }
0x1f: {  	s18 =	sor.u32 s17, s18;
	s17 =	simm.s32 $0x0;
	[sflag:s22] =	ssyncadd.s32 $0xFFFFD800  }
.LBB2_2:
0x20: {  	p1 =	sne.s32 s6, $0x9FC0  }
0x21: {  	[tilespmem:s18+$0x5000] =	vst v2;
	s17 =	sadd.s32 $0x10, s17;
	s18 =	smov.u32 s6;
	s6 =	sadd.s32 $0x40, s6  }
.Ltmp0:
0x22: {  	(pc) =	sbr.rel @p1 .LBB2_2-.Ltmp0, $4  }
0x23: {  	_ = 	snop  }
0x24: {  	s18 =	sand.u32 $0xFE00, s18  }
0x25: {  	s19 =	sand.u32 $0x70, s17;
	s18 =	sshrl.u32 s18, $0x2  }
0x26: {  	s18 =	sor.u32 s19, s18  }
0x27: {  	[tilespmem:s18+$0x5000] =	vst v2  }
0x28: {  	[tilespmem:$0x7800] =	vst v0  }
0x29: {  	s6 =	simm.s32 $0x0;
	[tilespmem:$0x7810] =	vst v3  }
0x2a: {  	[tilespmem:$0x7820] =	vst v4;
	s17 =	sand.u32 $0xFE00, s6  }
0x2b: {  	[tilespmem:$0x7830] =	vst v5;
	s26 =	sand.u32 $0x70, s6;
	s19 =	sshrl.u32 s17, $0x2  }
0x2c: {  	[tilespmem:$0x7840] =	vst v6;
	s17 =	simm.s32 $0x40;
	s18 =	sor.u32 s26, s19  }
.LBB2_4:
0x2d: {  	p1 =	sne.s32 s17, $0xFFC0  }
0x2e: {  	[tilespmem:s18+$0xF200] =	vst v2;
	s6 =	sadd.s32 $0x10, s6;
	s18 =	smov.u32 s17;
	s17 =	sadd.s32 $0x40, s17  }
.Ltmp1:
0x2f: {  	(pc) =	sbr.rel @p1 .LBB2_4-.Ltmp1, $4  }
0x30: {  	_ = 	snop  }
0x31: {  	s18 =	sand.u32 $0xFE00, s18  }
0x32: {  	s19 =	sand.u32 $0x70, s6;
	s18 =	sshrl.u32 s18, $0x2  }
0x33: {  	s18 =	sor.u32 s19, s18  }
0x34: {  	[tilespmem:s18+$0xF200] =	vst v2;
	s6 =	simm.s32 $0x0  }
0x35: {  	[tilespmem:s20], [sflag:$0x1] =	stream.linear.gather [hbm4b:s9+s6], $0x2800, $0x38;
	[tilespmem:$0x1D240] =	vst v63  }
0x36: {  	_ =	swait.ge [sflag:s22], $0x2800  }
0x37: {  	[sflag:s22] =	ssyncset.done $0x0  }
0x38: {  	[sflag:s22] =	ssyncadd.s32 $0xFFFFD800  }
0x39: {  	[tilespmem:s21], [sflag:$0x1] =	stream.linear.gather [hbm4b:s11+s6], $0x2800, $0x38;
	[tilespmem:$0x1D240] =	vst v63  }
0x3a: {  	_ =	swait.ge [sflag:s22], $0x2800  }
0x3b: {  	[sflag:s22] =	ssyncset.done $0x0  }
0x3c: {  	[sflag:s22] =	ssyncadd.s32 $0xFFFFD800  }
0x3d: {  	[tilespmem:s24], [sflag:$0x1] =	stream.linear.gather [hbm4b:s12+s6], $0x2800, $0x38;
	[tilespmem:$0x1D240] =	vst v63  }
0x3e: {  	_ =	swait.ge [sflag:s22], $0x2800  }
0x3f: {  	[sflag:s22] =	ssyncset.done $0x0  }
0x40: {  	[sflag:s22] =	ssyncadd.s32 $0xFFFFD800  }
.LBB2_6:
0x41: {  	s17 =	sshra.s32 s6, $0x2  }
0x42: {  	v7 =	vld [tilespmem:s17+$0x7880]  }
0x43: {  	v8 =	vld [tilespmem:s17+$0xA080];
	_ =	sdelay $0x6  }
0x44: {  	v7 =	vld.idx.msk [tilespmem:v7+s2+$0x0], $0xffff  }
0x45: {  	v9 =	vld.idx.msk [tilespmem:v8+s23+$0x0], $0xffff;
	_ =	sdelay $0x1  }
0x46: {  	v10 =	vld [tilespmem:s17+$0xC880];
	_ =	sdelay $0x2  }
0x47: {  	v7 =	vadd.f32 v9, v7;
	_ =	sdelay $0x1  }
0x48: {  	v7 =	vadd.f32 v7, v10;
	_ =	sdelay $0x1  }
0x49: {  	v42 =	vmul.f32 $2.000000030e-01, v7  }
0x4a: {  	vm0 =	vge.f32 v7, $0.0e+00  }
0x4b: {  	v7 =	vsel vm0, v7, v42  }
0x4c: {  	v7 =	vmul.f32 $1.442695020e+00, v7;
	_ =	sdelay $0x1  }
0x4d: {  	(erf) = vpow2.f32 v7;
	_ =	sdelay $0x8  }
0x4e: {  	v7 =	vpop (erf)  }
0x4f: {  	[tilespmem:v8+s28+$0x0] =	vst.idx.add.f32.msk $0xffff, v7  }
0x50: {  	v7 =	vld [tilespmem:s17+$0x7890]  }
0x51: {  	v8 =	vld [tilespmem:s17+$0xA090];
	_ =	sdelay $0x6  }
0x52: {  	v7 =	vld.idx.msk [tilespmem:v7+s2+$0x0], $0xffff  }
0x53: {  	v43 =	vld.idx.msk [tilespmem:v8+s23+$0x0], $0xffff;
	_ =	sdelay $0x1  }
0x54: {  	v44 =	vld [tilespmem:s17+$0xC890];
	_ =	sdelay $0x2  }
0x55: {  	v7 =	vadd.f32 v43, v7;
	_ =	sdelay $0x1  }
0x56: {  	v7 =	vadd.f32 v7, v44;
	_ =	sdelay $0x1  }
0x57: {  	v45 =	vmul.f32 $2.000000030e-01, v7  }
0x58: {  	vm9 =	vge.f32 v7, $0.0e+00  }
0x59: {  	v7 =	vsel vm9, v7, v45  }
0x5a: {  	v7 =	vmul.f32 $1.442695020e+00, v7;
	_ =	sdelay $0x1  }
0x5b: {  	(erf) = vpow2.f32 v7;
	_ =	sdelay $0x8  }
0x5c: {  	v7 =	vpop (erf)  }
0x5d: {  	[tilespmem:v8+s28+$0x0] =	vst.idx.add.f32.msk $0xffff, v7  }
0x5e: {  	v7 =	vld [tilespmem:s17+$0x78A0]  }
0x5f: {  	v8 =	vld [tilespmem:s17+$0xA0A0];
	_ =	sdelay $0x6  }
0x60: {  	v7 =	vld.idx.msk [tilespmem:v7+s2+$0x0], $0xffff  }
0x61: {  	v46 =	vld.idx.msk [tilespmem:v8+s23+$0x0], $0xffff;
	_ =	sdelay $0x1  }
0x62: {  	v47 =	vld [tilespmem:s17+$0xC8A0];
	_ =	sdelay $0x2  }
0x63: {  	v7 =	vadd.f32 v46, v7;
	_ =	sdelay $0x1  }
0x64: {  	v7 =	vadd.f32 v7, v47;
	_ =	sdelay $0x1  }
0x65: {  	v48 =	vmul.f32 $2.000000030e-01, v7  }
0x66: {  	vm10 =	vge.f32 v7, $0.0e+00  }
0x67: {  	v7 =	vsel vm10, v7, v48  }
0x68: {  	v7 =	vmul.f32 $1.442695020e+00, v7;
	_ =	sdelay $0x1  }
0x69: {  	(erf) = vpow2.f32 v7;
	_ =	sdelay $0x8  }
0x6a: {  	v7 =	vpop (erf)  }
0x6b: {  	[tilespmem:v8+s28+$0x0] =	vst.idx.add.f32.msk $0xffff, v7  }
0x6c: {  	v7 =	vld [tilespmem:s17+$0x78B0]  }
0x6d: {  	v8 =	vld [tilespmem:s17+$0xA0B0];
	_ =	sdelay $0x6  }
0x6e: {  	v7 =	vld.idx.msk [tilespmem:v7+s2+$0x0], $0xffff  }
0x6f: {  	v49 =	vld.idx.msk [tilespmem:v8+s23+$0x0], $0xffff;
	_ =	sdelay $0x1  }
0x70: {  	v50 =	vld [tilespmem:s17+$0xC8B0];
	_ =	sdelay $0x2  }
0x71: {  	v7 =	vadd.f32 v49, v7;
	_ =	sdelay $0x1  }
0x72: {  	v7 =	vadd.f32 v7, v50;
	_ =	sdelay $0x1  }
0x73: {  	v51 =	vmul.f32 $2.000000030e-01, v7  }
0x74: {  	vm11 =	vge.f32 v7, $0.0e+00  }
0x75: {  	v7 =	vsel vm11, v7, v51  }
0x76: {  	v7 =	vmul.f32 $1.442695020e+00, v7;
	_ =	sdelay $0x1  }
0x77: {  	(erf) = vpow2.f32 v7;
	_ =	sdelay $0x8  }
0x78: {  	v7 =	vpop (erf)  }
0x79: {  	[tilespmem:v8+s28+$0x0] =	vst.idx.add.f32.msk $0xffff, v7  }
0x7a: {  	v7 =	vld [tilespmem:s17+$0x78C0]  }
0x7b: {  	v8 =	vld [tilespmem:s17+$0xA0C0];
	_ =	sdelay $0x6  }
0x7c: {  	v7 =	vld.idx.msk [tilespmem:v7+s2+$0x0], $0xffff  }
0x7d: {  	v52 =	vld.idx.msk [tilespmem:v8+s23+$0x0], $0xffff;
	_ =	sdelay $0x1  }
0x7e: {  	v53 =	vld [tilespmem:s17+$0xC8C0];
	_ =	sdelay $0x2  }
0x7f: {  	v7 =	vadd.f32 v52, v7;
	_ =	sdelay $0x1  }
0x80: {  	v7 =	vadd.f32 v7, v53;
	_ =	sdelay $0x1  }
0x81: {  	v54 =	vmul.f32 $2.000000030e-01, v7  }
0x82: {  	vm12 =	vge.f32 v7, $0.0e+00  }
0x83: {  	v7 =	vsel vm12, v7, v54  }
0x84: {  	v7 =	vmul.f32 $1.442695020e+00, v7;
	_ =	sdelay $0x1  }
0x85: {  	(erf) = vpow2.f32 v7;
	_ =	sdelay $0x8  }
0x86: {  	v7 =	vpop (erf)  }
0x87: {  	[tilespmem:v8+s28+$0x0] =	vst.idx.add.f32.msk $0xffff, v7  }
0x88: {  	v7 =	vld [tilespmem:s17+$0x78D0]  }
0x89: {  	v8 =	vld [tilespmem:s17+$0xA0D0];
	_ =	sdelay $0x6  }
0x8a: {  	v7 =	vld.idx.msk [tilespmem:v7+s2+$0x0], $0xffff  }
0x8b: {  	v55 =	vld.idx.msk [tilespmem:v8+s23+$0x0], $0xffff;
	_ =	sdelay $0x1  }
0x8c: {  	v56 =	vld [tilespmem:s17+$0xC8D0];
	_ =	sdelay $0x2  }
0x8d: {  	v7 =	vadd.f32 v55, v7;
	_ =	sdelay $0x1  }
0x8e: {  	v7 =	vadd.f32 v7, v56;
	_ =	sdelay $0x1  }
0x8f: {  	v57 =	vmul.f32 $2.000000030e-01, v7  }
0x90: {  	vm13 =	vge.f32 v7, $0.0e+00  }
0x91: {  	v7 =	vsel vm13, v7, v57  }
0x92: {  	v7 =	vmul.f32 $1.442695020e+00, v7;
	_ =	sdelay $0x1  }
0x93: {  	(erf) = vpow2.f32 v7;
	_ =	sdelay $0x8  }
0x94: {  	v7 =	vpop (erf)  }
0x95: {  	[tilespmem:v8+s28+$0x0] =	vst.idx.add.f32.msk $0xffff, v7  }
0x96: {  	v7 =	vld [tilespmem:s17+$0x78E0]  }
0x97: {  	v8 =	vld [tilespmem:s17+$0xA0E0];
	_ =	sdelay $0x6  }
0x98: {  	v7 =	vld.idx.msk [tilespmem:v7+s2+$0x0], $0xffff  }
0x99: {  	v58 =	vld.idx.msk [tilespmem:v8+s23+$0x0], $0xffff;
	_ =	sdelay $0x1  }
0x9a: {  	v59 =	vld [tilespmem:s17+$0xC8E0];
	_ =	sdelay $0x2  }
0x9b: {  	v7 =	vadd.f32 v58, v7;
	_ =	sdelay $0x1  }
0x9c: {  	v7 =	vadd.f32 v7, v59;
	_ =	sdelay $0x1  }
0x9d: {  	v60 =	vmul.f32 $2.000000030e-01, v7  }
0x9e: {  	vm14 =	vge.f32 v7, $0.0e+00  }
0x9f: {  	v7 =	vsel vm14, v7, v60  }
0xa0: {  	v7 =	vmul.f32 $1.442695020e+00, v7;
	_ =	sdelay $0x1  }
0xa1: {  	(erf) = vpow2.f32 v7;
	_ =	sdelay $0x8  }
0xa2: {  	v7 =	vpop (erf)  }
0xa3: {  	[tilespmem:v8+s28+$0x0] =	vst.idx.add.f32.msk $0xffff, v7  }
0xa4: {  	v7 =	vld [tilespmem:s17+$0x78F0]  }
0xa5: {  	v8 =	vld [tilespmem:s17+$0xA0F0];
	_ =	sdelay $0x6  }
0xa6: {  	v7 =	vld.idx.msk [tilespmem:v7+s2+$0x0], $0xffff  }
0xa7: {  	v61 =	vld.idx.msk [tilespmem:v8+s23+$0x0], $0xffff;
	_ =	sdelay $0x1  }
0xa8: {  	v62 =	vld [tilespmem:s17+$0xC8F0];
	_ =	sdelay $0x2  }
0xa9: {  	v7 =	vadd.f32 v61, v7;
	_ =	sdelay $0x1  }
0xaa: {  	v7 =	vadd.f32 v7, v62;
	_ =	sdelay $0x1  }
0xab: {  	v63 =	vmul.f32 $2.000000030e-01, v7  }
0xac: {  	vm15 =	vge.f32 v7, $0.0e+00  }
0xad: {  	v7 =	vsel vm15, v7, v63  }
0xae: {  	v7 =	vmul.f32 $1.442695020e+00, v7;
	_ =	sdelay $0x1  }
0xaf: {  	(erf) = vpow2.f32 v7;
	_ =	sdelay $0x4  }
0xb0: {  	p1 =	sne.s32 s6, $0x9E00  }
.Ltmp2:
0xb1: {  	_ = 	snop;
	(pc) =	sbr.rel @p1 .LBB2_6-.Ltmp2, $3  }
0xb2: {  	_ =	sdelay $0x1  }
0xb3: {  	v7 =	vpop (erf)  }
0xb4: {  	s6 =	sadd.s32 $0x200, s6;
	[tilespmem:v8+s28+$0x0] =	vst.idx.add.f32.msk $0xffff, v7  }
0xb5: {  	s6 =	simm.s32 $0x0  }
0xb6: {  	[tilespmem:s20], [sflag:$0x1] =	stream.linear.gather [hbm4b:s13+s6], $0x2800, $0x38;
	[tilespmem:$0x1D240] =	vst v63  }
0xb7: {  	_ =	swait.ge [sflag:s22], $0x2800  }
0xb8: {  	[sflag:s22] =	ssyncset.done $0x0  }
0xb9: {  	[sflag:s22] =	ssyncadd.s32 $0xFFFFD800  }
0xba: {  	[tilespmem:s21], [sflag:$0x1] =	stream.linear.gather [hbm4b:s15+s6], $0x2800, $0x38;
	[tilespmem:$0x1D240] =	vst v63  }
0xbb: {  	_ =	swait.ge [sflag:s22], $0x2800  }
0xbc: {  	[sflag:s22] =	ssyncset.done $0x0  }
0xbd: {  	[sflag:s22] =	ssyncadd.s32 $0xFFFFD800  }
0xbe: {  	[tilespmem:s24], [sflag:$0x1] =	stream.linear.gather [hbm4b:s16+s6], $0x2800, $0x38;
	[tilespmem:$0x1D240] =	vst v63  }
0xbf: {  	_ =	swait.ge [sflag:s22], $0x2800  }
0xc0: {  	[sflag:s22] =	ssyncset.done $0x0  }
0xc1: {  	[sflag:s22] =	ssyncadd.s32 $0xFFFFD800  }
.LBB2_8:
0xc2: {  	s17 =	sshra.s32 s6, $0x2  }
0xc3: {  	v7 =	vld [tilespmem:s17+$0x7880]  }
0xc4: {  	v8 =	vld [tilespmem:s17+$0xA080];
	_ =	sdelay $0x6  }
0xc5: {  	v7 =	vld.idx.msk [tilespmem:v7+s2+$0x0], $0xffff  }
0xc6: {  	v9 =	vld.idx.msk [tilespmem:v8+s23+$0x0], $0xffff;
	_ =	sdelay $0x1  }
0xc7: {  	v10 =	vld [tilespmem:s17+$0xC880];
	_ =	sdelay $0x2  }
0xc8: {  	v7 =	vadd.f32 v9, v7;
	_ =	sdelay $0x1  }
0xc9: {  	v7 =	vadd.f32 v7, v10;
	_ =	sdelay $0x1  }
0xca: {  	v42 =	vmul.f32 $2.000000030e-01, v7  }
0xcb: {  	vm0 =	vge.f32 v7, $0.0e+00  }
0xcc: {  	v7 =	vsel vm0, v7, v42  }
0xcd: {  	v7 =	vmul.f32 $1.442695020e+00, v7;
	_ =	sdelay $0x1  }
0xce: {  	(erf) = vpow2.f32 v7;
	_ =	sdelay $0x8  }
0xcf: {  	v7 =	vpop (erf)  }
0xd0: {  	[tilespmem:v8+s28+$0x0] =	vst.idx.add.f32.msk $0xffff, v7  }
0xd1: {  	v7 =	vld [tilespmem:s17+$0x7890]  }
0xd2: {  	v8 =	vld [tilespmem:s17+$0xA090];
	_ =	sdelay $0x6  }
0xd3: {  	v7 =	vld.idx.msk [tilespmem:v7+s2+$0x0], $0xffff  }
0xd4: {  	v43 =	vld.idx.msk [tilespmem:v8+s23+$0x0], $0xffff;
	_ =	sdelay $0x1  }
0xd5: {  	v44 =	vld [tilespmem:s17+$0xC890];
	_ =	sdelay $0x2  }
0xd6: {  	v7 =	vadd.f32 v43, v7;
	_ =	sdelay $0x1  }
0xd7: {  	v7 =	vadd.f32 v7, v44;
	_ =	sdelay $0x1  }
0xd8: {  	v45 =	vmul.f32 $2.000000030e-01, v7  }
0xd9: {  	vm9 =	vge.f32 v7, $0.0e+00  }
0xda: {  	v7 =	vsel vm9, v7, v45  }
0xdb: {  	v7 =	vmul.f32 $1.442695020e+00, v7;
	_ =	sdelay $0x1  }
0xdc: {  	(erf) = vpow2.f32 v7;
	_ =	sdelay $0x8  }
0xdd: {  	v7 =	vpop (erf)  }
0xde: {  	[tilespmem:v8+s28+$0x0] =	vst.idx.add.f32.msk $0xffff, v7  }
0xdf: {  	v7 =	vld [tilespmem:s17+$0x78A0]  }
0xe0: {  	v8 =	vld [tilespmem:s17+$0xA0A0];
	_ =	sdelay $0x6  }
0xe1: {  	v7 =	vld.idx.msk [tilespmem:v7+s2+$0x0], $0xffff  }
0xe2: {  	v46 =	vld.idx.msk [tilespmem:v8+s23+$0x0], $0xffff;
	_ =	sdelay $0x1  }
0xe3: {  	v47 =	vld [tilespmem:s17+$0xC8A0];
	_ =	sdelay $0x2  }
0xe4: {  	v7 =	vadd.f32 v46, v7;
	_ =	sdelay $0x1  }
0xe5: {  	v7 =	vadd.f32 v7, v47;
	_ =	sdelay $0x1  }
0xe6: {  	v48 =	vmul.f32 $2.000000030e-01, v7  }
0xe7: {  	vm10 =	vge.f32 v7, $0.0e+00  }
0xe8: {  	v7 =	vsel vm10, v7, v48  }
0xe9: {  	v7 =	vmul.f32 $1.442695020e+00, v7;
	_ =	sdelay $0x1  }
0xea: {  	(erf) = vpow2.f32 v7;
	_ =	sdelay $0x8  }
0xeb: {  	v7 =	vpop (erf)  }
0xec: {  	[tilespmem:v8+s28+$0x0] =	vst.idx.add.f32.msk $0xffff, v7  }
0xed: {  	v7 =	vld [tilespmem:s17+$0x78B0]  }
0xee: {  	v8 =	vld [tilespmem:s17+$0xA0B0];
	_ =	sdelay $0x6  }
0xef: {  	v7 =	vld.idx.msk [tilespmem:v7+s2+$0x0], $0xffff  }
0xf0: {  	v49 =	vld.idx.msk [tilespmem:v8+s23+$0x0], $0xffff;
	_ =	sdelay $0x1  }
0xf1: {  	v50 =	vld [tilespmem:s17+$0xC8B0];
	_ =	sdelay $0x2  }
0xf2: {  	v7 =	vadd.f32 v49, v7;
	_ =	sdelay $0x1  }
0xf3: {  	v7 =	vadd.f32 v7, v50;
	_ =	sdelay $0x1  }
0xf4: {  	v51 =	vmul.f32 $2.000000030e-01, v7  }
0xf5: {  	vm11 =	vge.f32 v7, $0.0e+00  }
0xf6: {  	v7 =	vsel vm11, v7, v51  }
0xf7: {  	v7 =	vmul.f32 $1.442695020e+00, v7;
	_ =	sdelay $0x1  }
0xf8: {  	(erf) = vpow2.f32 v7;
	_ =	sdelay $0x8  }
0xf9: {  	v7 =	vpop (erf)  }
0xfa: {  	[tilespmem:v8+s28+$0x0] =	vst.idx.add.f32.msk $0xffff, v7  }
0xfb: {  	v7 =	vld [tilespmem:s17+$0x78C0]  }
0xfc: {  	v8 =	vld [tilespmem:s17+$0xA0C0];
	_ =	sdelay $0x6  }
0xfd: {  	v7 =	vld.idx.msk [tilespmem:v7+s2+$0x0], $0xffff  }
0xfe: {  	v52 =	vld.idx.msk [tilespmem:v8+s23+$0x0], $0xffff;
	_ =	sdelay $0x1  }
0xff: {  	v53 =	vld [tilespmem:s17+$0xC8C0];
	_ =	sdelay $0x2  }
0x100: {  	v7 =	vadd.f32 v52, v7;
	_ =	sdelay $0x1  }
0x101: {  	v7 =	vadd.f32 v7, v53;
	_ =	sdelay $0x1  }
0x102: {  	v54 =	vmul.f32 $2.000000030e-01, v7  }
0x103: {  	vm12 =	vge.f32 v7, $0.0e+00  }
0x104: {  	v7 =	vsel vm12, v7, v54  }
0x105: {  	v7 =	vmul.f32 $1.442695020e+00, v7;
	_ =	sdelay $0x1  }
0x106: {  	(erf) = vpow2.f32 v7;
	_ =	sdelay $0x8  }
0x107: {  	v7 =	vpop (erf)  }
0x108: {  	[tilespmem:v8+s28+$0x0] =	vst.idx.add.f32.msk $0xffff, v7  }
0x109: {  	v7 =	vld [tilespmem:s17+$0x78D0]  }
0x10a: {  	v8 =	vld [tilespmem:s17+$0xA0D0];
	_ =	sdelay $0x6  }
0x10b: {  	v7 =	vld.idx.msk [tilespmem:v7+s2+$0x0], $0xffff  }
0x10c: {  	v55 =	vld.idx.msk [tilespmem:v8+s23+$0x0], $0xffff;
	_ =	sdelay $0x1  }
0x10d: {  	v56 =	vld [tilespmem:s17+$0xC8D0];
	_ =	sdelay $0x2  }
0x10e: {  	v7 =	vadd.f32 v55, v7;
	_ =	sdelay $0x1  }
0x10f: {  	v7 =	vadd.f32 v7, v56;
	_ =	sdelay $0x1  }
0x110: {  	v57 =	vmul.f32 $2.000000030e-01, v7  }
0x111: {  	vm13 =	vge.f32 v7, $0.0e+00  }
0x112: {  	v7 =	vsel vm13, v7, v57  }
0x113: {  	v7 =	vmul.f32 $1.442695020e+00, v7;
	_ =	sdelay $0x1  }
0x114: {  	(erf) = vpow2.f32 v7;
	_ =	sdelay $0x8  }
0x115: {  	v7 =	vpop (erf)  }
0x116: {  	[tilespmem:v8+s28+$0x0] =	vst.idx.add.f32.msk $0xffff, v7  }
0x117: {  	v7 =	vld [tilespmem:s17+$0x78E0]  }
0x118: {  	v8 =	vld [tilespmem:s17+$0xA0E0];
	_ =	sdelay $0x6  }
0x119: {  	v7 =	vld.idx.msk [tilespmem:v7+s2+$0x0], $0xffff  }
0x11a: {  	v58 =	vld.idx.msk [tilespmem:v8+s23+$0x0], $0xffff;
	_ =	sdelay $0x1  }
0x11b: {  	v59 =	vld [tilespmem:s17+$0xC8E0];
	_ =	sdelay $0x2  }
0x11c: {  	v7 =	vadd.f32 v58, v7;
	_ =	sdelay $0x1  }
0x11d: {  	v7 =	vadd.f32 v7, v59;
	_ =	sdelay $0x1  }
0x11e: {  	v60 =	vmul.f32 $2.000000030e-01, v7  }
0x11f: {  	vm14 =	vge.f32 v7, $0.0e+00  }
0x120: {  	v7 =	vsel vm14, v7, v60  }
0x121: {  	v7 =	vmul.f32 $1.442695020e+00, v7;
	_ =	sdelay $0x1  }
0x122: {  	(erf) = vpow2.f32 v7;
	_ =	sdelay $0x8  }
0x123: {  	v7 =	vpop (erf)  }
0x124: {  	[tilespmem:v8+s28+$0x0] =	vst.idx.add.f32.msk $0xffff, v7  }
0x125: {  	v7 =	vld [tilespmem:s17+$0x78F0]  }
0x126: {  	v8 =	vld [tilespmem:s17+$0xA0F0];
	_ =	sdelay $0x6  }
0x127: {  	v7 =	vld.idx.msk [tilespmem:v7+s2+$0x0], $0xffff  }
0x128: {  	v61 =	vld.idx.msk [tilespmem:v8+s23+$0x0], $0xffff;
	_ =	sdelay $0x1  }
0x129: {  	v62 =	vld [tilespmem:s17+$0xC8F0];
	_ =	sdelay $0x2  }
0x12a: {  	v7 =	vadd.f32 v61, v7;
	_ =	sdelay $0x1  }
0x12b: {  	v7 =	vadd.f32 v7, v62;
	_ =	sdelay $0x1  }
0x12c: {  	v63 =	vmul.f32 $2.000000030e-01, v7  }
0x12d: {  	vm15 =	vge.f32 v7, $0.0e+00  }
0x12e: {  	v7 =	vsel vm15, v7, v63  }
0x12f: {  	v7 =	vmul.f32 $1.442695020e+00, v7;
	_ =	sdelay $0x1  }
0x130: {  	(erf) = vpow2.f32 v7;
	_ =	sdelay $0x4  }
0x131: {  	p1 =	sne.s32 s6, $0x9E00  }
.Ltmp3:
0x132: {  	_ = 	snop;
	(pc) =	sbr.rel @p1 .LBB2_8-.Ltmp3, $3  }
0x133: {  	_ =	sdelay $0x1  }
0x134: {  	v7 =	vpop (erf)  }
0x135: {  	s6 =	sadd.s32 $0x200, s6;
	[tilespmem:v8+s28+$0x0] =	vst.idx.add.f32.msk $0xffff, v7  }
0x136: {  	[bflag:$0x0] =	sbarrier.arrive @p0 $0xFFFF  }
0x137: {  	s6 =	simm.s32 @p0 $0x50;
	s17 =	simm.s32 @p0 $0x7800;
	s18 =	simm.s32 @p0 $0x5000  }
0x138: {  	[spmem:s1] =	stream.indirect.scatter.add.f32 @p0 [tilespmem:s18], [sflag:$0x1], $0x80, s17, s6, $0xb8;
	[tilespmem:$0x1D240] =	vst v63  }
0x139: {  	s6 =	simm.s32 @p0 $0x1  }
0x13a: {  	_ =	swait.ge @p0 [sflag:s6], $0x2800  }
0x13b: {  	[sflag:s6] =	ssyncset.done @p0 $0x0  }
0x13c: {  	[sflag:s6] =	ssyncadd.s32 @p0 $0xFFFFD800;
	s6 =	simm.s32 @!p0 $0x5000  }
0x13d: {  	[spmem:s1] =	stream.linear.scatter @!p0 [tilespmem:s6], [sflag:$0x1], $0x2800, $0x38;
	[tilespmem:$0x1D240] =	vst v63  }
0x13e: {  	s6 =	simm.s32 @!p0 $0x1  }
0x13f: {  	_ =	swait.ge @!p0 [sflag:s6], $0x2800  }
0x140: {  	[sflag:s6] =	ssyncset.done @!p0 $0x0  }
0x141: {  	[sflag:s6] =	ssyncadd.s32 @!p0 $0xFFFFD800  }
0x142: {  	[bflag:$0x0] =	sbarrier.arrive @!p0 $0xFFFF  }
0x143: {  	[bflag:$0x0] =	sbarrier.arrive $0xFFFF  }
0x144: {  	[tilespmem:s28], [sflag:$0x1] =	stream.linear.gather [spmem:s1], $0x2800, $0x38;
	[tilespmem:$0x1D240] =	vst v63  }
0x145: {  	_ =	swait.ge [sflag:s22], $0x2800  }
0x146: {  	[sflag:s22] =	ssyncset.done $0x0  }
0x147: {  	[sflag:s22] =	ssyncadd.s32 $0xFFFFD800  }
0x148: {  	[bflag:$0x0] =	sbarrier.arrive $0xFFFF  }
0x149: {  	[spmem:s14] =	stream.linear.scatter [tilespmem:s29], [sflag:$0x1], $0x4000, $0x38;
	[tilespmem:$0x1D240] =	vst v63  }
0x14a: {  	_ =	swait.ge [sflag:s22], $0x4000  }
0x14b: {  	[sflag:s22] =	ssyncset.done $0x0  }
0x14c: {  	s25 =	rddreg [dreg:$0x6];
	[sflag:s22] =	ssyncadd.s32 $0xFFFFC000  }
0x14d: {  	[spmem:s25] =	stream.linear.scatter [tilespmem:s29], [sflag:$0x1], $0x4000, $0x38;
	[tilespmem:$0x1D240] =	vst v63  }
0x14e: {  	_ =	swait.ge [sflag:s22], $0x4000  }
0x14f: {  	[sflag:s22] =	ssyncset.done $0x0  }
0x150: {  	s26 =	rddreg [dreg:$0x7];
	[sflag:s22] =	ssyncadd.s32 $0xFFFFC000  }
0x151: {  	[spmem:s26] =	stream.linear.scatter [tilespmem:s29], [sflag:$0x1], $0x2000, $0x38;
	[tilespmem:$0x1D240] =	vst v63  }
0x152: {  	_ =	swait.ge [sflag:s22], $0x2000  }
0x153: {  	[sflag:s22] =	ssyncset.done $0x0  }
0x154: {  	s17 =	simm.s32 @!p0 $0xF200;
	s18 =	rddreg [dreg:$0x8];
	[sflag:s22] =	ssyncadd.s32 $0xFFFFE000  }
0x155: {  	[spmem:s18] =	stream.linear.scatter @!p0 [tilespmem:s17], [sflag:$0x1], $0x400, $0x38;
	[tilespmem:$0x1D240] =	vst v63  }
0x156: {  	_ =	swait.ge @!p0 [sflag:s6], $0x400  }
0x157: {  	[sflag:s6] =	ssyncset.done @!p0 $0x0  }
0x158: {  	[sflag:s6] =	ssyncadd.s32 @!p0 $0xFFFFFC00  }
0x159: {  	s24 =	simm.s32 $0x7880;
	s6 =	simm.s32 $0x0;
	[bflag:$0x0] =	sbarrier.arrive $0xFFFF  }
0x15a: {  	[tilespmem:s24], [sflag:$0x1] =	stream.linear.gather [hbm4b:s9+s6], $0x2800, $0x38;
	[tilespmem:$0x1D240] =	vst v63  }
0x15b: {  	_ =	swait.ge [sflag:s22], $0x2800  }
0x15c: {  	[sflag:s22] =	ssyncset.done $0x0  }
0x15d: {  	s25 =	simm.s32 $0xA080;
	[sflag:s22] =	ssyncadd.s32 $0xFFFFD800  }
0x15e: {  	[tilespmem:s25], [sflag:$0x1] =	stream.linear.gather [hbm4b:s11+s6], $0x2800, $0x38;
	[tilespmem:$0x1D240] =	vst v63  }
0x15f: {  	_ =	swait.ge [sflag:s22], $0x2800  }
0x160: {  	[sflag:s22] =	ssyncset.done $0x0  }
0x161: {  	s26 =	simm.s32 $0xC880;
	[sflag:s22] =	ssyncadd.s32 $0xFFFFD800  }
0x162: {  	[tilespmem:s26], [sflag:$0x1] =	stream.linear.gather [hbm4b:s12+s6], $0x2800, $0x38;
	[tilespmem:$0x1D240] =	vst v63  }
0x163: {  	_ =	swait.ge [sflag:s22], $0x2800  }
0x164: {  	[sflag:s22] =	ssyncset.done $0x0  }
0x165: {  	s17 =	simm.s32 $0x0;
	[sflag:s22] =	ssyncadd.s32 $0xFFFFD800  }
.LBB2_10:
0x166: {  	s18 =	sadd.s32 s8, s17;
	s19 =	sshll.u32 s17, $0x4  }
0x167: {  	s18 =	sshll.u32 s18, $0x4;
	s19 =	sand.u32 $0x70, s19  }
0x168: {  	s18 =	sand.u32 $0x1FF80, s18;
	s19 =	sadd.s32 s4, s19  }
0x169: {  	s18 =	sadd.s32 s18, s19  }
0x16a: {  	[tilespmem:s30], [sflag:$0x1] =	stream.linear.gather [hbm4b:s18+s6], $0x80, $0x38;
	[tilespmem:$0x1D240] =	vst v63  }
0x16b: {  	_ =	swait.ge [sflag:s22], $0x80  }
0x16c: {  	[sflag:s22] =	ssyncset.done $0x0  }
0x16d: {  	v7 =	vmov s24;
	[sflag:s22] =	ssyncadd.s32 $0xFFFFFF80  }
0x16e: {  	v9 =	vmov s25;
	[tilespmem:s29], [sflag:$0x1] =	stream.indirect.gather [hbm4b:s7+s31], $0x80, s30, s31, $0xb8;
	[tilespmem:$0x1D240] =	vst v63  }
0x16f: {  	v8 =	vmov s26;
	_ =	swait.ge [sflag:s22], $0x4000  }
0x170: {  	[sflag:s22] =	ssyncset.done $0x0  }
0x171: {  	s18 =	simm.s32 $0x0;
	[sflag:s22] =	ssyncadd.s32 $0xFFFFC000  }
0x172: {  	s20 =	simm.s32 $0x40;
	v10 =	vld.idx.msk [tilespmem:v7+s18+$0x0 ss:$0x1], $0xffff  }
.LBB2_11:
0x173: {  	p1 =	sne.s32 s20, $0x1C0;
	v11 =	vld.idx.msk [tilespmem:v9+s18+$0x0 ss:$0x1], $0xffff  }
0x174: {  	v12 =	vld.idx.msk [tilespmem:v8+s18+$0x0 ss:$0x1], $0xffff;
	_ =	sdelay $0x4  }
0x175: {  	s19 =	simm.s32 $0x0;
	v13 =	vsub.s32 v11, v1  }
0x176: {  	v13 =	vmin.u32 v13, $0x1400;
	v10 =	vld.idx.msk [tilespmem:v10+s19+$0x0], $0xffff  }
0x177: {  	v14 =	vld.idx.msk [tilespmem:v11+s23+$0x0], $0xffff;
	_ =	sdelay $0x5  }
0x178: {  	v10 =	vadd.f32 v14, v10;
	v11 =	vld.idx.msk [tilespmem:v11+s28+$0x0], $0xffff;
	[tilespmem:s18+$0xF100] =	vst v13;
	_ =	sdelay $0x1  }
0x179: {  	v10 =	vadd.f32 v10, v12;
	_ =	sdelay $0x1  }
0x17a: {  	v12 =	vmul.f32 $2.000000030e-01, v10  }
0x17b: {  	vm0 =	vge.f32 v10, $0.0e+00  }
0x17c: {  	v10 =	vsel vm0, v10, v12;
	v11 =	vadd.f32 $1.000000020e-16, v11  }
0x17d: {  	v10 =	vmul.f32 $1.442695020e+00, v10  }
0x17e: {  	(erf) = vrcp.f32 v11  }
0x17f: {  	(erf) = vpow2.f32 v10;
	_ =	sdelay $0x7  }
0x180: {  	v10 =	vpop (erf)  }
.Ltmp4:
0x181: {  	v11 =	vpop (erf);
	(pc) =	sbr.rel @p1 .LBB2_11-.Ltmp4, $3  }
0x182: {  	v10 =	vmul.f32 v11, v10;
	_ =	sdelay $0x1  }
0x183: {  	[tilespmem:s18+$0xF180] =	vst v10;
	s18 =	sshra.s32 s20, $0x2  }
0x184: {  	s20 =	sadd.s32 $0x40, s20;
	v10 =	vld.idx.msk [tilespmem:v7+s18+$0x0 ss:$0x1], $0xffff  }
0x185: {  	_ =	sdelay $0x3  }
0x186: {  	v7 =	vld.idx.msk [tilespmem:v9+s18+$0x0 ss:$0x1], $0xffff;
	_ =	sdelay $0x6  }
0x187: {  	v9 =	vld.idx.msk [tilespmem:v10+s19+$0x0], $0xffff  }
0x188: {  	v10 =	vld.idx.msk [tilespmem:v7+s23+$0x0], $0xffff;
	_ =	sdelay $0x1  }
0x189: {  	v8 =	vld.idx.msk [tilespmem:v8+s18+$0x0 ss:$0x1], $0xffff;
	_ =	sdelay $0x2  }
0x18a: {  	v9 =	vadd.f32 v10, v9  }
0x18b: {  	v10 =	vld.idx.msk [tilespmem:v7+s28+$0x0], $0xffff  }
0x18c: {  	v8 =	vadd.f32 v9, v8;
	_ =	sdelay $0x1  }
0x18d: {  	v9 =	vmul.f32 $2.000000030e-01, v8  }
0x18e: {  	vm0 =	vge.f32 v8, $0.0e+00  }
0x18f: {  	v8 =	vsel vm0, v8, v9;
	v9 =	vadd.f32 $1.000000020e-16, v10  }
0x190: {  	v8 =	vmul.f32 $1.442695020e+00, v8  }
0x191: {  	(erf) = vrcp.f32 v9  }
0x192: {  	(erf) = vpow2.f32 v8;
	_ =	sdelay $0x7  }
0x193: {  	v8 =	vpop (erf)  }
0x194: {  	v7 =	vsub.s32 v7, v1;
	v9 =	vpop (erf)  }
0x195: {  	v7 =	vmin.u32 v7, $0x1400;
	v8 =	vmul.f32 v9, v8  }
0x196: {  	[tilespmem:s18+$0xF100] =	vst v7;
	v7 =	vmov s19  }
0x197: {  	[tilespmem:s18+$0xF180] =	vst v8;
	s18 =	simm.s32 $0xF240  }
0x198: {  	v11 =	vld [tilespmem:s18+$0x30]  }
0x199: {  	v14 =	vld [tilespmem:s18+$0x10]  }
0x19a: {  	v12 =	vld [tilespmem:s18+$0xFFFFFFC0]  }
0x19b: {  	v8 =	vld.idx.msk [tilespmem:v7+s0+$0x0], $0xffff  }
0x19c: {  	v16 =	vld [tilespmem:s18+$0xFFFFFFE0]  }
0x19d: {  	v7 =	vld [tilespmem:s18+$0xFFFFFFF0]  }
0x19e: {  	v9 =	vld [tilespmem:s18+$0x20]  }
0x19f: {  	v10 =	vld [tilespmem:s18+$0xFFFFFFD0]  }
0x1a0: {  	v15 =	vmul.f32 v11, v8;
	v11 =	vld [tilespmem:s18+$0x0]  }
0x1a1: {  	v13 =	vmul.f32 v12, v8  }
0x1a2: {  	s20 =	simm.s32 $0xF240;
	s19 =	simm.s32 $0x1;
	v12 =	vmul.f32 v16, v8;
	v14 =	vmul.f32 v14, v8  }
.LBB2_13:
0x1a3: {  	p1 =	sne.s32 s19, $0x7F  }
0x1a4: {  	v10 =	vmul.f32 v10, v8;
	v9 =	vmul.f32 v9, v8;
	[tilespmem:s18+$0x30] =	vst v15;
	s20 =	sadd.s32 $0x80, s20;
	s21 =	smov.u32 s19;
	s19 =	sadd.s32 $0x1, s19  }
0x1a5: {  	[tilespmem:s18+$0xFFFFFFC0] =	vst v13;
	v13 =	vmul.f32 v7, v8;
	v8 =	vmul.f32 v11, v8  }
0x1a6: {  	[tilespmem:s18+$0x10] =	vst v14  }
0x1a7: {  	v11 =	vmov s21;
	[tilespmem:s18+$0xFFFFFFE0] =	vst v12  }
0x1a8: {  	v7 =	vld [tilespmem:s20+$0xFFFFFFF0];
	[tilespmem:s18+$0xFFFFFFF0] =	vst v13  }
0x1a9: {  	v12 =	vld [tilespmem:s20+$0x30];
	[tilespmem:s18+$0x0] =	vst v8  }
0x1aa: {  	v14 =	vld [tilespmem:s20+$0x10];
	[tilespmem:s18+$0x20] =	vst v9  }
0x1ab: {  	v13 =	vld [tilespmem:s20+$0xFFFFFFC0];
	[tilespmem:s18+$0xFFFFFFD0] =	vst v10;
	s18 =	smov.u32 s20  }
0x1ac: {  	v8 =	vld.idx.msk [tilespmem:v11+s0+$0x0], $0xffff  }
0x1ad: {  	v16 =	vld [tilespmem:s20+$0xFFFFFFE0]  }
0x1ae: {  	v9 =	vld [tilespmem:s20+$0x20]  }
.Ltmp5:
0x1af: {  	v10 =	vld [tilespmem:s20+$0xFFFFFFD0];
	(pc) =	sbr.rel @p1 .LBB2_13-.Ltmp5, $3  }
0x1b0: {  	v11 =	vld [tilespmem:s20+$0x0];
	_ =	sdelay $0x1  }
0x1b1: {  	v13 =	vmul.f32 v13, v8;
	v15 =	vmul.f32 v12, v8  }
0x1b2: {  	v14 =	vmul.f32 v14, v8;
	v12 =	vmul.f32 v16, v8  }
0x1b3: {  	[tilespmem:s18+$0x30] =	vst v15  }
0x1b4: {  	[tilespmem:s18+$0xFFFFFFC0] =	vst v13  }
0x1b5: {  	v7 =	vmul.f32 v7, v8;
	[tilespmem:s18+$0x10] =	vst v14  }
0x1b6: {  	v9 =	vmul.f32 v9, v8;
	[tilespmem:s18+$0xFFFFFFE0] =	vst v12  }
0x1b7: {  	v11 =	vmul.f32 v11, v8;
	[tilespmem:s18+$0xFFFFFFF0] =	vst v7  }
0x1b8: {  	s17 =	sadd.s32 $0x1, s17;
	v7 =	vmul.f32 v10, v8;
	[tilespmem:s18+$0x20] =	vst v9  }
0x1b9: {  	p1 =	sne.s32 s17, $0x50;
	[tilespmem:s18+$0x0] =	vst v11  }
.Ltmp6:
0x1ba: {  	[tilespmem:s18+$0xFFFFFFD0] =	vst v7;
	(pc) =	sbr.rel @p1 .LBB2_10-.Ltmp6, $4  }
0x1bb: {  	[spmem:s1] =	stream.indirect.scatter.add.f32 [tilespmem:s29], [sflag:$0x1], $0x80, s3, s31, $0xb8;
	[tilespmem:$0x1D240] =	vst v63  }
0x1bc: {  	_ =	swait.ge [sflag:s22], $0x4000  }
0x1bd: {  	s26 =	sadd.s32 $0x80, s26;
	[sflag:s22] =	ssyncset.done $0x0  }
0x1be: {  	s25 =	sadd.s32 $0x80, s25;
	s24 =	sadd.s32 $0x80, s24;
	[sflag:s22] =	ssyncadd.s32 $0xFFFFC000  }
0x1bf: {  	s6 =	simm.s32 $0x0;
	s24 =	simm.s32 $0x7880  }
0x1c0: {  	[tilespmem:s24], [sflag:$0x1] =	stream.linear.gather [hbm4b:s13+s6], $0x2800, $0x38;
	[tilespmem:$0x1D240] =	vst v63  }
0x1c1: {  	_ =	swait.ge [sflag:s22], $0x2800  }
0x1c2: {  	[sflag:s22] =	ssyncset.done $0x0  }
0x1c3: {  	s25 =	simm.s32 $0xA080;
	[sflag:s22] =	ssyncadd.s32 $0xFFFFD800  }
0x1c4: {  	[tilespmem:s25], [sflag:$0x1] =	stream.linear.gather [hbm4b:s15+s6], $0x2800, $0x38;
	[tilespmem:$0x1D240] =	vst v63  }
0x1c5: {  	_ =	swait.ge [sflag:s22], $0x2800  }
0x1c6: {  	[sflag:s22] =	ssyncset.done $0x0  }
0x1c7: {  	s26 =	simm.s32 $0xC880;
	[sflag:s22] =	ssyncadd.s32 $0xFFFFD800  }
0x1c8: {  	[tilespmem:s26], [sflag:$0x1] =	stream.linear.gather [hbm4b:s16+s6], $0x2800, $0x38;
	[tilespmem:$0x1D240] =	vst v63  }
0x1c9: {  	_ =	swait.ge [sflag:s22], $0x2800  }
0x1ca: {  	[sflag:s22] =	ssyncset.done $0x0  }
0x1cb: {  	s17 =	simm.s32 $0x0;
	[sflag:s22] =	ssyncadd.s32 $0xFFFFD800  }
.LBB2_16:
0x1cc: {  	s18 =	sadd.s32 s10, s17;
	s19 =	sshll.u32 s17, $0x4  }
0x1cd: {  	s18 =	sshll.u32 s18, $0x4;
	s19 =	sand.u32 $0x70, s19  }
0x1ce: {  	s18 =	sand.u32 $0x3FF80, s18;
	s19 =	sadd.s32 s4, s19  }
0x1cf: {  	s18 =	sadd.s32 s18, s19  }
0x1d0: {  	[tilespmem:s30], [sflag:$0x1] =	stream.linear.gather [hbm4b:s18+s6], $0x80, $0x38;
	[tilespmem:$0x1D240] =	vst v63  }
0x1d1: {  	_ =	swait.ge [sflag:s22], $0x80  }
0x1d2: {  	[sflag:s22] =	ssyncset.done $0x0  }
0x1d3: {  	v7 =	vmov s24;
	[sflag:s22] =	ssyncadd.s32 $0xFFFFFF80  }
0x1d4: {  	v9 =	vmov s25;
	[tilespmem:s29], [sflag:$0x1] =	stream.indirect.gather [hbm4b:s7+s31], $0x80, s30, s31, $0xb8;
	[tilespmem:$0x1D240] =	vst v63  }
0x1d5: {  	v8 =	vmov s26;
	_ =	swait.ge [sflag:s22], $0x4000  }
0x1d6: {  	[sflag:s22] =	ssyncset.done $0x0  }
0x1d7: {  	s18 =	simm.s32 $0x0;
	[sflag:s22] =	ssyncadd.s32 $0xFFFFC000  }
0x1d8: {  	s20 =	simm.s32 $0x40;
	v10 =	vld.idx.msk [tilespmem:v7+s18+$0x0 ss:$0x1], $0xffff  }
.LBB2_17:
0x1d9: {  	p1 =	sne.s32 s20, $0x1C0;
	v11 =	vld.idx.msk [tilespmem:v9+s18+$0x0 ss:$0x1], $0xffff  }
0x1da: {  	v12 =	vld.idx.msk [tilespmem:v8+s18+$0x0 ss:$0x1], $0xffff;
	_ =	sdelay $0x4  }
0x1db: {  	s19 =	simm.s32 $0x0;
	v13 =	vsub.s32 v11, v1  }
0x1dc: {  	v13 =	vmin.u32 v13, $0x1400;
	v10 =	vld.idx.msk [tilespmem:v10+s19+$0x0], $0xffff  }
0x1dd: {  	v14 =	vld.idx.msk [tilespmem:v11+s23+$0x0], $0xffff;
	_ =	sdelay $0x5  }
0x1de: {  	v10 =	vadd.f32 v14, v10;
	v11 =	vld.idx.msk [tilespmem:v11+s28+$0x0], $0xffff;
	[tilespmem:s18+$0xF100] =	vst v13;
	_ =	sdelay $0x1  }
0x1df: {  	v10 =	vadd.f32 v10, v12;
	_ =	sdelay $0x1  }
0x1e0: {  	v12 =	vmul.f32 $2.000000030e-01, v10  }
0x1e1: {  	vm0 =	vge.f32 v10, $0.0e+00  }
0x1e2: {  	v10 =	vsel vm0, v10, v12;
	v11 =	vadd.f32 $1.000000020e-16, v11  }
0x1e3: {  	v10 =	vmul.f32 $1.442695020e+00, v10  }
0x1e4: {  	(erf) = vrcp.f32 v11  }
0x1e5: {  	(erf) = vpow2.f32 v10;
	_ =	sdelay $0x7  }
0x1e6: {  	v10 =	vpop (erf)  }
.Ltmp7:
0x1e7: {  	v11 =	vpop (erf);
	(pc) =	sbr.rel @p1 .LBB2_17-.Ltmp7, $3  }
0x1e8: {  	v10 =	vmul.f32 v11, v10;
	_ =	sdelay $0x1  }
0x1e9: {  	[tilespmem:s18+$0xF180] =	vst v10;
	s18 =	sshra.s32 s20, $0x2  }
0x1ea: {  	s20 =	sadd.s32 $0x40, s20;
	v10 =	vld.idx.msk [tilespmem:v7+s18+$0x0 ss:$0x1], $0xffff  }
0x1eb: {  	_ =	sdelay $0x3  }
0x1ec: {  	v7 =	vld.idx.msk [tilespmem:v9+s18+$0x0 ss:$0x1], $0xffff;
	_ =	sdelay $0x6  }
0x1ed: {  	v9 =	vld.idx.msk [tilespmem:v10+s19+$0x0], $0xffff  }
0x1ee: {  	v10 =	vld.idx.msk [tilespmem:v7+s23+$0x0], $0xffff;
	_ =	sdelay $0x1  }
0x1ef: {  	v8 =	vld.idx.msk [tilespmem:v8+s18+$0x0 ss:$0x1], $0xffff;
	_ =	sdelay $0x2  }
0x1f0: {  	v9 =	vadd.f32 v10, v9  }
0x1f1: {  	v10 =	vld.idx.msk [tilespmem:v7+s28+$0x0], $0xffff  }
0x1f2: {  	v8 =	vadd.f32 v9, v8;
	_ =	sdelay $0x1  }
0x1f3: {  	v9 =	vmul.f32 $2.000000030e-01, v8  }
0x1f4: {  	vm0 =	vge.f32 v8, $0.0e+00  }
0x1f5: {  	v8 =	vsel vm0, v8, v9;
	v9 =	vadd.f32 $1.000000020e-16, v10  }
0x1f6: {  	v8 =	vmul.f32 $1.442695020e+00, v8  }
0x1f7: {  	(erf) = vrcp.f32 v9  }
0x1f8: {  	(erf) = vpow2.f32 v8;
	_ =	sdelay $0x7  }
0x1f9: {  	v8 =	vpop (erf)  }
0x1fa: {  	v7 =	vsub.s32 v7, v1;
	v9 =	vpop (erf)  }
0x1fb: {  	v7 =	vmin.u32 v7, $0x1400;
	v8 =	vmul.f32 v9, v8  }
0x1fc: {  	[tilespmem:s18+$0xF100] =	vst v7;
	v7 =	vmov s19  }
0x1fd: {  	[tilespmem:s18+$0xF180] =	vst v8;
	s18 =	simm.s32 $0xF240  }
0x1fe: {  	v11 =	vld [tilespmem:s18+$0x30]  }
0x1ff: {  	v14 =	vld [tilespmem:s18+$0x10]  }
0x200: {  	v12 =	vld [tilespmem:s18+$0xFFFFFFC0]  }
0x201: {  	v8 =	vld.idx.msk [tilespmem:v7+s0+$0x0], $0xffff  }
0x202: {  	v16 =	vld [tilespmem:s18+$0xFFFFFFE0]  }
0x203: {  	v7 =	vld [tilespmem:s18+$0xFFFFFFF0]  }
0x204: {  	v9 =	vld [tilespmem:s18+$0x20]  }
0x205: {  	v10 =	vld [tilespmem:s18+$0xFFFFFFD0]  }
0x206: {  	v15 =	vmul.f32 v11, v8;
	v11 =	vld [tilespmem:s18+$0x0]  }
0x207: {  	v13 =	vmul.f32 v12, v8  }
0x208: {  	s20 =	simm.s32 $0xF240;
	s19 =	simm.s32 $0x1;
	v12 =	vmul.f32 v16, v8;
	v14 =	vmul.f32 v14, v8  }
.LBB2_19:
0x209: {  	p1 =	sne.s32 s19, $0x7F  }
0x20a: {  	v10 =	vmul.f32 v10, v8;
	v9 =	vmul.f32 v9, v8;
	[tilespmem:s18+$0x30] =	vst v15;
	s20 =	sadd.s32 $0x80, s20;
	s21 =	smov.u32 s19;
	s19 =	sadd.s32 $0x1, s19  }
0x20b: {  	[tilespmem:s18+$0xFFFFFFC0] =	vst v13;
	v13 =	vmul.f32 v7, v8;
	v8 =	vmul.f32 v11, v8  }
0x20c: {  	[tilespmem:s18+$0x10] =	vst v14  }
0x20d: {  	v11 =	vmov s21;
	[tilespmem:s18+$0xFFFFFFE0] =	vst v12  }
0x20e: {  	v7 =	vld [tilespmem:s20+$0xFFFFFFF0];
	[tilespmem:s18+$0xFFFFFFF0] =	vst v13  }
0x20f: {  	v12 =	vld [tilespmem:s20+$0x30];
	[tilespmem:s18+$0x0] =	vst v8  }
0x210: {  	v14 =	vld [tilespmem:s20+$0x10];
	[tilespmem:s18+$0x20] =	vst v9  }
0x211: {  	v13 =	vld [tilespmem:s20+$0xFFFFFFC0];
	[tilespmem:s18+$0xFFFFFFD0] =	vst v10;
	s18 =	smov.u32 s20  }
0x212: {  	v8 =	vld.idx.msk [tilespmem:v11+s0+$0x0], $0xffff  }
0x213: {  	v16 =	vld [tilespmem:s20+$0xFFFFFFE0]  }
0x214: {  	v9 =	vld [tilespmem:s20+$0x20]  }
.Ltmp8:
0x215: {  	v10 =	vld [tilespmem:s20+$0xFFFFFFD0];
	(pc) =	sbr.rel @p1 .LBB2_19-.Ltmp8, $3  }
0x216: {  	v11 =	vld [tilespmem:s20+$0x0];
	_ =	sdelay $0x1  }
0x217: {  	v13 =	vmul.f32 v13, v8;
	v15 =	vmul.f32 v12, v8  }
0x218: {  	v14 =	vmul.f32 v14, v8;
	v12 =	vmul.f32 v16, v8  }
0x219: {  	[tilespmem:s18+$0x30] =	vst v15  }
0x21a: {  	[tilespmem:s18+$0xFFFFFFC0] =	vst v13  }
0x21b: {  	v7 =	vmul.f32 v7, v8;
	[tilespmem:s18+$0x10] =	vst v14  }
0x21c: {  	v9 =	vmul.f32 v9, v8;
	[tilespmem:s18+$0xFFFFFFE0] =	vst v12  }
0x21d: {  	v11 =	vmul.f32 v11, v8;
	[tilespmem:s18+$0xFFFFFFF0] =	vst v7  }
0x21e: {  	s17 =	sadd.s32 $0x1, s17;
	v7 =	vmul.f32 v10, v8;
	[tilespmem:s18+$0x20] =	vst v9  }
0x21f: {  	p1 =	sne.s32 s17, $0x50;
	[tilespmem:s18+$0x0] =	vst v11  }
.Ltmp9:
0x220: {  	[tilespmem:s18+$0xFFFFFFD0] =	vst v7;
	(pc) =	sbr.rel @p1 .LBB2_16-.Ltmp9, $4  }
0x221: {  	[spmem:s1] =	stream.indirect.scatter.add.f32 [tilespmem:s29], [sflag:$0x1], $0x80, s3, s31, $0xb8;
	[tilespmem:$0x1D240] =	vst v63  }
0x222: {  	_ =	swait.ge [sflag:s22], $0x4000  }
0x223: {  	s26 =	sadd.s32 $0x80, s26;
	[sflag:s22] =	ssyncset.done $0x0  }
0x224: {  	s25 =	sadd.s32 $0x80, s25;
	s24 =	sadd.s32 $0x80, s24;
	[sflag:s22] =	ssyncadd.s32 $0xFFFFC000  }
0x225: {  	s6 =	stileid.u32  }
0x226: {  	[bflag:$0x0] =	sbarrier.arrive $0xFFFF;
	s6 =	sshll.u32 s6, $0x6  }
0x227: {  	s17 =	sshrl.u32 s14, $0x3;
	s18 =	rddreg [dreg:$0x9];
	s6 =	sor.u32 $0x1C01, s6  }
0x228: {  	[hbm:s18], [sflag:s6] =	dma.local [spmem:s17], $0x1400  }
0x229: {  	_ =	swait.ge [sflag:s22], $0x1400  }
0x22a: {  	s5 =	sadd.s32 $0x1, s5;
	s26 =	rddreg [dreg:$0xa]  }
0x22b: {  	p1 =	sne.s32 s5, s26  }
.Ltmp10:
0x22c: {  	_ = 	snop;
	(pc) =	sbr.rel @p1 .LBB2_1-.Ltmp10, $3  }
0x22d: {  	_ =	sdelay $0x1  }
0x22e: {  	s20 =	simm.s32 $0x7880;
	[sflag:s22] =	ssyncset.done $0x0  }
0x22f: {  	s21 =	simm.s32 $0xA080;
	s24 =	simm.s32 $0xC880;
	[sflag:s22] =	ssyncadd.s32 $0xFFFFEC00  }
0x230: {  	_ =	sfence.sel $0x180000  }
0x231: {  	[bflag:$0x0] =	sbarrier.arrive $0xFFFF  }
0x232: {  	_ =	strace $0x90000047  }
0x233: {  	[bflag:$0x2] =	sbarrier.arrive $0xFFFF  }
0x234: {  	s0 =	rddreg [dreg:$0x3]  }
0x235: {  	s0 =	sadd.s32 @!p0 $0x100000, s0  }
0x236: {  	[sflag:s0] =	ssyncadd.tile.s32 @!p0 $0x1;
	_ =	shalt  }
.Lfunc_end2:
_tile_overlayer_lowered:
.L_overlay_start_2:
0x237: {  	(tag) =	ssettag $0x2  }
0x238: {  	s0 =	rddreg [dreg:$0x0];
	s2 =	stileid.u32  }
0x239: {  	s1 =	rddreg [dreg:$0x1];
	p0 =	sne.s32 s2, $0x0  }
0x23a: {  	s3 =	rddreg [dreg:$0x2];
	[bflag:$0x3] =	sbarrier.arrive $0xFFFF;
	s2 =	simm.s32 @!p0 $0x1C01  }
0x23b: {  	[timem:s3], [sflag:s2] =	dma.local @!p0 [hbm:s0], s1  }
0x23c: {  	s0 =	simm.s32 @!p0 $0x1  }
0x23d: {  	_ =	swait.ge @!p0 [sflag:s0], s1  }
0x23e: {  	s1 =	ssub.s32 @!p0 $0x0, s1;
	[sflag:s0] =	ssyncset.done @!p0 $0x0  }
0x23f: {  	[sflag:s0] =	ssyncadd.s32 @!p0 s1  }
0x240: {  	[bflag:$0x3] =	sbarrier.arrive $0xFFFF  }
0x241: {  	_ =	shalt  }

</sc_bundles>
